<compile_context>
chip_gen: v7x
topology: tpu7x:2x2x1
jax: 0.10.2.dev20260603
libtpu: 0.0.44.dev20260713+nightly
codegen_flags: <defaults>
</compile_context>

<pallas_src>
import functools

import jax
import jax.numpy as jnp
from jax import lax
from jax.experimental import pallas as pl
from jax.experimental.pallas import tpu as pltpu
from jax.experimental.pallas import tpu_sc as plsc

L = 16
NIN = 8
NOUT = 2
NSP = 4
R = 4


@functools.cache
def _build(batch, z_dim):
    info = plsc.get_sparse_core_info()
    NC, NS = info.num_cores, info.num_subcores
    NW = NC * NS
    rows_per_w = batch // NW
    nblocks = rows_per_w // R
    nchunks = z_dim // L

    mesh = plsc.VectorSubcoreMesh(core_axis_name="c", subcore_axis_name="s")

    @functools.partial(
        pl.kernel,
        mesh=mesh,
        compiler_params=pltpu.CompilerParams(
            needs_layout_passes=False,
            use_tc_tiling_on_sc=True,
        ),
        out_type=jax.ShapeDtypeStruct((batch, z_dim), jnp.float32),
        scratch_types=[
            pltpu.VMEM((z_dim,), jnp.int32),
            *[pltpu.VMEM((R, z_dim), jnp.float32) for _ in range(NIN + NOUT)],
            pltpu.VMEM_SHARED((NS, NSP, R, z_dim), jnp.float32),
            *[pltpu.SemaphoreType.DMA for _ in range(NIN + NOUT + NSP)],
        ],
    )
    def k(z_hbm, perm_hbm, out_hbm, perm_v, *bufs):
        ins = bufs[:NIN]
        outs = bufs[NIN : NIN + NOUT]
        sp = bufs[NIN + NOUT]
        isems = bufs[NIN + NOUT + 1 : 2 * NIN + NOUT + 1]
        xsems = bufs[2 * NIN + NOUT + 1 : 2 * NIN + 2 * NOUT + 1]
        wsems = bufs[2 * NIN + 2 * NOUT + 1 :]
        sid = lax.axis_index("s")
        wid = sid * NC + lax.axis_index("c")
        base = wid * rows_per_w

        pltpu.sync_copy(perm_hbm, perm_v)

        def start_in(b, q):
            pltpu.async_copy(z_hbm.at[pl.ds(base + b * R, R)], ins[q], isems[q])

        def wait_in(b, q):
            pltpu.make_async_copy(
                z_hbm.at[pl.ds(base + b * R, R)], ins[q], isems[q]
            ).wait()

        def start_xbar(qo, qs):
            pltpu.async_copy(outs[qo], sp.at[sid, qs], xsems[qo])

        def wait_xbar(qo, qs):
            pltpu.make_async_copy(outs[qo], sp.at[sid, qs], xsems[qo]).wait()

        def start_hbm(b, qs):
            pltpu.async_copy(
                sp.at[sid, qs], out_hbm.at[pl.ds(base + b * R, R)], wsems[qs]
            )

        def wait_hbm(b, qs):
            pltpu.make_async_copy(
                sp.at[sid, qs], out_hbm.at[pl.ds(base + b * R, R)], wsems[qs]
            ).wait()

        def compute(qi, qo):
            in_v, out_v = ins[qi], outs[qo]

            @plsc.parallel_loop(0, nchunks, unroll=8)
            def chunk(c):
                idx = perm_v[pl.ds(c * L, L)]
                for r in range(R):
                    row = jnp.full((L,), r, jnp.int32)
                    out_v[r, pl.ds(c * L, L)] = plsc.load_gather(in_v, [row, idx])

        for q in range(NIN):
            start_in(q, q)

        @pl.loop(0, nblocks, step=NIN)
        def body(g):
            for q in range(NIN):
                b = g + q
                qi = q
                qo = q % NOUT
                qs = q % NSP
                wait_in(b, qi)
                compute(qi, qo)

                @pl.when(b >= NSP)
                def _():
                    wait_hbm(b - NSP, qs)

                start_xbar(qo, qs)

                @pl.when(b >= 1)
                def _():
                    wait_xbar((q - 1) % NOUT, (q - 1) % NSP)
                    start_hbm(b - 1, (q - 1) % NSP)

                @pl.when(b + NIN < nblocks)
                def _():
                    start_in(b + NIN, qi)

        last = nblocks - 1
        wait_xbar(last % NOUT, last % NSP)
        start_hbm(last, last % NSP)
        for d in range(NSP):
            wait_hbm(nblocks - NSP + d, (nblocks - NSP + d) % NSP)

    return k


def kernel(z, perm):
    batch, z_dim = z.shape
    k = _build(batch, z_dim)
    return k(z, perm.astype(jnp.int32))

# --- scband reference (transcript-rebuilt; emitter-appended) ---
"""Pipeline reference for scband-perm-layer-14053132992829 (READ-ONLY COPY).

The authoritative reference and input builder live on the scoring server;
editing this copy changes nothing except your own understanding.
"""

import jax, jax.numpy as jnp
import numpy as np

Z_DIM = 2048
BATCH = 16384

def setup_inputs(seed: int = 0) -> dict:
    key = jax.random.key(seed)
    k_z, k_p = jax.random.split(key)
    z = jax.random.normal(k_z, (BATCH, Z_DIM), dtype=jnp.float32)
    perm = jax.random.permutation(k_p, Z_DIM).astype(jnp.int64)
    return {"z": z, "perm": perm}

def reference(z, perm):
    # PermLayer.forward: zout = z[:, self.perm]
    zout = jnp.take(z, perm, axis=1)
    return zout

if __name__ == "__main__":
    import jax
    _d = setup_inputs()
    print(jax.jit(kernel)(*tuple(_d.values())))

</pallas_src>

<mosaic_0001>
#map = affine_map<(d0, d1) -> (0, 0)>
#map1 = affine_map<(d0, d1) -> (0)>
module attributes {stable_mosaic.version = 14 : i64} {
  func.func @k(%arg0: i32, %arg1: i32, %arg2: memref<16384x2048xf32, #tpu.memory_space<hbm>>, %arg3: memref<2048xi32, #tpu.memory_space<hbm>>, %arg4: memref<16384x2048xf32, #tpu.memory_space<hbm>>, %arg5: memref<2048xi32, #tpu.memory_space<vmem>>, %arg6: memref<4x2048xf32, #tpu.memory_space<vmem>>, %arg7: memref<4x2048xf32, #tpu.memory_space<vmem>>, %arg8: memref<4x2048xf32, #tpu.memory_space<vmem>>, %arg9: memref<4x2048xf32, #tpu.memory_space<vmem>>, %arg10: memref<4x2048xf32, #tpu.memory_space<vmem>>, %arg11: memref<4x2048xf32, #tpu.memory_space<vmem>>, %arg12: memref<4x2048xf32, #tpu.memory_space<vmem>>, %arg13: memref<4x2048xf32, #tpu.memory_space<vmem>>, %arg14: memref<4x2048xf32, #tpu.memory_space<vmem>>, %arg15: memref<4x2048xf32, #tpu.memory_space<vmem>>, %arg16: memref<16x4x4x2048xf32, #tpu.memory_space<vmem_shared>>, %arg17: memref<!tpu.dma_semaphore, #tpu.memory_space<semaphore_mem>>, %arg18: memref<!tpu.dma_semaphore, #tpu.memory_space<semaphore_mem>>, %arg19: memref<!tpu.dma_semaphore, #tpu.memory_space<semaphore_mem>>, %arg20: memref<!tpu.dma_semaphore, #tpu.memory_space<semaphore_mem>>, %arg21: memref<!tpu.dma_semaphore, #tpu.memory_space<semaphore_mem>>, %arg22: memref<!tpu.dma_semaphore, #tpu.memory_space<semaphore_mem>>, %arg23: memref<!tpu.dma_semaphore, #tpu.memory_space<semaphore_mem>>, %arg24: memref<!tpu.dma_semaphore, #tpu.memory_space<semaphore_mem>>, %arg25: memref<!tpu.dma_semaphore, #tpu.memory_space<semaphore_mem>>, %arg26: memref<!tpu.dma_semaphore, #tpu.memory_space<semaphore_mem>>, %arg27: memref<!tpu.dma_semaphore, #tpu.memory_space<semaphore_mem>>, %arg28: memref<!tpu.dma_semaphore, #tpu.memory_space<semaphore_mem>>, %arg29: memref<!tpu.dma_semaphore, #tpu.memory_space<semaphore_mem>>, %arg30: memref<!tpu.dma_semaphore, #tpu.memory_space<semaphore_mem>>) attributes {dimension_semantics = [#tpu.dimension_semantics<core_parallel>, #tpu.dimension_semantics<subcore_parallel>], iteration_bounds = array<i64: 2, 16>, scalar_prefetch = 0 : i64, scratch_operands = 26 : i64, tpu.core_type = #tpu.core_type<sc_vector_subcore>, window_params = [{transform_indices = #map}, {transform_indices = #map1}, {transform_indices = #map}]} {
    %mul3A = arith.constant 2 : i32
    %mul3A_0 = arith.muli %arg1, %mul3A : i32
    %add3A = arith.addi %mul3A_0, %arg0 : i32
    %mul3A_1 = arith.constant 512 : i32
    %mul3A_2 = arith.muli %add3A, %mul3A_1 : i32
    "tpu.region"() ({
      %run_scoped3A = tpu.sem_alloc : memref<!tpu.dma_semaphore, #tpu.memory_space<semaphore_mem>>
      tpu.enqueue_dma source(%arg3 : memref<2048xi32, #tpu.memory_space<hbm>>) target(%arg5 : memref<2048xi32, #tpu.memory_space<vmem>>) target_semaphore(%run_scoped3A : memref<!tpu.dma_semaphore, #tpu.memory_space<semaphore_mem>>)
      tpu.wait_dma2 semaphore(%run_scoped3A : memref<!tpu.dma_semaphore, #tpu.memory_space<semaphore_mem>>) src(%arg3 : memref<2048xi32, #tpu.memory_space<hbm>>) dst(%arg5 : memref<2048xi32, #tpu.memory_space<vmem>>)
      tpu.yield
    }) : () -> ()
    %add3A_3 = arith.constant 0 : i32
    %add3A_4 = arith.addi %mul3A_2, %add3A_3 : i32
    %dma_start3A = arith.constant 0 : i32
    %dma_start3A_5 = tpu.memref_slice %arg2[%add3A_4, %dma_start3A] : memref<16384x2048xf32, #tpu.memory_space<hbm>> -> memref<4x2048xf32, #tpu.memory_space<hbm>>
    %dma_start3A_6 = arith.constant 0 : i32
    %dma_start3A_7 = tpu.memref_slice %arg2[%add3A_4, %dma_start3A_6] : memref<16384x2048xf32, #tpu.memory_space<hbm>> -> memref<4x2048xf32, #tpu.memory_space<hbm>>
    tpu.enqueue_dma source(%dma_start3A_7 : memref<4x2048xf32, #tpu.memory_space<hbm>>) target(%arg6 : memref<4x2048xf32, #tpu.memory_space<vmem>>) target_semaphore(%arg17 : memref<!tpu.dma_semaphore, #tpu.memory_space<semaphore_mem>>)
    %add3A_8 = arith.constant 4 : i32
    %add3A_9 = arith.addi %mul3A_2, %add3A_8 : i32
    %dma_start3A_10 = arith.constant 0 : i32
    %dma_start3A_11 = tpu.memref_slice %arg2[%add3A_9, %dma_start3A_10] : memref<16384x2048xf32, #tpu.memory_space<hbm>> -> memref<4x2048xf32, #tpu.memory_space<hbm>>
    %dma_start3A_12 = arith.constant 0 : i32
    %dma_start3A_13 = tpu.memref_slice %arg2[%add3A_9, %dma_start3A_12] : memref<16384x2048xf32, #tpu.memory_space<hbm>> -> memref<4x2048xf32, #tpu.memory_space<hbm>>
    tpu.enqueue_dma source(%dma_start3A_13 : memref<4x2048xf32, #tpu.memory_space<hbm>>) target(%arg7 : memref<4x2048xf32, #tpu.memory_space<vmem>>) target_semaphore(%arg18 : memref<!tpu.dma_semaphore, #tpu.memory_space<semaphore_mem>>)
    %add3A_14 = arith.constant 8 : i32
    %add3A_15 = arith.addi %mul3A_2, %add3A_14 : i32
    %dma_start3A_16 = arith.constant 0 : i32
    %dma_start3A_17 = tpu.memref_slice %arg2[%add3A_15, %dma_start3A_16] : memref<16384x2048xf32, #tpu.memory_space<hbm>> -> memref<4x2048xf32, #tpu.memory_space<hbm>>
    %dma_start3A_18 = arith.constant 0 : i32
    %dma_start3A_19 = tpu.memref_slice %arg2[%add3A_15, %dma_start3A_18] : memref<16384x2048xf32, #tpu.memory_space<hbm>> -> memref<4x2048xf32, #tpu.memory_space<hbm>>
    tpu.enqueue_dma source(%dma_start3A_19 : memref<4x2048xf32, #tpu.memory_space<hbm>>) target(%arg8 : memref<4x2048xf32, #tpu.memory_space<vmem>>) target_semaphore(%arg19 : memref<!tpu.dma_semaphore, #tpu.memory_space<semaphore_mem>>)
    %add3A_20 = arith.constant 12 : i32
    %add3A_21 = arith.addi %mul3A_2, %add3A_20 : i32
    %dma_start3A_22 = arith.constant 0 : i32
    %dma_start3A_23 = tpu.memref_slice %arg2[%add3A_21, %dma_start3A_22] : memref<16384x2048xf32, #tpu.memory_space<hbm>> -> memref<4x2048xf32, #tpu.memory_space<hbm>>
    %dma_start3A_24 = arith.constant 0 : i32
    %dma_start3A_25 = tpu.memref_slice %arg2[%add3A_21, %dma_start3A_24] : memref<16384x2048xf32, #tpu.memory_space<hbm>> -> memref<4x2048xf32, #tpu.memory_space<hbm>>
    tpu.enqueue_dma source(%dma_start3A_25 : memref<4x2048xf32, #tpu.memory_space<hbm>>) target(%arg9 : memref<4x2048xf32, #tpu.memory_space<vmem>>) target_semaphore(%arg20 : memref<!tpu.dma_semaphore, #tpu.memory_space<semaphore_mem>>)
    %add3A_26 = arith.constant 16 : i32
    %add3A_27 = arith.addi %mul3A_2, %add3A_26 : i32
    %dma_start3A_28 = arith.constant 0 : i32
    %dma_start3A_29 = tpu.memref_slice %arg2[%add3A_27, %dma_start3A_28] : memref<16384x2048xf32, #tpu.memory_space<hbm>> -> memref<4x2048xf32, #tpu.memory_space<hbm>>
    %dma_start3A_30 = arith.constant 0 : i32
    %dma_start3A_31 = tpu.memref_slice %arg2[%add3A_27, %dma_start3A_30] : memref<16384x2048xf32, #tpu.memory_space<hbm>> -> memref<4x2048xf32, #tpu.memory_space<hbm>>
    tpu.enqueue_dma source(%dma_start3A_31 : memref<4x2048xf32, #tpu.memory_space<hbm>>) target(%arg10 : memref<4x2048xf32, #tpu.memory_space<vmem>>) target_semaphore(%arg21 : memref<!tpu.dma_semaphore, #tpu.memory_space<semaphore_mem>>)
    %add3A_32 = arith.constant 20 : i32
    %add3A_33 = arith.addi %mul3A_2, %add3A_32 : i32
    %dma_start3A_34 = arith.constant 0 : i32
    %dma_start3A_35 = tpu.memref_slice %arg2[%add3A_33, %dma_start3A_34] : memref<16384x2048xf32, #tpu.memory_space<hbm>> -> memref<4x2048xf32, #tpu.memory_space<hbm>>
    %dma_start3A_36 = arith.constant 0 : i32
    %dma_start3A_37 = tpu.memref_slice %arg2[%add3A_33, %dma_start3A_36] : memref<16384x2048xf32, #tpu.memory_space<hbm>> -> memref<4x2048xf32, #tpu.memory_space<hbm>>
    tpu.enqueue_dma source(%dma_start3A_37 : memref<4x2048xf32, #tpu.memory_space<hbm>>) target(%arg11 : memref<4x2048xf32, #tpu.memory_space<vmem>>) target_semaphore(%arg22 : memref<!tpu.dma_semaphore, #tpu.memory_space<semaphore_mem>>)
    %add3A_38 = arith.constant 24 : i32
    %add3A_39 = arith.addi %mul3A_2, %add3A_38 : i32
    %dma_start3A_40 = arith.constant 0 : i32
    %dma_start3A_41 = tpu.memref_slice %arg2[%add3A_39, %dma_start3A_40] : memref<16384x2048xf32, #tpu.memory_space<hbm>> -> memref<4x2048xf32, #tpu.memory_space<hbm>>
    %dma_start3A_42 = arith.constant 0 : i32
    %dma_start3A_43 = tpu.memref_slice %arg2[%add3A_39, %dma_start3A_42] : memref<16384x2048xf32, #tpu.memory_space<hbm>> -> memref<4x2048xf32, #tpu.memory_space<hbm>>
    tpu.enqueue_dma source(%dma_start3A_43 : memref<4x2048xf32, #tpu.memory_space<hbm>>) target(%arg12 : memref<4x2048xf32, #tpu.memory_space<vmem>>) target_semaphore(%arg23 : memref<!tpu.dma_semaphore, #tpu.memory_space<semaphore_mem>>)
    %add3A_44 = arith.constant 28 : i32
    %add3A_45 = arith.addi %mul3A_2, %add3A_44 : i32
    %dma_start3A_46 = arith.constant 0 : i32
    %dma_start3A_47 = tpu.memref_slice %arg2[%add3A_45, %dma_start3A_46] : memref<16384x2048xf32, #tpu.memory_space<hbm>> -> memref<4x2048xf32, #tpu.memory_space<hbm>>
    %dma_start3A_48 = arith.constant 0 : i32
    %dma_start3A_49 = tpu.memref_slice %arg2[%add3A_45, %dma_start3A_48] : memref<16384x2048xf32, #tpu.memory_space<hbm>> -> memref<4x2048xf32, #tpu.memory_space<hbm>>
    tpu.enqueue_dma source(%dma_start3A_49 : memref<4x2048xf32, #tpu.memory_space<hbm>>) target(%arg13 : memref<4x2048xf32, #tpu.memory_space<vmem>>) target_semaphore(%arg24 : memref<!tpu.dma_semaphore, #tpu.memory_space<semaphore_mem>>)
    %scan3A = arith.constant 0 : i32
    %scan3A_50 = arith.constant 16 : i32
    %scan3A_51 = arith.addi %scan3A, %scan3A_50 : i32
    %scan3A_52 = arith.constant 1 : i32
    scf.for %scan3A_107 = %scan3A to %scan3A_51 step %scan3A_52  : i32 {
      %mul3A_108 = arith.constant 8 : i32
      %mul3A_109 = arith.muli %scan3A_107, %mul3A_108 : i32
      %add3A_110 = arith.constant 0 : i32
      %add3A_111 = arith.addi %add3A_110, %mul3A_109 : i32
      %add3A_112 = arith.constant 0 : i32
      %add3A_113 = arith.addi %add3A_111, %add3A_112 : i32
      %mul3A_114 = arith.constant 4 : i32
      %mul3A_115 = arith.muli %add3A_113, %mul3A_114 : i32
      %add3A_116 = arith.addi %mul3A_2, %mul3A_115 : i32
      %dma_wait3A_117 = arith.constant 0 : i32
      %dma_wait3A_118 = tpu.memref_slice %arg2[%add3A_116, %dma_wait3A_117] : memref<16384x2048xf32, #tpu.memory_space<hbm>> -> memref<4x2048xf32, #tpu.memory_space<hbm>>
      %dma_wait3A_119 = arith.constant 0 : i32
      %dma_wait3A_120 = tpu.memref_slice %arg2[%add3A_116, %dma_wait3A_119] : memref<16384x2048xf32, #tpu.memory_space<hbm>> -> memref<4x2048xf32, #tpu.memory_space<hbm>>
      tpu.wait_dma2 semaphore(%arg17 : memref<!tpu.dma_semaphore, #tpu.memory_space<semaphore_mem>>) src(%dma_wait3A_120 : memref<4x2048xf32, #tpu.memory_space<hbm>>) dst(%arg6 : memref<4x2048xf32, #tpu.memory_space<vmem>>)
      %parallel_loop3A = arith.constant 0 : i32
      %parallel_loop3A_121 = arith.constant 128 : i32
      %parallel_loop3A_122 = arith.constant 1 : i32
      scf.for %parallel_loop3A_411 = %parallel_loop3A to %parallel_loop3A_121 step %parallel_loop3A_122  : i32 {
        %parallel_loop3A_412 = arith.constant 16 : i32
        %parallel_loop3A_413 = arith.muli %parallel_loop3A_411, %parallel_loop3A_412 : i32
        %parallel_loop3A_414 = arith.index_cast %parallel_loop3A_413 : i32 to index
        %parallel_loop3A_415 = tpu.vector_load %arg5[%parallel_loop3A_414] {strides = array<i32>} : memref<2048xi32, #tpu.memory_space<vmem>>, vector<16xi32>,
        %parallel_loop3A_416 = arith.constant 0 : i32
        %parallel_loop3A_417 = vector.broadcast %parallel_loop3A_416 : i32 to vector<16xi32>
        %parallel_loop3A_418 = tpu.vector_load_idx %arg6[%parallel_loop3A_417, %parallel_loop3A_415] : memref<4x2048xf32, #tpu.memory_space<vmem>>[vector<16xi32>, vector<16xi32>], vector<16xf32>,
        %parallel_loop3A_419 = arith.constant 16 : i32
        %parallel_loop3A_420 = arith.muli %parallel_loop3A_411, %parallel_loop3A_419 : i32
        %parallel_loop3A_421 = arith.constant 0 : i32
        %parallel_loop3A_422 = arith.index_cast %parallel_loop3A_421 : i32 to index
        %parallel_loop3A_423 = arith.index_cast %parallel_loop3A_420 : i32 to index
        %parallel_loop3A_424 = tpu.vector_load %arg14[%parallel_loop3A_422, %parallel_loop3A_423] {strides = array<i32>} : memref<4x2048xf32, #tpu.memory_space<vmem>>, vector<16xf32>,
        tpu.vector_store %arg14[%parallel_loop3A_422, %parallel_loop3A_423], %parallel_loop3A_418 {strides = array<i32>} : memref<4x2048xf32, #tpu.memory_space<vmem>>, vector<16xf32>,
        %parallel_loop3A_425 = arith.constant 1 : i32
        %parallel_loop3A_426 = vector.broadcast %parallel_loop3A_425 : i32 to vector<16xi32>
        %parallel_loop3A_427 = tpu.vector_load_idx %arg6[%parallel_loop3A_426, %parallel_loop3A_415] : memref<4x2048xf32, #tpu.memory_space<vmem>>[vector<16xi32>, vector<16xi32>], vector<16xf32>,
        %parallel_loop3A_428 = arith.constant 16 : i32
        %parallel_loop3A_429 = arith.muli %parallel_loop3A_411, %parallel_loop3A_428 : i32
        %parallel_loop3A_430 = arith.constant 1 : i32
        %parallel_loop3A_431 = arith.index_cast %parallel_loop3A_430 : i32 to index
        %parallel_loop3A_432 = arith.index_cast %parallel_loop3A_429 : i32 to index
        %parallel_loop3A_433 = tpu.vector_load %arg14[%parallel_loop3A_431, %parallel_loop3A_432] {strides = array<i32>} : memref<4x2048xf32, #tpu.memory_space<vmem>>, vector<16xf32>,
        tpu.vector_store %arg14[%parallel_loop3A_431, %parallel_loop3A_432], %parallel_loop3A_427 {strides = array<i32>} : memref<4x2048xf32, #tpu.memory_space<vmem>>, vector<16xf32>,
        %parallel_loop3A_434 = arith.constant 2 : i32
        %parallel_loop3A_435 = vector.broadcast %parallel_loop3A_434 : i32 to vector<16xi32>
        %parallel_loop3A_436 = tpu.vector_load_idx %arg6[%parallel_loop3A_435, %parallel_loop3A_415] : memref<4x2048xf32, #tpu.memory_space<vmem>>[vector<16xi32>, vector<16xi32>], vector<16xf32>,
        %parallel_loop3A_437 = arith.constant 16 : i32
        %parallel_loop3A_438 = arith.muli %parallel_loop3A_411, %parallel_loop3A_437 : i32
        %parallel_loop3A_439 = arith.constant 2 : i32
        %parallel_loop3A_440 = arith.index_cast %parallel_loop3A_439 : i32 to index
        %parallel_loop3A_441 = arith.index_cast %parallel_loop3A_438 : i32 to index
        %parallel_loop3A_442 = tpu.vector_load %arg14[%parallel_loop3A_440, %parallel_loop3A_441] {strides = array<i32>} : memref<4x2048xf32, #tpu.memory_space<vmem>>, vector<16xf32>,
        tpu.vector_store %arg14[%parallel_loop3A_440, %parallel_loop3A_441], %parallel_loop3A_436 {strides = array<i32>} : memref<4x2048xf32, #tpu.memory_space<vmem>>, vector<16xf32>,
        %parallel_loop3A_443 = arith.constant 3 : i32
        %parallel_loop3A_444 = vector.broadcast %parallel_loop3A_443 : i32 to vector<16xi32>
        %parallel_loop3A_445 = tpu.vector_load_idx %arg6[%parallel_loop3A_444, %parallel_loop3A_415] : memref<4x2048xf32, #tpu.memory_space<vmem>>[vector<16xi32>, vector<16xi32>], vector<16xf32>,
        %parallel_loop3A_446 = arith.constant 16 : i32
        %parallel_loop3A_447 = arith.muli %parallel_loop3A_411, %parallel_loop3A_446 : i32
        %parallel_loop3A_448 = arith.constant 3 : i32
        %parallel_loop3A_449 = arith.index_cast %parallel_loop3A_448 : i32 to index
        %parallel_loop3A_450 = arith.index_cast %parallel_loop3A_447 : i32 to index
        %parallel_loop3A_451 = tpu.vector_load %arg14[%parallel_loop3A_449, %parallel_loop3A_450] {strides = array<i32>} : memref<4x2048xf32, #tpu.memory_space<vmem>>, vector<16xf32>,
        tpu.vector_store %arg14[%parallel_loop3A_449, %parallel_loop3A_450], %parallel_loop3A_445 {strides = array<i32>} : memref<4x2048xf32, #tpu.memory_space<vmem>>, vector<16xf32>,
      } {sc.loop_unroll_factor = 8 : i64, sc.parallel_access}
      %ge3A = arith.constant 4 : i32
      %ge3A_123 = arith.cmpi sge, %add3A_113, %ge3A : i32
      %convert_element_type3A = arith.extui %ge3A_123 : i1 to i32
      %cond3A = arith.constant 0 : i32
      %cond3A_124 = arith.cmpi ne, %convert_element_type3A, %cond3A : i32
      scf.if %cond3A_124 {
        %sub3A = arith.constant 4 : i32
        %sub3A_411 = arith.subi %add3A_113, %sub3A : i32
        %mul3A_412 = arith.constant 4 : i32
        %mul3A_413 = arith.muli %sub3A_411, %mul3A_412 : i32
        %add3A_414 = arith.addi %mul3A_2, %mul3A_413 : i32
        %dma_wait3A_415 = arith.constant 0 : i32
        %dma_wait3A_416 = arith.constant 0 : i32
        %dma_wait3A_417 = tpu.memref_slice %arg4[%add3A_414, %dma_wait3A_416] : memref<16384x2048xf32, #tpu.memory_space<hbm>> -> memref<4x2048xf32, #tpu.memory_space<hbm>>
        %dma_wait3A_418 = arith.constant 0 : i32
        %dma_wait3A_419 = arith.constant 0 : i32
        %dma_wait3A_420 = tpu.memref_slice %arg16[%arg1, %dma_wait3A_415, %dma_wait3A_418, %dma_wait3A_419] : memref<16x4x4x2048xf32, #tpu.memory_space<vmem_shared>> -> memref<1x1x4x2048xf32, #tpu.memory_space<vmem_shared>>
        %dma_wait3A_421 = tpu.memref_squeeze %dma_wait3A_420 : memref<1x1x4x2048xf32, #tpu.memory_space<vmem_shared>> -> memref<4x2048xf32, #tpu.memory_space<vmem_shared>>
        tpu.wait_dma2 semaphore(%arg27 : memref<!tpu.dma_semaphore, #tpu.memory_space<semaphore_mem>>) src(%dma_wait3A_421 : memref<4x2048xf32, #tpu.memory_space<vmem_shared>>) dst(%dma_wait3A_417 : memref<4x2048xf32, #tpu.memory_space<hbm>>)
      } else {
      }
      %dma_start3A_125 = arith.constant 0 : i32
      %dma_start3A_126 = arith.constant 0 : i32
      %dma_start3A_127 = arith.constant 0 : i32
      %dma_start3A_128 = tpu.memref_slice %arg16[%arg1, %dma_start3A_125, %dma_start3A_126, %dma_start3A_127] : memref<16x4x4x2048xf32, #tpu.memory_space<vmem_shared>> -> memref<1x1x4x2048xf32, #tpu.memory_space<vmem_shared>>
      %dma_start3A_129 = tpu.memref_squeeze %dma_start3A_128 : memref<1x1x4x2048xf32, #tpu.memory_space<vmem_shared>> -> memref<4x2048xf32, #tpu.memory_space<vmem_shared>>
      %dma_start3A_130 = arith.constant 0 : i32
      %dma_start3A_131 = arith.constant 0 : i32
      %dma_start3A_132 = tpu.memref_slice %arg16[%arg1, %dma_start3A_125, %dma_start3A_130, %dma_start3A_131] : memref<16x4x4x2048xf32, #tpu.memory_space<vmem_shared>> -> memref<1x1x4x2048xf32, #tpu.memory_space<vmem_shared>>
      %dma_start3A_133 = tpu.memref_squeeze %dma_start3A_132 : memref<1x1x4x2048xf32, #tpu.memory_space<vmem_shared>> -> memref<4x2048xf32, #tpu.memory_space<vmem_shared>>
      tpu.enqueue_dma source(%arg14 : memref<4x2048xf32, #tpu.memory_space<vmem>>) target(%dma_start3A_133 : memref<4x2048xf32, #tpu.memory_space<vmem_shared>>) target_semaphore(%arg25 : memref<!tpu.dma_semaphore, #tpu.memory_space<semaphore_mem>>)
      %ge3A_134 = arith.constant 1 : i32
      %ge3A_135 = arith.cmpi sge, %add3A_113, %ge3A_134 : i32
      %convert_element_type3A_136 = arith.extui %ge3A_135 : i1 to i32
      %cond3A_137 = arith.constant 0 : i32
      %cond3A_138 = arith.cmpi ne, %convert_element_type3A_136, %cond3A_137 : i32
      scf.if %cond3A_138 {
        %dma_wait3A_411 = arith.constant 3 : i32
        %dma_wait3A_412 = arith.constant 0 : i32
        %dma_wait3A_413 = arith.constant 0 : i32
        %dma_wait3A_414 = tpu.memref_slice %arg16[%arg1, %dma_wait3A_411, %dma_wait3A_412, %dma_wait3A_413] : memref<16x4x4x2048xf32, #tpu.memory_space<vmem_shared>> -> memref<1x1x4x2048xf32, #tpu.memory_space<vmem_shared>>
        %dma_wait3A_415 = tpu.memref_squeeze %dma_wait3A_414 : memref<1x1x4x2048xf32, #tpu.memory_space<vmem_shared>> -> memref<4x2048xf32, #tpu.memory_space<vmem_shared>>
        %dma_wait3A_416 = arith.constant 0 : i32
        %dma_wait3A_417 = arith.constant 0 : i32
        %dma_wait3A_418 = tpu.memref_slice %arg16[%arg1, %dma_wait3A_411, %dma_wait3A_416, %dma_wait3A_417] : memref<16x4x4x2048xf32, #tpu.memory_space<vmem_shared>> -> memref<1x1x4x2048xf32, #tpu.memory_space<vmem_shared>>
        %dma_wait3A_419 = tpu.memref_squeeze %dma_wait3A_418 : memref<1x1x4x2048xf32, #tpu.memory_space<vmem_shared>> -> memref<4x2048xf32, #tpu.memory_space<vmem_shared>>
        tpu.wait_dma2 semaphore(%arg26 : memref<!tpu.dma_semaphore, #tpu.memory_space<semaphore_mem>>) src(%arg15 : memref<4x2048xf32, #tpu.memory_space<vmem>>) dst(%dma_wait3A_419 : memref<4x2048xf32, #tpu.memory_space<vmem_shared>>)
        %sub3A = arith.constant 1 : i32
        %sub3A_420 = arith.subi %add3A_113, %sub3A : i32
        %mul3A_421 = arith.constant 4 : i32
        %mul3A_422 = arith.muli %sub3A_420, %mul3A_421 : i32
        %add3A_423 = arith.addi %mul3A_2, %mul3A_422 : i32
        %dma_start3A_424 = arith.constant 3 : i32
        %dma_start3A_425 = arith.constant 0 : i32
        %dma_start3A_426 = tpu.memref_slice %arg4[%add3A_423, %dma_start3A_425] : memref<16384x2048xf32, #tpu.memory_space<hbm>> -> memref<4x2048xf32, #tpu.memory_space<hbm>>
        %dma_start3A_427 = arith.constant 0 : i32
        %dma_start3A_428 = arith.constant 0 : i32
        %dma_start3A_429 = tpu.memref_slice %arg16[%arg1, %dma_start3A_424, %dma_start3A_427, %dma_start3A_428] : memref<16x4x4x2048xf32, #tpu.memory_space<vmem_shared>> -> memref<1x1x4x2048xf32, #tpu.memory_space<vmem_shared>>
        %dma_start3A_430 = tpu.memref_squeeze %dma_start3A_429 : memref<1x1x4x2048xf32, #tpu.memory_space<vmem_shared>> -> memref<4x2048xf32, #tpu.memory_space<vmem_shared>>
        tpu.enqueue_dma source(%dma_start3A_430 : memref<4x2048xf32, #tpu.memory_space<vmem_shared>>) target(%dma_start3A_426 : memref<4x2048xf32, #tpu.memory_space<hbm>>) target_semaphore(%arg30 : memref<!tpu.dma_semaphore, #tpu.memory_space<semaphore_mem>>)
      } else {
      }
      %add3A_139 = arith.constant 8 : i32
      %add3A_140 = arith.addi %add3A_113, %add3A_139 : i32
      %lt3A = arith.constant 128 : i32
      %lt3A_141 = arith.cmpi slt, %add3A_140, %lt3A : i32
      %convert_element_type3A_142 = arith.extui %lt3A_141 : i1 to i32
      %cond3A_143 = arith.constant 0 : i32
      %cond3A_144 = arith.cmpi ne, %convert_element_type3A_142, %cond3A_143 : i32
      scf.if %cond3A_144 {
        %add3A_411 = arith.constant 8 : i32
        %add3A_412 = arith.addi %add3A_113, %add3A_411 : i32
        %mul3A_413 = arith.constant 4 : i32
        %mul3A_414 = arith.muli %add3A_412, %mul3A_413 : i32
        %add3A_415 = arith.addi %mul3A_2, %mul3A_414 : i32
        %dma_start3A_416 = arith.constant 0 : i32
        %dma_start3A_417 = tpu.memref_slice %arg2[%add3A_415, %dma_start3A_416] : memref<16384x2048xf32, #tpu.memory_space<hbm>> -> memref<4x2048xf32, #tpu.memory_space<hbm>>
        %dma_start3A_418 = arith.constant 0 : i32
        %dma_start3A_419 = tpu.memref_slice %arg2[%add3A_415, %dma_start3A_418] : memref<16384x2048xf32, #tpu.memory_space<hbm>> -> memref<4x2048xf32, #tpu.memory_space<hbm>>
        tpu.enqueue_dma source(%dma_start3A_419 : memref<4x2048xf32, #tpu.memory_space<hbm>>) target(%arg6 : memref<4x2048xf32, #tpu.memory_space<vmem>>) target_semaphore(%arg17 : memref<!tpu.dma_semaphore, #tpu.memory_space<semaphore_mem>>)
      } else {
      }
      %add3A_145 = arith.constant 1 : i32
      %add3A_146 = arith.addi %add3A_111, %add3A_145 : i32
      %mul3A_147 = arith.constant 4 : i32
      %mul3A_148 = arith.muli %add3A_146, %mul3A_147 : i32
      %add3A_149 = arith.addi %mul3A_2, %mul3A_148 : i32
      %dma_wait3A_150 = arith.constant 0 : i32
      %dma_wait3A_151 = tpu.memref_slice %arg2[%add3A_149, %dma_wait3A_150] : memref<16384x2048xf32, #tpu.memory_space<hbm>> -> memref<4x2048xf32, #tpu.memory_space<hbm>>
      %dma_wait3A_152 = arith.constant 0 : i32
      %dma_wait3A_153 = tpu.memref_slice %arg2[%add3A_149, %dma_wait3A_152] : memref<16384x2048xf32, #tpu.memory_space<hbm>> -> memref<4x2048xf32, #tpu.memory_space<hbm>>
      tpu.wait_dma2 semaphore(%arg18 : memref<!tpu.dma_semaphore, #tpu.memory_space<semaphore_mem>>) src(%dma_wait3A_153 : memref<4x2048xf32, #tpu.memory_space<hbm>>) dst(%arg7 : memref<4x2048xf32, #tpu.memory_space<vmem>>)
      %parallel_loop3A_154 = arith.constant 0 : i32
      %parallel_loop3A_155 = arith.constant 128 : i32
      %parallel_loop3A_156 = arith.constant 1 : i32
      scf.for %parallel_loop3A_411 = %parallel_loop3A_154 to %parallel_loop3A_155 step %parallel_loop3A_156  : i32 {
        %parallel_loop3A_412 = arith.constant 16 : i32
        %parallel_loop3A_413 = arith.muli %parallel_loop3A_411, %parallel_loop3A_412 : i32
        %parallel_loop3A_414 = arith.index_cast %parallel_loop3A_413 : i32 to index
        %parallel_loop3A_415 = tpu.vector_load %arg5[%parallel_loop3A_414] {strides = array<i32>} : memref<2048xi32, #tpu.memory_space<vmem>>, vector<16xi32>,
        %parallel_loop3A_416 = arith.constant 0 : i32
        %parallel_loop3A_417 = vector.broadcast %parallel_loop3A_416 : i32 to vector<16xi32>
        %parallel_loop3A_418 = tpu.vector_load_idx %arg7[%parallel_loop3A_417, %parallel_loop3A_415] : memref<4x2048xf32, #tpu.memory_space<vmem>>[vector<16xi32>, vector<16xi32>], vector<16xf32>,
        %parallel_loop3A_419 = arith.constant 16 : i32
        %parallel_loop3A_420 = arith.muli %parallel_loop3A_411, %parallel_loop3A_419 : i32
        %parallel_loop3A_421 = arith.constant 0 : i32
        %parallel_loop3A_422 = arith.index_cast %parallel_loop3A_421 : i32 to index
        %parallel_loop3A_423 = arith.index_cast %parallel_loop3A_420 : i32 to index
        %parallel_loop3A_424 = tpu.vector_load %arg15[%parallel_loop3A_422, %parallel_loop3A_423] {strides = array<i32>} : memref<4x2048xf32, #tpu.memory_space<vmem>>, vector<16xf32>,
        tpu.vector_store %arg15[%parallel_loop3A_422, %parallel_loop3A_423], %parallel_loop3A_418 {strides = array<i32>} : memref<4x2048xf32, #tpu.memory_space<vmem>>, vector<16xf32>,
        %parallel_loop3A_425 = arith.constant 1 : i32
        %parallel_loop3A_426 = vector.broadcast %parallel_loop3A_425 : i32 to vector<16xi32>
        %parallel_loop3A_427 = tpu.vector_load_idx %arg7[%parallel_loop3A_426, %parallel_loop3A_415] : memref<4x2048xf32, #tpu.memory_space<vmem>>[vector<16xi32>, vector<16xi32>], vector<16xf32>,
        %parallel_loop3A_428 = arith.constant 16 : i32
        %parallel_loop3A_429 = arith.muli %parallel_loop3A_411, %parallel_loop3A_428 : i32
        %parallel_loop3A_430 = arith.constant 1 : i32
        %parallel_loop3A_431 = arith.index_cast %parallel_loop3A_430 : i32 to index
        %parallel_loop3A_432 = arith.index_cast %parallel_loop3A_429 : i32 to index
        %parallel_loop3A_433 = tpu.vector_load %arg15[%parallel_loop3A_431, %parallel_loop3A_432] {strides = array<i32>} : memref<4x2048xf32, #tpu.memory_space<vmem>>, vector<16xf32>,
        tpu.vector_store %arg15[%parallel_loop3A_431, %parallel_loop3A_432], %parallel_loop3A_427 {strides = array<i32>} : memref<4x2048xf32, #tpu.memory_space<vmem>>, vector<16xf32>,
        %parallel_loop3A_434 = arith.constant 2 : i32
        %parallel_loop3A_435 = vector.broadcast %parallel_loop3A_434 : i32 to vector<16xi32>
        %parallel_loop3A_436 = tpu.vector_load_idx %arg7[%parallel_loop3A_435, %parallel_loop3A_415] : memref<4x2048xf32, #tpu.memory_space<vmem>>[vector<16xi32>, vector<16xi32>], vector<16xf32>,
        %parallel_loop3A_437 = arith.constant 16 : i32
        %parallel_loop3A_438 = arith.muli %parallel_loop3A_411, %parallel_loop3A_437 : i32
        %parallel_loop3A_439 = arith.constant 2 : i32
        %parallel_loop3A_440 = arith.index_cast %parallel_loop3A_439 : i32 to index
        %parallel_loop3A_441 = arith.index_cast %parallel_loop3A_438 : i32 to index
        %parallel_loop3A_442 = tpu.vector_load %arg15[%parallel_loop3A_440, %parallel_loop3A_441] {strides = array<i32>} : memref<4x2048xf32, #tpu.memory_space<vmem>>, vector<16xf32>,
        tpu.vector_store %arg15[%parallel_loop3A_440, %parallel_loop3A_441], %parallel_loop3A_436 {strides = array<i32>} : memref<4x2048xf32, #tpu.memory_space<vmem>>, vector<16xf32>,
        %parallel_loop3A_443 = arith.constant 3 : i32
        %parallel_loop3A_444 = vector.broadcast %parallel_loop3A_443 : i32 to vector<16xi32>
        %parallel_loop3A_445 = tpu.vector_load_idx %arg7[%parallel_loop3A_444, %parallel_loop3A_415] : memref<4x2048xf32, #tpu.memory_space<vmem>>[vector<16xi32>, vector<16xi32>], vector<16xf32>,
        %parallel_loop3A_446 = arith.constant 16 : i32
        %parallel_loop3A_447 = arith.muli %parallel_loop3A_411, %parallel_loop3A_446 : i32
        %parallel_loop3A_448 = arith.constant 3 : i32
        %parallel_loop3A_449 = arith.index_cast %parallel_loop3A_448 : i32 to index
        %parallel_loop3A_450 = arith.index_cast %parallel_loop3A_447 : i32 to index
        %parallel_loop3A_451 = tpu.vector_load %arg15[%parallel_loop3A_449, %parallel_loop3A_450] {strides = array<i32>} : memref<4x2048xf32, #tpu.memory_space<vmem>>, vector<16xf32>,
        tpu.vector_store %arg15[%parallel_loop3A_449, %parallel_loop3A_450], %parallel_loop3A_445 {strides = array<i32>} : memref<4x2048xf32, #tpu.memory_space<vmem>>, vector<16xf32>,
      } {sc.loop_unroll_factor = 8 : i64, sc.parallel_access}
      %ge3A_157 = arith.constant 4 : i32
      %ge3A_158 = arith.cmpi sge, %add3A_146, %ge3A_157 : i32
      %convert_element_type3A_159 = arith.extui %ge3A_158 : i1 to i32
      %cond3A_160 = arith.constant 0 : i32
      %cond3A_161 = arith.cmpi ne, %convert_element_type3A_159, %cond3A_160 : i32
      scf.if %cond3A_161 {
        %sub3A = arith.constant 4 : i32
        %sub3A_411 = arith.subi %add3A_146, %sub3A : i32
        %mul3A_412 = arith.constant 4 : i32
        %mul3A_413 = arith.muli %sub3A_411, %mul3A_412 : i32
        %add3A_414 = arith.addi %mul3A_2, %mul3A_413 : i32
        %dma_wait3A_415 = arith.constant 1 : i32
        %dma_wait3A_416 = arith.constant 0 : i32
        %dma_wait3A_417 = tpu.memref_slice %arg4[%add3A_414, %dma_wait3A_416] : memref<16384x2048xf32, #tpu.memory_space<hbm>> -> memref<4x2048xf32, #tpu.memory_space<hbm>>
        %dma_wait3A_418 = arith.constant 0 : i32
        %dma_wait3A_419 = arith.constant 0 : i32
        %dma_wait3A_420 = tpu.memref_slice %arg16[%arg1, %dma_wait3A_415, %dma_wait3A_418, %dma_wait3A_419] : memref<16x4x4x2048xf32, #tpu.memory_space<vmem_shared>> -> memref<1x1x4x2048xf32, #tpu.memory_space<vmem_shared>>
        %dma_wait3A_421 = tpu.memref_squeeze %dma_wait3A_420 : memref<1x1x4x2048xf32, #tpu.memory_space<vmem_shared>> -> memref<4x2048xf32, #tpu.memory_space<vmem_shared>>
        tpu.wait_dma2 semaphore(%arg28 : memref<!tpu.dma_semaphore, #tpu.memory_space<semaphore_mem>>) src(%dma_wait3A_421 : memref<4x2048xf32, #tpu.memory_space<vmem_shared>>) dst(%dma_wait3A_417 : memref<4x2048xf32, #tpu.memory_space<hbm>>)
      } else {
      }
      %dma_start3A_162 = arith.constant 1 : i32
      %dma_start3A_163 = arith.constant 0 : i32
      %dma_start3A_164 = arith.constant 0 : i32
      %dma_start3A_165 = tpu.memref_slice %arg16[%arg1, %dma_start3A_162, %dma_start3A_163, %dma_start3A_164] : memref<16x4x4x2048xf32, #tpu.memory_space<vmem_shared>> -> memref<1x1x4x2048xf32, #tpu.memory_space<vmem_shared>>
      %dma_start3A_166 = tpu.memref_squeeze %dma_start3A_165 : memref<1x1x4x2048xf32, #tpu.memory_space<vmem_shared>> -> memref<4x2048xf32, #tpu.memory_space<vmem_shared>>
      %dma_start3A_167 = arith.constant 0 : i32
      %dma_start3A_168 = arith.constant 0 : i32
      %dma_start3A_169 = tpu.memref_slice %arg16[%arg1, %dma_start3A_162, %dma_start3A_167, %dma_start3A_168] : memref<16x4x4x2048xf32, #tpu.memory_space<vmem_shared>> -> memref<1x1x4x2048xf32, #tpu.memory_space<vmem_shared>>
      %dma_start3A_170 = tpu.memref_squeeze %dma_start3A_169 : memref<1x1x4x2048xf32, #tpu.memory_space<vmem_shared>> -> memref<4x2048xf32, #tpu.memory_space<vmem_shared>>
      tpu.enqueue_dma source(%arg15 : memref<4x2048xf32, #tpu.memory_space<vmem>>) target(%dma_start3A_170 : memref<4x2048xf32, #tpu.memory_space<vmem_shared>>) target_semaphore(%arg26 : memref<!tpu.dma_semaphore, #tpu.memory_space<semaphore_mem>>)
      %ge3A_171 = arith.constant 1 : i32
      %ge3A_172 = arith.cmpi sge, %add3A_146, %ge3A_171 : i32
      %convert_element_type3A_173 = arith.extui %ge3A_172 : i1 to i32
      %cond3A_174 = arith.constant 0 : i32
      %cond3A_175 = arith.cmpi ne, %convert_element_type3A_173, %cond3A_174 : i32
      scf.if %cond3A_175 {
        %dma_wait3A_411 = arith.constant 0 : i32
        %dma_wait3A_412 = arith.constant 0 : i32
        %dma_wait3A_413 = arith.constant 0 : i32
        %dma_wait3A_414 = tpu.memref_slice %arg16[%arg1, %dma_wait3A_411, %dma_wait3A_412, %dma_wait3A_413] : memref<16x4x4x2048xf32, #tpu.memory_space<vmem_shared>> -> memref<1x1x4x2048xf32, #tpu.memory_space<vmem_shared>>
        %dma_wait3A_415 = tpu.memref_squeeze %dma_wait3A_414 : memref<1x1x4x2048xf32, #tpu.memory_space<vmem_shared>> -> memref<4x2048xf32, #tpu.memory_space<vmem_shared>>
        %dma_wait3A_416 = arith.constant 0 : i32
        %dma_wait3A_417 = arith.constant 0 : i32
        %dma_wait3A_418 = tpu.memref_slice %arg16[%arg1, %dma_wait3A_411, %dma_wait3A_416, %dma_wait3A_417] : memref<16x4x4x2048xf32, #tpu.memory_space<vmem_shared>> -> memref<1x1x4x2048xf32, #tpu.memory_space<vmem_shared>>
        %dma_wait3A_419 = tpu.memref_squeeze %dma_wait3A_418 : memref<1x1x4x2048xf32, #tpu.memory_space<vmem_shared>> -> memref<4x2048xf32, #tpu.memory_space<vmem_shared>>
        tpu.wait_dma2 semaphore(%arg25 : memref<!tpu.dma_semaphore, #tpu.memory_space<semaphore_mem>>) src(%arg14 : memref<4x2048xf32, #tpu.memory_space<vmem>>) dst(%dma_wait3A_419 : memref<4x2048xf32, #tpu.memory_space<vmem_shared>>)
        %sub3A = arith.constant 1 : i32
        %sub3A_420 = arith.subi %add3A_146, %sub3A : i32
        %mul3A_421 = arith.constant 4 : i32
        %mul3A_422 = arith.muli %sub3A_420, %mul3A_421 : i32
        %add3A_423 = arith.addi %mul3A_2, %mul3A_422 : i32
        %dma_start3A_424 = arith.constant 0 : i32
        %dma_start3A_425 = arith.constant 0 : i32
        %dma_start3A_426 = tpu.memref_slice %arg4[%add3A_423, %dma_start3A_425] : memref<16384x2048xf32, #tpu.memory_space<hbm>> -> memref<4x2048xf32, #tpu.memory_space<hbm>>
        %dma_start3A_427 = arith.constant 0 : i32
        %dma_start3A_428 = arith.constant 0 : i32
        %dma_start3A_429 = tpu.memref_slice %arg16[%arg1, %dma_start3A_424, %dma_start3A_427, %dma_start3A_428] : memref<16x4x4x2048xf32, #tpu.memory_space<vmem_shared>> -> memref<1x1x4x2048xf32, #tpu.memory_space<vmem_shared>>
        %dma_start3A_430 = tpu.memref_squeeze %dma_start3A_429 : memref<1x1x4x2048xf32, #tpu.memory_space<vmem_shared>> -> memref<4x2048xf32, #tpu.memory_space<vmem_shared>>
        tpu.enqueue_dma source(%dma_start3A_430 : memref<4x2048xf32, #tpu.memory_space<vmem_shared>>) target(%dma_start3A_426 : memref<4x2048xf32, #tpu.memory_space<hbm>>) target_semaphore(%arg27 : memref<!tpu.dma_semaphore, #tpu.memory_space<semaphore_mem>>)
      } else {
      }
      %add3A_176 = arith.constant 8 : i32
      %add3A_177 = arith.addi %add3A_146, %add3A_176 : i32
      %lt3A_178 = arith.constant 128 : i32
      %lt3A_179 = arith.cmpi slt, %add3A_177, %lt3A_178 : i32
      %convert_element_type3A_180 = arith.extui %lt3A_179 : i1 to i32
      %cond3A_181 = arith.constant 0 : i32
      %cond3A_182 = arith.cmpi ne, %convert_element_type3A_180, %cond3A_181 : i32
      scf.if %cond3A_182 {
        %add3A_411 = arith.constant 8 : i32
        %add3A_412 = arith.addi %add3A_146, %add3A_411 : i32
        %mul3A_413 = arith.constant 4 : i32
        %mul3A_414 = arith.muli %add3A_412, %mul3A_413 : i32
        %add3A_415 = arith.addi %mul3A_2, %mul3A_414 : i32
        %dma_start3A_416 = arith.constant 0 : i32
        %dma_start3A_417 = tpu.memref_slice %arg2[%add3A_415, %dma_start3A_416] : memref<16384x2048xf32, #tpu.memory_space<hbm>> -> memref<4x2048xf32, #tpu.memory_space<hbm>>
        %dma_start3A_418 = arith.constant 0 : i32
        %dma_start3A_419 = tpu.memref_slice %arg2[%add3A_415, %dma_start3A_418] : memref<16384x2048xf32, #tpu.memory_space<hbm>> -> memref<4x2048xf32, #tpu.memory_space<hbm>>
        tpu.enqueue_dma source(%dma_start3A_419 : memref<4x2048xf32, #tpu.memory_space<hbm>>) target(%arg7 : memref<4x2048xf32, #tpu.memory_space<vmem>>) target_semaphore(%arg18 : memref<!tpu.dma_semaphore, #tpu.memory_space<semaphore_mem>>)
      } else {
      }
      %add3A_183 = arith.constant 2 : i32
      %add3A_184 = arith.addi %add3A_111, %add3A_183 : i32
      %mul3A_185 = arith.constant 4 : i32
      %mul3A_186 = arith.muli %add3A_184, %mul3A_185 : i32
      %add3A_187 = arith.addi %mul3A_2, %mul3A_186 : i32
      %dma_wait3A_188 = arith.constant 0 : i32
      %dma_wait3A_189 = tpu.memref_slice %arg2[%add3A_187, %dma_wait3A_188] : memref<16384x2048xf32, #tpu.memory_space<hbm>> -> memref<4x2048xf32, #tpu.memory_space<hbm>>
      %dma_wait3A_190 = arith.constant 0 : i32
      %dma_wait3A_191 = tpu.memref_slice %arg2[%add3A_187, %dma_wait3A_190] : memref<16384x2048xf32, #tpu.memory_space<hbm>> -> memref<4x2048xf32, #tpu.memory_space<hbm>>
      tpu.wait_dma2 semaphore(%arg19 : memref<!tpu.dma_semaphore, #tpu.memory_space<semaphore_mem>>) src(%dma_wait3A_191 : memref<4x2048xf32, #tpu.memory_space<hbm>>) dst(%arg8 : memref<4x2048xf32, #tpu.memory_space<vmem>>)
      %parallel_loop3A_192 = arith.constant 0 : i32
      %parallel_loop3A_193 = arith.constant 128 : i32
      %parallel_loop3A_194 = arith.constant 1 : i32
      scf.for %parallel_loop3A_411 = %parallel_loop3A_192 to %parallel_loop3A_193 step %parallel_loop3A_194  : i32 {
        %parallel_loop3A_412 = arith.constant 16 : i32
        %parallel_loop3A_413 = arith.muli %parallel_loop3A_411, %parallel_loop3A_412 : i32
        %parallel_loop3A_414 = arith.index_cast %parallel_loop3A_413 : i32 to index
        %parallel_loop3A_415 = tpu.vector_load %arg5[%parallel_loop3A_414] {strides = array<i32>} : memref<2048xi32, #tpu.memory_space<vmem>>, vector<16xi32>,
        %parallel_loop3A_416 = arith.constant 0 : i32
        %parallel_loop3A_417 = vector.broadcast %parallel_loop3A_416 : i32 to vector<16xi32>
        %parallel_loop3A_418 = tpu.vector_load_idx %arg8[%parallel_loop3A_417, %parallel_loop3A_415] : memref<4x2048xf32, #tpu.memory_space<vmem>>[vector<16xi32>, vector<16xi32>], vector<16xf32>,
        %parallel_loop3A_419 = arith.constant 16 : i32
        %parallel_loop3A_420 = arith.muli %parallel_loop3A_411, %parallel_loop3A_419 : i32
        %parallel_loop3A_421 = arith.constant 0 : i32
        %parallel_loop3A_422 = arith.index_cast %parallel_loop3A_421 : i32 to index
        %parallel_loop3A_423 = arith.index_cast %parallel_loop3A_420 : i32 to index
        %parallel_loop3A_424 = tpu.vector_load %arg14[%parallel_loop3A_422, %parallel_loop3A_423] {strides = array<i32>} : memref<4x2048xf32, #tpu.memory_space<vmem>>, vector<16xf32>,
        tpu.vector_store %arg14[%parallel_loop3A_422, %parallel_loop3A_423], %parallel_loop3A_418 {strides = array<i32>} : memref<4x2048xf32, #tpu.memory_space<vmem>>, vector<16xf32>,
        %parallel_loop3A_425 = arith.constant 1 : i32
        %parallel_loop3A_426 = vector.broadcast %parallel_loop3A_425 : i32 to vector<16xi32>
        %parallel_loop3A_427 = tpu.vector_load_idx %arg8[%parallel_loop3A_426, %parallel_loop3A_415] : memref<4x2048xf32, #tpu.memory_space<vmem>>[vector<16xi32>, vector<16xi32>], vector<16xf32>,
        %parallel_loop3A_428 = arith.constant 16 : i32
        %parallel_loop3A_429 = arith.muli %parallel_loop3A_411, %parallel_loop3A_428 : i32
        %parallel_loop3A_430 = arith.constant 1 : i32
        %parallel_loop3A_431 = arith.index_cast %parallel_loop3A_430 : i32 to index
        %parallel_loop3A_432 = arith.index_cast %parallel_loop3A_429 : i32 to index
        %parallel_loop3A_433 = tpu.vector_load %arg14[%parallel_loop3A_431, %parallel_loop3A_432] {strides = array<i32>} : memref<4x2048xf32, #tpu.memory_space<vmem>>, vector<16xf32>,
        tpu.vector_store %arg14[%parallel_loop3A_431, %parallel_loop3A_432], %parallel_loop3A_427 {strides = array<i32>} : memref<4x2048xf32, #tpu.memory_space<vmem>>, vector<16xf32>,
        %parallel_loop3A_434 = arith.constant 2 : i32
        %parallel_loop3A_435 = vector.broadcast %parallel_loop3A_434 : i32 to vector<16xi32>
        %parallel_loop3A_436 = tpu.vector_load_idx %arg8[%parallel_loop3A_435, %parallel_loop3A_415] : memref<4x2048xf32, #tpu.memory_space<vmem>>[vector<16xi32>, vector<16xi32>], vector<16xf32>,
        %parallel_loop3A_437 = arith.constant 16 : i32
        %parallel_loop3A_438 = arith.muli %parallel_loop3A_411, %parallel_loop3A_437 : i32
        %parallel_loop3A_439 = arith.constant 2 : i32
        %parallel_loop3A_440 = arith.index_cast %parallel_loop3A_439 : i32 to index
        %parallel_loop3A_441 = arith.index_cast %parallel_loop3A_438 : i32 to index
        %parallel_loop3A_442 = tpu.vector_load %arg14[%parallel_loop3A_440, %parallel_loop3A_441] {strides = array<i32>} : memref<4x2048xf32, #tpu.memory_space<vmem>>, vector<16xf32>,
        tpu.vector_store %arg14[%parallel_loop3A_440, %parallel_loop3A_441], %parallel_loop3A_436 {strides = array<i32>} : memref<4x2048xf32, #tpu.memory_space<vmem>>, vector<16xf32>,
        %parallel_loop3A_443 = arith.constant 3 : i32
        %parallel_loop3A_444 = vector.broadcast %parallel_loop3A_443 : i32 to vector<16xi32>
        %parallel_loop3A_445 = tpu.vector_load_idx %arg8[%parallel_loop3A_444, %parallel_loop3A_415] : memref<4x2048xf32, #tpu.memory_space<vmem>>[vector<16xi32>, vector<16xi32>], vector<16xf32>,
        %parallel_loop3A_446 = arith.constant 16 : i32
        %parallel_loop3A_447 = arith.muli %parallel_loop3A_411, %parallel_loop3A_446 : i32
        %parallel_loop3A_448 = arith.constant 3 : i32
        %parallel_loop3A_449 = arith.index_cast %parallel_loop3A_448 : i32 to index
        %parallel_loop3A_450 = arith.index_cast %parallel_loop3A_447 : i32 to index
        %parallel_loop3A_451 = tpu.vector_load %arg14[%parallel_loop3A_449, %parallel_loop3A_450] {strides = array<i32>} : memref<4x2048xf32, #tpu.memory_space<vmem>>, vector<16xf32>,
        tpu.vector_store %arg14[%parallel_loop3A_449, %parallel_loop3A_450], %parallel_loop3A_445 {strides = array<i32>} : memref<4x2048xf32, #tpu.memory_space<vmem>>, vector<16xf32>,
      } {sc.loop_unroll_factor = 8 : i64, sc.parallel_access}
      %ge3A_195 = arith.constant 4 : i32
      %ge3A_196 = arith.cmpi sge, %add3A_184, %ge3A_195 : i32
      %convert_element_type3A_197 = arith.extui %ge3A_196 : i1 to i32
      %cond3A_198 = arith.constant 0 : i32
      %cond3A_199 = arith.cmpi ne, %convert_element_type3A_197, %cond3A_198 : i32
      scf.if %cond3A_199 {
        %sub3A = arith.constant 4 : i32
        %sub3A_411 = arith.subi %add3A_184, %sub3A : i32
        %mul3A_412 = arith.constant 4 : i32
        %mul3A_413 = arith.muli %sub3A_411, %mul3A_412 : i32
        %add3A_414 = arith.addi %mul3A_2, %mul3A_413 : i32
        %dma_wait3A_415 = arith.constant 2 : i32
        %dma_wait3A_416 = arith.constant 0 : i32
        %dma_wait3A_417 = tpu.memref_slice %arg4[%add3A_414, %dma_wait3A_416] : memref<16384x2048xf32, #tpu.memory_space<hbm>> -> memref<4x2048xf32, #tpu.memory_space<hbm>>
        %dma_wait3A_418 = arith.constant 0 : i32
        %dma_wait3A_419 = arith.constant 0 : i32
        %dma_wait3A_420 = tpu.memref_slice %arg16[%arg1, %dma_wait3A_415, %dma_wait3A_418, %dma_wait3A_419] : memref<16x4x4x2048xf32, #tpu.memory_space<vmem_shared>> -> memref<1x1x4x2048xf32, #tpu.memory_space<vmem_shared>>
        %dma_wait3A_421 = tpu.memref_squeeze %dma_wait3A_420 : memref<1x1x4x2048xf32, #tpu.memory_space<vmem_shared>> -> memref<4x2048xf32, #tpu.memory_space<vmem_shared>>
        tpu.wait_dma2 semaphore(%arg29 : memref<!tpu.dma_semaphore, #tpu.memory_space<semaphore_mem>>) src(%dma_wait3A_421 : memref<4x2048xf32, #tpu.memory_space<vmem_shared>>) dst(%dma_wait3A_417 : memref<4x2048xf32, #tpu.memory_space<hbm>>)
      } else {
      }
      %dma_start3A_200 = arith.constant 2 : i32
      %dma_start3A_201 = arith.constant 0 : i32
      %dma_start3A_202 = arith.constant 0 : i32
      %dma_start3A_203 = tpu.memref_slice %arg16[%arg1, %dma_start3A_200, %dma_start3A_201, %dma_start3A_202] : memref<16x4x4x2048xf32, #tpu.memory_space<vmem_shared>> -> memref<1x1x4x2048xf32, #tpu.memory_space<vmem_shared>>
      %dma_start3A_204 = tpu.memref_squeeze %dma_start3A_203 : memref<1x1x4x2048xf32, #tpu.memory_space<vmem_shared>> -> memref<4x2048xf32, #tpu.memory_space<vmem_shared>>
      %dma_start3A_205 = arith.constant 0 : i32
      %dma_start3A_206 = arith.constant 0 : i32
      %dma_start3A_207 = tpu.memref_slice %arg16[%arg1, %dma_start3A_200, %dma_start3A_205, %dma_start3A_206] : memref<16x4x4x2048xf32, #tpu.memory_space<vmem_shared>> -> memref<1x1x4x2048xf32, #tpu.memory_space<vmem_shared>>
      %dma_start3A_208 = tpu.memref_squeeze %dma_start3A_207 : memref<1x1x4x2048xf32, #tpu.memory_space<vmem_shared>> -> memref<4x2048xf32, #tpu.memory_space<vmem_shared>>
      tpu.enqueue_dma source(%arg14 : memref<4x2048xf32, #tpu.memory_space<vmem>>) target(%dma_start3A_208 : memref<4x2048xf32, #tpu.memory_space<vmem_shared>>) target_semaphore(%arg25 : memref<!tpu.dma_semaphore, #tpu.memory_space<semaphore_mem>>)
      %ge3A_209 = arith.constant 1 : i32
      %ge3A_210 = arith.cmpi sge, %add3A_184, %ge3A_209 : i32
      %convert_element_type3A_211 = arith.extui %ge3A_210 : i1 to i32
      %cond3A_212 = arith.constant 0 : i32
      %cond3A_213 = arith.cmpi ne, %convert_element_type3A_211, %cond3A_212 : i32
      scf.if %cond3A_213 {
        %dma_wait3A_411 = arith.constant 1 : i32
        %dma_wait3A_412 = arith.constant 0 : i32
        %dma_wait3A_413 = arith.constant 0 : i32
        %dma_wait3A_414 = tpu.memref_slice %arg16[%arg1, %dma_wait3A_411, %dma_wait3A_412, %dma_wait3A_413] : memref<16x4x4x2048xf32, #tpu.memory_space<vmem_shared>> -> memref<1x1x4x2048xf32, #tpu.memory_space<vmem_shared>>
        %dma_wait3A_415 = tpu.memref_squeeze %dma_wait3A_414 : memref<1x1x4x2048xf32, #tpu.memory_space<vmem_shared>> -> memref<4x2048xf32, #tpu.memory_space<vmem_shared>>
        %dma_wait3A_416 = arith.constant 0 : i32
        %dma_wait3A_417 = arith.constant 0 : i32
        %dma_wait3A_418 = tpu.memref_slice %arg16[%arg1, %dma_wait3A_411, %dma_wait3A_416, %dma_wait3A_417] : memref<16x4x4x2048xf32, #tpu.memory_space<vmem_shared>> -> memref<1x1x4x2048xf32, #tpu.memory_space<vmem_shared>>
        %dma_wait3A_419 = tpu.memref_squeeze %dma_wait3A_418 : memref<1x1x4x2048xf32, #tpu.memory_space<vmem_shared>> -> memref<4x2048xf32, #tpu.memory_space<vmem_shared>>
        tpu.wait_dma2 semaphore(%arg26 : memref<!tpu.dma_semaphore, #tpu.memory_space<semaphore_mem>>) src(%arg15 : memref<4x2048xf32, #tpu.memory_space<vmem>>) dst(%dma_wait3A_419 : memref<4x2048xf32, #tpu.memory_space<vmem_shared>>)
        %sub3A = arith.constant 1 : i32
        %sub3A_420 = arith.subi %add3A_184, %sub3A : i32
        %mul3A_421 = arith.constant 4 : i32
        %mul3A_422 = arith.muli %sub3A_420, %mul3A_421 : i32
        %add3A_423 = arith.addi %mul3A_2, %mul3A_422 : i32
        %dma_start3A_424 = arith.constant 1 : i32
        %dma_start3A_425 = arith.constant 0 : i32
        %dma_start3A_426 = tpu.memref_slice %arg4[%add3A_423, %dma_start3A_425] : memref<16384x2048xf32, #tpu.memory_space<hbm>> -> memref<4x2048xf32, #tpu.memory_space<hbm>>
        %dma_start3A_427 = arith.constant 0 : i32
        %dma_start3A_428 = arith.constant 0 : i32
        %dma_start3A_429 = tpu.memref_slice %arg16[%arg1, %dma_start3A_424, %dma_start3A_427, %dma_start3A_428] : memref<16x4x4x2048xf32, #tpu.memory_space<vmem_shared>> -> memref<1x1x4x2048xf32, #tpu.memory_space<vmem_shared>>
        %dma_start3A_430 = tpu.memref_squeeze %dma_start3A_429 : memref<1x1x4x2048xf32, #tpu.memory_space<vmem_shared>> -> memref<4x2048xf32, #tpu.memory_space<vmem_shared>>
        tpu.enqueue_dma source(%dma_start3A_430 : memref<4x2048xf32, #tpu.memory_space<vmem_shared>>) target(%dma_start3A_426 : memref<4x2048xf32, #tpu.memory_space<hbm>>) target_semaphore(%arg28 : memref<!tpu.dma_semaphore, #tpu.memory_space<semaphore_mem>>)
      } else {
      }
      %add3A_214 = arith.constant 8 : i32
      %add3A_215 = arith.addi %add3A_184, %add3A_214 : i32
      %lt3A_216 = arith.constant 128 : i32
      %lt3A_217 = arith.cmpi slt, %add3A_215, %lt3A_216 : i32
      %convert_element_type3A_218 = arith.extui %lt3A_217 : i1 to i32
      %cond3A_219 = arith.constant 0 : i32
      %cond3A_220 = arith.cmpi ne, %convert_element_type3A_218, %cond3A_219 : i32
      scf.if %cond3A_220 {
        %add3A_411 = arith.constant 8 : i32
        %add3A_412 = arith.addi %add3A_184, %add3A_411 : i32
        %mul3A_413 = arith.constant 4 : i32
        %mul3A_414 = arith.muli %add3A_412, %mul3A_413 : i32
        %add3A_415 = arith.addi %mul3A_2, %mul3A_414 : i32
        %dma_start3A_416 = arith.constant 0 : i32
        %dma_start3A_417 = tpu.memref_slice %arg2[%add3A_415, %dma_start3A_416] : memref<16384x2048xf32, #tpu.memory_space<hbm>> -> memref<4x2048xf32, #tpu.memory_space<hbm>>
        %dma_start3A_418 = arith.constant 0 : i32
        %dma_start3A_419 = tpu.memref_slice %arg2[%add3A_415, %dma_start3A_418] : memref<16384x2048xf32, #tpu.memory_space<hbm>> -> memref<4x2048xf32, #tpu.memory_space<hbm>>
        tpu.enqueue_dma source(%dma_start3A_419 : memref<4x2048xf32, #tpu.memory_space<hbm>>) target(%arg8 : memref<4x2048xf32, #tpu.memory_space<vmem>>) target_semaphore(%arg19 : memref<!tpu.dma_semaphore, #tpu.memory_space<semaphore_mem>>)
      } else {
      }
      %add3A_221 = arith.constant 3 : i32
      %add3A_222 = arith.addi %add3A_111, %add3A_221 : i32
      %mul3A_223 = arith.constant 4 : i32
      %mul3A_224 = arith.muli %add3A_222, %mul3A_223 : i32
      %add3A_225 = arith.addi %mul3A_2, %mul3A_224 : i32
      %dma_wait3A_226 = arith.constant 0 : i32
      %dma_wait3A_227 = tpu.memref_slice %arg2[%add3A_225, %dma_wait3A_226] : memref<16384x2048xf32, #tpu.memory_space<hbm>> -> memref<4x2048xf32, #tpu.memory_space<hbm>>
      %dma_wait3A_228 = arith.constant 0 : i32
      %dma_wait3A_229 = tpu.memref_slice %arg2[%add3A_225, %dma_wait3A_228] : memref<16384x2048xf32, #tpu.memory_space<hbm>> -> memref<4x2048xf32, #tpu.memory_space<hbm>>
      tpu.wait_dma2 semaphore(%arg20 : memref<!tpu.dma_semaphore, #tpu.memory_space<semaphore_mem>>) src(%dma_wait3A_229 : memref<4x2048xf32, #tpu.memory_space<hbm>>) dst(%arg9 : memref<4x2048xf32, #tpu.memory_space<vmem>>)
      %parallel_loop3A_230 = arith.constant 0 : i32
      %parallel_loop3A_231 = arith.constant 128 : i32
      %parallel_loop3A_232 = arith.constant 1 : i32
      scf.for %parallel_loop3A_411 = %parallel_loop3A_230 to %parallel_loop3A_231 step %parallel_loop3A_232  : i32 {
        %parallel_loop3A_412 = arith.constant 16 : i32
        %parallel_loop3A_413 = arith.muli %parallel_loop3A_411, %parallel_loop3A_412 : i32
        %parallel_loop3A_414 = arith.index_cast %parallel_loop3A_413 : i32 to index
        %parallel_loop3A_415 = tpu.vector_load %arg5[%parallel_loop3A_414] {strides = array<i32>} : memref<2048xi32, #tpu.memory_space<vmem>>, vector<16xi32>,
        %parallel_loop3A_416 = arith.constant 0 : i32
        %parallel_loop3A_417 = vector.broadcast %parallel_loop3A_416 : i32 to vector<16xi32>
        %parallel_loop3A_418 = tpu.vector_load_idx %arg9[%parallel_loop3A_417, %parallel_loop3A_415] : memref<4x2048xf32, #tpu.memory_space<vmem>>[vector<16xi32>, vector<16xi32>], vector<16xf32>,
        %parallel_loop3A_419 = arith.constant 16 : i32
        %parallel_loop3A_420 = arith.muli %parallel_loop3A_411, %parallel_loop3A_419 : i32
        %parallel_loop3A_421 = arith.constant 0 : i32
        %parallel_loop3A_422 = arith.index_cast %parallel_loop3A_421 : i32 to index
        %parallel_loop3A_423 = arith.index_cast %parallel_loop3A_420 : i32 to index
        %parallel_loop3A_424 = tpu.vector_load %arg15[%parallel_loop3A_422, %parallel_loop3A_423] {strides = array<i32>} : memref<4x2048xf32, #tpu.memory_space<vmem>>, vector<16xf32>,
        tpu.vector_store %arg15[%parallel_loop3A_422, %parallel_loop3A_423], %parallel_loop3A_418 {strides = array<i32>} : memref<4x2048xf32, #tpu.memory_space<vmem>>, vector<16xf32>,
        %parallel_loop3A_425 = arith.constant 1 : i32
        %parallel_loop3A_426 = vector.broadcast %parallel_loop3A_425 : i32 to vector<16xi32>
        %parallel_loop3A_427 = tpu.vector_load_idx %arg9[%parallel_loop3A_426, %parallel_loop3A_415] : memref<4x2048xf32, #tpu.memory_space<vmem>>[vector<16xi32>, vector<16xi32>], vector<16xf32>,
        %parallel_loop3A_428 = arith.constant 16 : i32
        %parallel_loop3A_429 = arith.muli %parallel_loop3A_411, %parallel_loop3A_428 : i32
        %parallel_loop3A_430 = arith.constant 1 : i32
        %parallel_loop3A_431 = arith.index_cast %parallel_loop3A_430 : i32 to index
        %parallel_loop3A_432 = arith.index_cast %parallel_loop3A_429 : i32 to index
        %parallel_loop3A_433 = tpu.vector_load %arg15[%parallel_loop3A_431, %parallel_loop3A_432] {strides = array<i32>} : memref<4x2048xf32, #tpu.memory_space<vmem>>, vector<16xf32>,
        tpu.vector_store %arg15[%parallel_loop3A_431, %parallel_loop3A_432], %parallel_loop3A_427 {strides = array<i32>} : memref<4x2048xf32, #tpu.memory_space<vmem>>, vector<16xf32>,
        %parallel_loop3A_434 = arith.constant 2 : i32
        %parallel_loop3A_435 = vector.broadcast %parallel_loop3A_434 : i32 to vector<16xi32>
        %parallel_loop3A_436 = tpu.vector_load_idx %arg9[%parallel_loop3A_435, %parallel_loop3A_415] : memref<4x2048xf32, #tpu.memory_space<vmem>>[vector<16xi32>, vector<16xi32>], vector<16xf32>,
        %parallel_loop3A_437 = arith.constant 16 : i32
        %parallel_loop3A_438 = arith.muli %parallel_loop3A_411, %parallel_loop3A_437 : i32
        %parallel_loop3A_439 = arith.constant 2 : i32
        %parallel_loop3A_440 = arith.index_cast %parallel_loop3A_439 : i32 to index
        %parallel_loop3A_441 = arith.index_cast %parallel_loop3A_438 : i32 to index
        %parallel_loop3A_442 = tpu.vector_load %arg15[%parallel_loop3A_440, %parallel_loop3A_441] {strides = array<i32>} : memref<4x2048xf32, #tpu.memory_space<vmem>>, vector<16xf32>,
        tpu.vector_store %arg15[%parallel_loop3A_440, %parallel_loop3A_441], %parallel_loop3A_436 {strides = array<i32>} : memref<4x2048xf32, #tpu.memory_space<vmem>>, vector<16xf32>,
        %parallel_loop3A_443 = arith.constant 3 : i32
        %parallel_loop3A_444 = vector.broadcast %parallel_loop3A_443 : i32 to vector<16xi32>
        %parallel_loop3A_445 = tpu.vector_load_idx %arg9[%parallel_loop3A_444, %parallel_loop3A_415] : memref<4x2048xf32, #tpu.memory_space<vmem>>[vector<16xi32>, vector<16xi32>], vector<16xf32>,
        %parallel_loop3A_446 = arith.constant 16 : i32
        %parallel_loop3A_447 = arith.muli %parallel_loop3A_411, %parallel_loop3A_446 : i32
        %parallel_loop3A_448 = arith.constant 3 : i32
        %parallel_loop3A_449 = arith.index_cast %parallel_loop3A_448 : i32 to index
        %parallel_loop3A_450 = arith.index_cast %parallel_loop3A_447 : i32 to index
        %parallel_loop3A_451 = tpu.vector_load %arg15[%parallel_loop3A_449, %parallel_loop3A_450] {strides = array<i32>} : memref<4x2048xf32, #tpu.memory_space<vmem>>, vector<16xf32>,
        tpu.vector_store %arg15[%parallel_loop3A_449, %parallel_loop3A_450], %parallel_loop3A_445 {strides = array<i32>} : memref<4x2048xf32, #tpu.memory_space<vmem>>, vector<16xf32>,
      } {sc.loop_unroll_factor = 8 : i64, sc.parallel_access}
      %ge3A_233 = arith.constant 4 : i32
      %ge3A_234 = arith.cmpi sge, %add3A_222, %ge3A_233 : i32
      %convert_element_type3A_235 = arith.extui %ge3A_234 : i1 to i32
      %cond3A_236 = arith.constant 0 : i32
      %cond3A_237 = arith.cmpi ne, %convert_element_type3A_235, %cond3A_236 : i32
      scf.if %cond3A_237 {
        %sub3A = arith.constant 4 : i32
        %sub3A_411 = arith.subi %add3A_222, %sub3A : i32
        %mul3A_412 = arith.constant 4 : i32
        %mul3A_413 = arith.muli %sub3A_411, %mul3A_412 : i32
        %add3A_414 = arith.addi %mul3A_2, %mul3A_413 : i32
        %dma_wait3A_415 = arith.constant 3 : i32
        %dma_wait3A_416 = arith.constant 0 : i32
        %dma_wait3A_417 = tpu.memref_slice %arg4[%add3A_414, %dma_wait3A_416] : memref<16384x2048xf32, #tpu.memory_space<hbm>> -> memref<4x2048xf32, #tpu.memory_space<hbm>>
        %dma_wait3A_418 = arith.constant 0 : i32
        %dma_wait3A_419 = arith.constant 0 : i32
        %dma_wait3A_420 = tpu.memref_slice %arg16[%arg1, %dma_wait3A_415, %dma_wait3A_418, %dma_wait3A_419] : memref<16x4x4x2048xf32, #tpu.memory_space<vmem_shared>> -> memref<1x1x4x2048xf32, #tpu.memory_space<vmem_shared>>
        %dma_wait3A_421 = tpu.memref_squeeze %dma_wait3A_420 : memref<1x1x4x2048xf32, #tpu.memory_space<vmem_shared>> -> memref<4x2048xf32, #tpu.memory_space<vmem_shared>>
        tpu.wait_dma2 semaphore(%arg30 : memref<!tpu.dma_semaphore, #tpu.memory_space<semaphore_mem>>) src(%dma_wait3A_421 : memref<4x2048xf32, #tpu.memory_space<vmem_shared>>) dst(%dma_wait3A_417 : memref<4x2048xf32, #tpu.memory_space<hbm>>)
      } else {
      }
      %dma_start3A_238 = arith.constant 3 : i32
      %dma_start3A_239 = arith.constant 0 : i32
      %dma_start3A_240 = arith.constant 0 : i32
      %dma_start3A_241 = tpu.memref_slice %arg16[%arg1, %dma_start3A_238, %dma_start3A_239, %dma_start3A_240] : memref<16x4x4x2048xf32, #tpu.memory_space<vmem_shared>> -> memref<1x1x4x2048xf32, #tpu.memory_space<vmem_shared>>
      %dma_start3A_242 = tpu.memref_squeeze %dma_start3A_241 : memref<1x1x4x2048xf32, #tpu.memory_space<vmem_shared>> -> memref<4x2048xf32, #tpu.memory_space<vmem_shared>>
      %dma_start3A_243 = arith.constant 0 : i32
      %dma_start3A_244 = arith.constant 0 : i32
      %dma_start3A_245 = tpu.memref_slice %arg16[%arg1, %dma_start3A_238, %dma_start3A_243, %dma_start3A_244] : memref<16x4x4x2048xf32, #tpu.memory_space<vmem_shared>> -> memref<1x1x4x2048xf32, #tpu.memory_space<vmem_shared>>
      %dma_start3A_246 = tpu.memref_squeeze %dma_start3A_245 : memref<1x1x4x2048xf32, #tpu.memory_space<vmem_shared>> -> memref<4x2048xf32, #tpu.memory_space<vmem_shared>>
      tpu.enqueue_dma source(%arg15 : memref<4x2048xf32, #tpu.memory_space<vmem>>) target(%dma_start3A_246 : memref<4x2048xf32, #tpu.memory_space<vmem_shared>>) target_semaphore(%arg26 : memref<!tpu.dma_semaphore, #tpu.memory_space<semaphore_mem>>)
      %ge3A_247 = arith.constant 1 : i32
      %ge3A_248 = arith.cmpi sge, %add3A_222, %ge3A_247 : i32
      %convert_element_type3A_249 = arith.extui %ge3A_248 : i1 to i32
      %cond3A_250 = arith.constant 0 : i32
      %cond3A_251 = arith.cmpi ne, %convert_element_type3A_249, %cond3A_250 : i32
      scf.if %cond3A_251 {
        %dma_wait3A_411 = arith.constant 2 : i32
        %dma_wait3A_412 = arith.constant 0 : i32
        %dma_wait3A_413 = arith.constant 0 : i32
        %dma_wait3A_414 = tpu.memref_slice %arg16[%arg1, %dma_wait3A_411, %dma_wait3A_412, %dma_wait3A_413] : memref<16x4x4x2048xf32, #tpu.memory_space<vmem_shared>> -> memref<1x1x4x2048xf32, #tpu.memory_space<vmem_shared>>
        %dma_wait3A_415 = tpu.memref_squeeze %dma_wait3A_414 : memref<1x1x4x2048xf32, #tpu.memory_space<vmem_shared>> -> memref<4x2048xf32, #tpu.memory_space<vmem_shared>>
        %dma_wait3A_416 = arith.constant 0 : i32
        %dma_wait3A_417 = arith.constant 0 : i32
        %dma_wait3A_418 = tpu.memref_slice %arg16[%arg1, %dma_wait3A_411, %dma_wait3A_416, %dma_wait3A_417] : memref<16x4x4x2048xf32, #tpu.memory_space<vmem_shared>> -> memref<1x1x4x2048xf32, #tpu.memory_space<vmem_shared>>
        %dma_wait3A_419 = tpu.memref_squeeze %dma_wait3A_418 : memref<1x1x4x2048xf32, #tpu.memory_space<vmem_shared>> -> memref<4x2048xf32, #tpu.memory_space<vmem_shared>>
        tpu.wait_dma2 semaphore(%arg25 : memref<!tpu.dma_semaphore, #tpu.memory_space<semaphore_mem>>) src(%arg14 : memref<4x2048xf32, #tpu.memory_space<vmem>>) dst(%dma_wait3A_419 : memref<4x2048xf32, #tpu.memory_space<vmem_shared>>)
        %sub3A = arith.constant 1 : i32
        %sub3A_420 = arith.subi %add3A_222, %sub3A : i32
        %mul3A_421 = arith.constant 4 : i32
        %mul3A_422 = arith.muli %sub3A_420, %mul3A_421 : i32
        %add3A_423 = arith.addi %mul3A_2, %mul3A_422 : i32
        %dma_start3A_424 = arith.constant 2 : i32
        %dma_start3A_425 = arith.constant 0 : i32
        %dma_start3A_426 = tpu.memref_slice %arg4[%add3A_423, %dma_start3A_425] : memref<16384x2048xf32, #tpu.memory_space<hbm>> -> memref<4x2048xf32, #tpu.memory_space<hbm>>
        %dma_start3A_427 = arith.constant 0 : i32
        %dma_start3A_428 = arith.constant 0 : i32
        %dma_start3A_429 = tpu.memref_slice %arg16[%arg1, %dma_start3A_424, %dma_start3A_427, %dma_start3A_428] : memref<16x4x4x2048xf32, #tpu.memory_space<vmem_shared>> -> memref<1x1x4x2048xf32, #tpu.memory_space<vmem_shared>>
        %dma_start3A_430 = tpu.memref_squeeze %dma_start3A_429 : memref<1x1x4x2048xf32, #tpu.memory_space<vmem_shared>> -> memref<4x2048xf32, #tpu.memory_space<vmem_shared>>
        tpu.enqueue_dma source(%dma_start3A_430 : memref<4x2048xf32, #tpu.memory_space<vmem_shared>>) target(%dma_start3A_426 : memref<4x2048xf32, #tpu.memory_space<hbm>>) target_semaphore(%arg29 : memref<!tpu.dma_semaphore, #tpu.memory_space<semaphore_mem>>)
      } else {
      }
      %add3A_252 = arith.constant 8 : i32
      %add3A_253 = arith.addi %add3A_222, %add3A_252 : i32
      %lt3A_254 = arith.constant 128 : i32
      %lt3A_255 = arith.cmpi slt, %add3A_253, %lt3A_254 : i32
      %convert_element_type3A_256 = arith.extui %lt3A_255 : i1 to i32
      %cond3A_257 = arith.constant 0 : i32
      %cond3A_258 = arith.cmpi ne, %convert_element_type3A_256, %cond3A_257 : i32
      scf.if %cond3A_258 {
        %add3A_411 = arith.constant 8 : i32
        %add3A_412 = arith.addi %add3A_222, %add3A_411 : i32
        %mul3A_413 = arith.constant 4 : i32
        %mul3A_414 = arith.muli %add3A_412, %mul3A_413 : i32
        %add3A_415 = arith.addi %mul3A_2, %mul3A_414 : i32
        %dma_start3A_416 = arith.constant 0 : i32
        %dma_start3A_417 = tpu.memref_slice %arg2[%add3A_415, %dma_start3A_416] : memref<16384x2048xf32, #tpu.memory_space<hbm>> -> memref<4x2048xf32, #tpu.memory_space<hbm>>
        %dma_start3A_418 = arith.constant 0 : i32
        %dma_start3A_419 = tpu.memref_slice %arg2[%add3A_415, %dma_start3A_418] : memref<16384x2048xf32, #tpu.memory_space<hbm>> -> memref<4x2048xf32, #tpu.memory_space<hbm>>
        tpu.enqueue_dma source(%dma_start3A_419 : memref<4x2048xf32, #tpu.memory_space<hbm>>) target(%arg9 : memref<4x2048xf32, #tpu.memory_space<vmem>>) target_semaphore(%arg20 : memref<!tpu.dma_semaphore, #tpu.memory_space<semaphore_mem>>)
      } else {
      }
      %add3A_259 = arith.constant 4 : i32
      %add3A_260 = arith.addi %add3A_111, %add3A_259 : i32
      %mul3A_261 = arith.constant 4 : i32
      %mul3A_262 = arith.muli %add3A_260, %mul3A_261 : i32
      %add3A_263 = arith.addi %mul3A_2, %mul3A_262 : i32
      %dma_wait3A_264 = arith.constant 0 : i32
      %dma_wait3A_265 = tpu.memref_slice %arg2[%add3A_263, %dma_wait3A_264] : memref<16384x2048xf32, #tpu.memory_space<hbm>> -> memref<4x2048xf32, #tpu.memory_space<hbm>>
      %dma_wait3A_266 = arith.constant 0 : i32
      %dma_wait3A_267 = tpu.memref_slice %arg2[%add3A_263, %dma_wait3A_266] : memref<16384x2048xf32, #tpu.memory_space<hbm>> -> memref<4x2048xf32, #tpu.memory_space<hbm>>
      tpu.wait_dma2 semaphore(%arg21 : memref<!tpu.dma_semaphore, #tpu.memory_space<semaphore_mem>>) src(%dma_wait3A_267 : memref<4x2048xf32, #tpu.memory_space<hbm>>) dst(%arg10 : memref<4x2048xf32, #tpu.memory_space<vmem>>)
      %parallel_loop3A_268 = arith.constant 0 : i32
      %parallel_loop3A_269 = arith.constant 128 : i32
      %parallel_loop3A_270 = arith.constant 1 : i32
      scf.for %parallel_loop3A_411 = %parallel_loop3A_268 to %parallel_loop3A_269 step %parallel_loop3A_270  : i32 {
        %parallel_loop3A_412 = arith.constant 16 : i32
        %parallel_loop3A_413 = arith.muli %parallel_loop3A_411, %parallel_loop3A_412 : i32
        %parallel_loop3A_414 = arith.index_cast %parallel_loop3A_413 : i32 to index
        %parallel_loop3A_415 = tpu.vector_load %arg5[%parallel_loop3A_414] {strides = array<i32>} : memref<2048xi32, #tpu.memory_space<vmem>>, vector<16xi32>,
        %parallel_loop3A_416 = arith.constant 0 : i32
        %parallel_loop3A_417 = vector.broadcast %parallel_loop3A_416 : i32 to vector<16xi32>
        %parallel_loop3A_418 = tpu.vector_load_idx %arg10[%parallel_loop3A_417, %parallel_loop3A_415] : memref<4x2048xf32, #tpu.memory_space<vmem>>[vector<16xi32>, vector<16xi32>], vector<16xf32>,
        %parallel_loop3A_419 = arith.constant 16 : i32
        %parallel_loop3A_420 = arith.muli %parallel_loop3A_411, %parallel_loop3A_419 : i32
        %parallel_loop3A_421 = arith.constant 0 : i32
        %parallel_loop3A_422 = arith.index_cast %parallel_loop3A_421 : i32 to index
        %parallel_loop3A_423 = arith.index_cast %parallel_loop3A_420 : i32 to index
        %parallel_loop3A_424 = tpu.vector_load %arg14[%parallel_loop3A_422, %parallel_loop3A_423] {strides = array<i32>} : memref<4x2048xf32, #tpu.memory_space<vmem>>, vector<16xf32>,
        tpu.vector_store %arg14[%parallel_loop3A_422, %parallel_loop3A_423], %parallel_loop3A_418 {strides = array<i32>} : memref<4x2048xf32, #tpu.memory_space<vmem>>, vector<16xf32>,
        %parallel_loop3A_425 = arith.constant 1 : i32
        %parallel_loop3A_426 = vector.broadcast %parallel_loop3A_425 : i32 to vector<16xi32>
        %parallel_loop3A_427 = tpu.vector_load_idx %arg10[%parallel_loop3A_426, %parallel_loop3A_415] : memref<4x2048xf32, #tpu.memory_space<vmem>>[vector<16xi32>, vector<16xi32>], vector<16xf32>,
        %parallel_loop3A_428 = arith.constant 16 : i32
        %parallel_loop3A_429 = arith.muli %parallel_loop3A_411, %parallel_loop3A_428 : i32
        %parallel_loop3A_430 = arith.constant 1 : i32
        %parallel_loop3A_431 = arith.index_cast %parallel_loop3A_430 : i32 to index
        %parallel_loop3A_432 = arith.index_cast %parallel_loop3A_429 : i32 to index
        %parallel_loop3A_433 = tpu.vector_load %arg14[%parallel_loop3A_431, %parallel_loop3A_432] {strides = array<i32>} : memref<4x2048xf32, #tpu.memory_space<vmem>>, vector<16xf32>,
        tpu.vector_store %arg14[%parallel_loop3A_431, %parallel_loop3A_432], %parallel_loop3A_427 {strides = array<i32>} : memref<4x2048xf32, #tpu.memory_space<vmem>>, vector<16xf32>,
        %parallel_loop3A_434 = arith.constant 2 : i32
        %parallel_loop3A_435 = vector.broadcast %parallel_loop3A_434 : i32 to vector<16xi32>
        %parallel_loop3A_436 = tpu.vector_load_idx %arg10[%parallel_loop3A_435, %parallel_loop3A_415] : memref<4x2048xf32, #tpu.memory_space<vmem>>[vector<16xi32>, vector<16xi32>], vector<16xf32>,
        %parallel_loop3A_437 = arith.constant 16 : i32
        %parallel_loop3A_438 = arith.muli %parallel_loop3A_411, %parallel_loop3A_437 : i32
        %parallel_loop3A_439 = arith.constant 2 : i32
        %parallel_loop3A_440 = arith.index_cast %parallel_loop3A_439 : i32 to index
        %parallel_loop3A_441 = arith.index_cast %parallel_loop3A_438 : i32 to index
        %parallel_loop3A_442 = tpu.vector_load %arg14[%parallel_loop3A_440, %parallel_loop3A_441] {strides = array<i32>} : memref<4x2048xf32, #tpu.memory_space<vmem>>, vector<16xf32>,
        tpu.vector_store %arg14[%parallel_loop3A_440, %parallel_loop3A_441], %parallel_loop3A_436 {strides = array<i32>} : memref<4x2048xf32, #tpu.memory_space<vmem>>, vector<16xf32>,
        %parallel_loop3A_443 = arith.constant 3 : i32
        %parallel_loop3A_444 = vector.broadcast %parallel_loop3A_443 : i32 to vector<16xi32>
        %parallel_loop3A_445 = tpu.vector_load_idx %arg10[%parallel_loop3A_444, %parallel_loop3A_415] : memref<4x2048xf32, #tpu.memory_space<vmem>>[vector<16xi32>, vector<16xi32>], vector<16xf32>,
        %parallel_loop3A_446 = arith.constant 16 : i32
        %parallel_loop3A_447 = arith.muli %parallel_loop3A_411, %parallel_loop3A_446 : i32
        %parallel_loop3A_448 = arith.constant 3 : i32
        %parallel_loop3A_449 = arith.index_cast %parallel_loop3A_448 : i32 to index
        %parallel_loop3A_450 = arith.index_cast %parallel_loop3A_447 : i32 to index
        %parallel_loop3A_451 = tpu.vector_load %arg14[%parallel_loop3A_449, %parallel_loop3A_450] {strides = array<i32>} : memref<4x2048xf32, #tpu.memory_space<vmem>>, vector<16xf32>,
        tpu.vector_store %arg14[%parallel_loop3A_449, %parallel_loop3A_450], %parallel_loop3A_445 {strides = array<i32>} : memref<4x2048xf32, #tpu.memory_space<vmem>>, vector<16xf32>,
      } {sc.loop_unroll_factor = 8 : i64, sc.parallel_access}
      %ge3A_271 = arith.constant 4 : i32
      %ge3A_272 = arith.cmpi sge, %add3A_260, %ge3A_271 : i32
      %convert_element_type3A_273 = arith.extui %ge3A_272 : i1 to i32
      %cond3A_274 = arith.constant 0 : i32
      %cond3A_275 = arith.cmpi ne, %convert_element_type3A_273, %cond3A_274 : i32
      scf.if %cond3A_275 {
        %sub3A = arith.constant 4 : i32
        %sub3A_411 = arith.subi %add3A_260, %sub3A : i32
        %mul3A_412 = arith.constant 4 : i32
        %mul3A_413 = arith.muli %sub3A_411, %mul3A_412 : i32
        %add3A_414 = arith.addi %mul3A_2, %mul3A_413 : i32
        %dma_wait3A_415 = arith.constant 0 : i32
        %dma_wait3A_416 = arith.constant 0 : i32
        %dma_wait3A_417 = tpu.memref_slice %arg4[%add3A_414, %dma_wait3A_416] : memref<16384x2048xf32, #tpu.memory_space<hbm>> -> memref<4x2048xf32, #tpu.memory_space<hbm>>
        %dma_wait3A_418 = arith.constant 0 : i32
        %dma_wait3A_419 = arith.constant 0 : i32
        %dma_wait3A_420 = tpu.memref_slice %arg16[%arg1, %dma_wait3A_415, %dma_wait3A_418, %dma_wait3A_419] : memref<16x4x4x2048xf32, #tpu.memory_space<vmem_shared>> -> memref<1x1x4x2048xf32, #tpu.memory_space<vmem_shared>>
        %dma_wait3A_421 = tpu.memref_squeeze %dma_wait3A_420 : memref<1x1x4x2048xf32, #tpu.memory_space<vmem_shared>> -> memref<4x2048xf32, #tpu.memory_space<vmem_shared>>
        tpu.wait_dma2 semaphore(%arg27 : memref<!tpu.dma_semaphore, #tpu.memory_space<semaphore_mem>>) src(%dma_wait3A_421 : memref<4x2048xf32, #tpu.memory_space<vmem_shared>>) dst(%dma_wait3A_417 : memref<4x2048xf32, #tpu.memory_space<hbm>>)
      } else {
      }
      %dma_start3A_276 = arith.constant 0 : i32
      %dma_start3A_277 = arith.constant 0 : i32
      %dma_start3A_278 = arith.constant 0 : i32
      %dma_start3A_279 = tpu.memref_slice %arg16[%arg1, %dma_start3A_276, %dma_start3A_277, %dma_start3A_278] : memref<16x4x4x2048xf32, #tpu.memory_space<vmem_shared>> -> memref<1x1x4x2048xf32, #tpu.memory_space<vmem_shared>>
      %dma_start3A_280 = tpu.memref_squeeze %dma_start3A_279 : memref<1x1x4x2048xf32, #tpu.memory_space<vmem_shared>> -> memref<4x2048xf32, #tpu.memory_space<vmem_shared>>
      %dma_start3A_281 = arith.constant 0 : i32
      %dma_start3A_282 = arith.constant 0 : i32
      %dma_start3A_283 = tpu.memref_slice %arg16[%arg1, %dma_start3A_276, %dma_start3A_281, %dma_start3A_282] : memref<16x4x4x2048xf32, #tpu.memory_space<vmem_shared>> -> memref<1x1x4x2048xf32, #tpu.memory_space<vmem_shared>>
      %dma_start3A_284 = tpu.memref_squeeze %dma_start3A_283 : memref<1x1x4x2048xf32, #tpu.memory_space<vmem_shared>> -> memref<4x2048xf32, #tpu.memory_space<vmem_shared>>
      tpu.enqueue_dma source(%arg14 : memref<4x2048xf32, #tpu.memory_space<vmem>>) target(%dma_start3A_284 : memref<4x2048xf32, #tpu.memory_space<vmem_shared>>) target_semaphore(%arg25 : memref<!tpu.dma_semaphore, #tpu.memory_space<semaphore_mem>>)
      %ge3A_285 = arith.constant 1 : i32
      %ge3A_286 = arith.cmpi sge, %add3A_260, %ge3A_285 : i32
      %convert_element_type3A_287 = arith.extui %ge3A_286 : i1 to i32
      %cond3A_288 = arith.constant 0 : i32
      %cond3A_289 = arith.cmpi ne, %convert_element_type3A_287, %cond3A_288 : i32
      scf.if %cond3A_289 {
        %dma_wait3A_411 = arith.constant 3 : i32
        %dma_wait3A_412 = arith.constant 0 : i32
        %dma_wait3A_413 = arith.constant 0 : i32
        %dma_wait3A_414 = tpu.memref_slice %arg16[%arg1, %dma_wait3A_411, %dma_wait3A_412, %dma_wait3A_413] : memref<16x4x4x2048xf32, #tpu.memory_space<vmem_shared>> -> memref<1x1x4x2048xf32, #tpu.memory_space<vmem_shared>>
        %dma_wait3A_415 = tpu.memref_squeeze %dma_wait3A_414 : memref<1x1x4x2048xf32, #tpu.memory_space<vmem_shared>> -> memref<4x2048xf32, #tpu.memory_space<vmem_shared>>
        %dma_wait3A_416 = arith.constant 0 : i32
        %dma_wait3A_417 = arith.constant 0 : i32
        %dma_wait3A_418 = tpu.memref_slice %arg16[%arg1, %dma_wait3A_411, %dma_wait3A_416, %dma_wait3A_417] : memref<16x4x4x2048xf32, #tpu.memory_space<vmem_shared>> -> memref<1x1x4x2048xf32, #tpu.memory_space<vmem_shared>>
        %dma_wait3A_419 = tpu.memref_squeeze %dma_wait3A_418 : memref<1x1x4x2048xf32, #tpu.memory_space<vmem_shared>> -> memref<4x2048xf32, #tpu.memory_space<vmem_shared>>
        tpu.wait_dma2 semaphore(%arg26 : memref<!tpu.dma_semaphore, #tpu.memory_space<semaphore_mem>>) src(%arg15 : memref<4x2048xf32, #tpu.memory_space<vmem>>) dst(%dma_wait3A_419 : memref<4x2048xf32, #tpu.memory_space<vmem_shared>>)
        %sub3A = arith.constant 1 : i32
        %sub3A_420 = arith.subi %add3A_260, %sub3A : i32
        %mul3A_421 = arith.constant 4 : i32
        %mul3A_422 = arith.muli %sub3A_420, %mul3A_421 : i32
        %add3A_423 = arith.addi %mul3A_2, %mul3A_422 : i32
        %dma_start3A_424 = arith.constant 3 : i32
        %dma_start3A_425 = arith.constant 0 : i32
        %dma_start3A_426 = tpu.memref_slice %arg4[%add3A_423, %dma_start3A_425] : memref<16384x2048xf32, #tpu.memory_space<hbm>> -> memref<4x2048xf32, #tpu.memory_space<hbm>>
        %dma_start3A_427 = arith.constant 0 : i32
        %dma_start3A_428 = arith.constant 0 : i32
        %dma_start3A_429 = tpu.memref_slice %arg16[%arg1, %dma_start3A_424, %dma_start3A_427, %dma_start3A_428] : memref<16x4x4x2048xf32, #tpu.memory_space<vmem_shared>> -> memref<1x1x4x2048xf32, #tpu.memory_space<vmem_shared>>
        %dma_start3A_430 = tpu.memref_squeeze %dma_start3A_429 : memref<1x1x4x2048xf32, #tpu.memory_space<vmem_shared>> -> memref<4x2048xf32, #tpu.memory_space<vmem_shared>>
        tpu.enqueue_dma source(%dma_start3A_430 : memref<4x2048xf32, #tpu.memory_space<vmem_shared>>) target(%dma_start3A_426 : memref<4x2048xf32, #tpu.memory_space<hbm>>) target_semaphore(%arg30 : memref<!tpu.dma_semaphore, #tpu.memory_space<semaphore_mem>>)
      } else {
      }
      %add3A_290 = arith.constant 8 : i32
      %add3A_291 = arith.addi %add3A_260, %add3A_290 : i32
      %lt3A_292 = arith.constant 128 : i32
      %lt3A_293 = arith.cmpi slt, %add3A_291, %lt3A_292 : i32
      %convert_element_type3A_294 = arith.extui %lt3A_293 : i1 to i32
      %cond3A_295 = arith.constant 0 : i32
      %cond3A_296 = arith.cmpi ne, %convert_element_type3A_294, %cond3A_295 : i32
      scf.if %cond3A_296 {
        %add3A_411 = arith.constant 8 : i32
        %add3A_412 = arith.addi %add3A_260, %add3A_411 : i32
        %mul3A_413 = arith.constant 4 : i32
        %mul3A_414 = arith.muli %add3A_412, %mul3A_413 : i32
        %add3A_415 = arith.addi %mul3A_2, %mul3A_414 : i32
        %dma_start3A_416 = arith.constant 0 : i32
        %dma_start3A_417 = tpu.memref_slice %arg2[%add3A_415, %dma_start3A_416] : memref<16384x2048xf32, #tpu.memory_space<hbm>> -> memref<4x2048xf32, #tpu.memory_space<hbm>>
        %dma_start3A_418 = arith.constant 0 : i32
        %dma_start3A_419 = tpu.memref_slice %arg2[%add3A_415, %dma_start3A_418] : memref<16384x2048xf32, #tpu.memory_space<hbm>> -> memref<4x2048xf32, #tpu.memory_space<hbm>>
        tpu.enqueue_dma source(%dma_start3A_419 : memref<4x2048xf32, #tpu.memory_space<hbm>>) target(%arg10 : memref<4x2048xf32, #tpu.memory_space<vmem>>) target_semaphore(%arg21 : memref<!tpu.dma_semaphore, #tpu.memory_space<semaphore_mem>>)
      } else {
      }
      %add3A_297 = arith.constant 5 : i32
      %add3A_298 = arith.addi %add3A_111, %add3A_297 : i32
      %mul3A_299 = arith.constant 4 : i32
      %mul3A_300 = arith.muli %add3A_298, %mul3A_299 : i32
      %add3A_301 = arith.addi %mul3A_2, %mul3A_300 : i32
      %dma_wait3A_302 = arith.constant 0 : i32
      %dma_wait3A_303 = tpu.memref_slice %arg2[%add3A_301, %dma_wait3A_302] : memref<16384x2048xf32, #tpu.memory_space<hbm>> -> memref<4x2048xf32, #tpu.memory_space<hbm>>
      %dma_wait3A_304 = arith.constant 0 : i32
      %dma_wait3A_305 = tpu.memref_slice %arg2[%add3A_301, %dma_wait3A_304] : memref<16384x2048xf32, #tpu.memory_space<hbm>> -> memref<4x2048xf32, #tpu.memory_space<hbm>>
      tpu.wait_dma2 semaphore(%arg22 : memref<!tpu.dma_semaphore, #tpu.memory_space<semaphore_mem>>) src(%dma_wait3A_305 : memref<4x2048xf32, #tpu.memory_space<hbm>>) dst(%arg11 : memref<4x2048xf32, #tpu.memory_space<vmem>>)
      %parallel_loop3A_306 = arith.constant 0 : i32
      %parallel_loop3A_307 = arith.constant 128 : i32
      %parallel_loop3A_308 = arith.constant 1 : i32
      scf.for %parallel_loop3A_411 = %parallel_loop3A_306 to %parallel_loop3A_307 step %parallel_loop3A_308  : i32 {
        %parallel_loop3A_412 = arith.constant 16 : i32
        %parallel_loop3A_413 = arith.muli %parallel_loop3A_411, %parallel_loop3A_412 : i32
        %parallel_loop3A_414 = arith.index_cast %parallel_loop3A_413 : i32 to index
        %parallel_loop3A_415 = tpu.vector_load %arg5[%parallel_loop3A_414] {strides = array<i32>} : memref<2048xi32, #tpu.memory_space<vmem>>, vector<16xi32>,
        %parallel_loop3A_416 = arith.constant 0 : i32
        %parallel_loop3A_417 = vector.broadcast %parallel_loop3A_416 : i32 to vector<16xi32>
        %parallel_loop3A_418 = tpu.vector_load_idx %arg11[%parallel_loop3A_417, %parallel_loop3A_415] : memref<4x2048xf32, #tpu.memory_space<vmem>>[vector<16xi32>, vector<16xi32>], vector<16xf32>,
        %parallel_loop3A_419 = arith.constant 16 : i32
        %parallel_loop3A_420 = arith.muli %parallel_loop3A_411, %parallel_loop3A_419 : i32
        %parallel_loop3A_421 = arith.constant 0 : i32
        %parallel_loop3A_422 = arith.index_cast %parallel_loop3A_421 : i32 to index
        %parallel_loop3A_423 = arith.index_cast %parallel_loop3A_420 : i32 to index
        %parallel_loop3A_424 = tpu.vector_load %arg15[%parallel_loop3A_422, %parallel_loop3A_423] {strides = array<i32>} : memref<4x2048xf32, #tpu.memory_space<vmem>>, vector<16xf32>,
        tpu.vector_store %arg15[%parallel_loop3A_422, %parallel_loop3A_423], %parallel_loop3A_418 {strides = array<i32>} : memref<4x2048xf32, #tpu.memory_space<vmem>>, vector<16xf32>,
        %parallel_loop3A_425 = arith.constant 1 : i32
        %parallel_loop3A_426 = vector.broadcast %parallel_loop3A_425 : i32 to vector<16xi32>
        %parallel_loop3A_427 = tpu.vector_load_idx %arg11[%parallel_loop3A_426, %parallel_loop3A_415] : memref<4x2048xf32, #tpu.memory_space<vmem>>[vector<16xi32>, vector<16xi32>], vector<16xf32>,
        %parallel_loop3A_428 = arith.constant 16 : i32
        %parallel_loop3A_429 = arith.muli %parallel_loop3A_411, %parallel_loop3A_428 : i32
        %parallel_loop3A_430 = arith.constant 1 : i32
        %parallel_loop3A_431 = arith.index_cast %parallel_loop3A_430 : i32 to index
        %parallel_loop3A_432 = arith.index_cast %parallel_loop3A_429 : i32 to index
        %parallel_loop3A_433 = tpu.vector_load %arg15[%parallel_loop3A_431, %parallel_loop3A_432] {strides = array<i32>} : memref<4x2048xf32, #tpu.memory_space<vmem>>, vector<16xf32>,
        tpu.vector_store %arg15[%parallel_loop3A_431, %parallel_loop3A_432], %parallel_loop3A_427 {strides = array<i32>} : memref<4x2048xf32, #tpu.memory_space<vmem>>, vector<16xf32>,
        %parallel_loop3A_434 = arith.constant 2 : i32
        %parallel_loop3A_435 = vector.broadcast %parallel_loop3A_434 : i32 to vector<16xi32>
        %parallel_loop3A_436 = tpu.vector_load_idx %arg11[%parallel_loop3A_435, %parallel_loop3A_415] : memref<4x2048xf32, #tpu.memory_space<vmem>>[vector<16xi32>, vector<16xi32>], vector<16xf32>,
        %parallel_loop3A_437 = arith.constant 16 : i32
        %parallel_loop3A_438 = arith.muli %parallel_loop3A_411, %parallel_loop3A_437 : i32
        %parallel_loop3A_439 = arith.constant 2 : i32
        %parallel_loop3A_440 = arith.index_cast %parallel_loop3A_439 : i32 to index
        %parallel_loop3A_441 = arith.index_cast %parallel_loop3A_438 : i32 to index
        %parallel_loop3A_442 = tpu.vector_load %arg15[%parallel_loop3A_440, %parallel_loop3A_441] {strides = array<i32>} : memref<4x2048xf32, #tpu.memory_space<vmem>>, vector<16xf32>,
        tpu.vector_store %arg15[%parallel_loop3A_440, %parallel_loop3A_441], %parallel_loop3A_436 {strides = array<i32>} : memref<4x2048xf32, #tpu.memory_space<vmem>>, vector<16xf32>,
        %parallel_loop3A_443 = arith.constant 3 : i32
        %parallel_loop3A_444 = vector.broadcast %parallel_loop3A_443 : i32 to vector<16xi32>
        %parallel_loop3A_445 = tpu.vector_load_idx %arg11[%parallel_loop3A_444, %parallel_loop3A_415] : memref<4x2048xf32, #tpu.memory_space<vmem>>[vector<16xi32>, vector<16xi32>], vector<16xf32>,
        %parallel_loop3A_446 = arith.constant 16 : i32
        %parallel_loop3A_447 = arith.muli %parallel_loop3A_411, %parallel_loop3A_446 : i32
        %parallel_loop3A_448 = arith.constant 3 : i32
        %parallel_loop3A_449 = arith.index_cast %parallel_loop3A_448 : i32 to index
        %parallel_loop3A_450 = arith.index_cast %parallel_loop3A_447 : i32 to index
        %parallel_loop3A_451 = tpu.vector_load %arg15[%parallel_loop3A_449, %parallel_loop3A_450] {strides = array<i32>} : memref<4x2048xf32, #tpu.memory_space<vmem>>, vector<16xf32>,
        tpu.vector_store %arg15[%parallel_loop3A_449, %parallel_loop3A_450], %parallel_loop3A_445 {strides = array<i32>} : memref<4x2048xf32, #tpu.memory_space<vmem>>, vector<16xf32>,
      } {sc.loop_unroll_factor = 8 : i64, sc.parallel_access}
      %ge3A_309 = arith.constant 4 : i32
      %ge3A_310 = arith.cmpi sge, %add3A_298, %ge3A_309 : i32
      %convert_element_type3A_311 = arith.extui %ge3A_310 : i1 to i32
      %cond3A_312 = arith.constant 0 : i32
      %cond3A_313 = arith.cmpi ne, %convert_element_type3A_311, %cond3A_312 : i32
      scf.if %cond3A_313 {
        %sub3A = arith.constant 4 : i32
        %sub3A_411 = arith.subi %add3A_298, %sub3A : i32
        %mul3A_412 = arith.constant 4 : i32
        %mul3A_413 = arith.muli %sub3A_411, %mul3A_412 : i32
        %add3A_414 = arith.addi %mul3A_2, %mul3A_413 : i32
        %dma_wait3A_415 = arith.constant 1 : i32
        %dma_wait3A_416 = arith.constant 0 : i32
        %dma_wait3A_417 = tpu.memref_slice %arg4[%add3A_414, %dma_wait3A_416] : memref<16384x2048xf32, #tpu.memory_space<hbm>> -> memref<4x2048xf32, #tpu.memory_space<hbm>>
        %dma_wait3A_418 = arith.constant 0 : i32
        %dma_wait3A_419 = arith.constant 0 : i32
        %dma_wait3A_420 = tpu.memref_slice %arg16[%arg1, %dma_wait3A_415, %dma_wait3A_418, %dma_wait3A_419] : memref<16x4x4x2048xf32, #tpu.memory_space<vmem_shared>> -> memref<1x1x4x2048xf32, #tpu.memory_space<vmem_shared>>
        %dma_wait3A_421 = tpu.memref_squeeze %dma_wait3A_420 : memref<1x1x4x2048xf32, #tpu.memory_space<vmem_shared>> -> memref<4x2048xf32, #tpu.memory_space<vmem_shared>>
        tpu.wait_dma2 semaphore(%arg28 : memref<!tpu.dma_semaphore, #tpu.memory_space<semaphore_mem>>) src(%dma_wait3A_421 : memref<4x2048xf32, #tpu.memory_space<vmem_shared>>) dst(%dma_wait3A_417 : memref<4x2048xf32, #tpu.memory_space<hbm>>)
      } else {
      }
      %dma_start3A_314 = arith.constant 1 : i32
      %dma_start3A_315 = arith.constant 0 : i32
      %dma_start3A_316 = arith.constant 0 : i32
      %dma_start3A_317 = tpu.memref_slice %arg16[%arg1, %dma_start3A_314, %dma_start3A_315, %dma_start3A_316] : memref<16x4x4x2048xf32, #tpu.memory_space<vmem_shared>> -> memref<1x1x4x2048xf32, #tpu.memory_space<vmem_shared>>
      %dma_start3A_318 = tpu.memref_squeeze %dma_start3A_317 : memref<1x1x4x2048xf32, #tpu.memory_space<vmem_shared>> -> memref<4x2048xf32, #tpu.memory_space<vmem_shared>>
      %dma_start3A_319 = arith.constant 0 : i32
      %dma_start3A_320 = arith.constant 0 : i32
      %dma_start3A_321 = tpu.memref_slice %arg16[%arg1, %dma_start3A_314, %dma_start3A_319, %dma_start3A_320] : memref<16x4x4x2048xf32, #tpu.memory_space<vmem_shared>> -> memref<1x1x4x2048xf32, #tpu.memory_space<vmem_shared>>
      %dma_start3A_322 = tpu.memref_squeeze %dma_start3A_321 : memref<1x1x4x2048xf32, #tpu.memory_space<vmem_shared>> -> memref<4x2048xf32, #tpu.memory_space<vmem_shared>>
      tpu.enqueue_dma source(%arg15 : memref<4x2048xf32, #tpu.memory_space<vmem>>) target(%dma_start3A_322 : memref<4x2048xf32, #tpu.memory_space<vmem_shared>>) target_semaphore(%arg26 : memref<!tpu.dma_semaphore, #tpu.memory_space<semaphore_mem>>)
      %ge3A_323 = arith.constant 1 : i32
      %ge3A_324 = arith.cmpi sge, %add3A_298, %ge3A_323 : i32
      %convert_element_type3A_325 = arith.extui %ge3A_324 : i1 to i32
      %cond3A_326 = arith.constant 0 : i32
      %cond3A_327 = arith.cmpi ne, %convert_element_type3A_325, %cond3A_326 : i32
      scf.if %cond3A_327 {
        %dma_wait3A_411 = arith.constant 0 : i32
        %dma_wait3A_412 = arith.constant 0 : i32
        %dma_wait3A_413 = arith.constant 0 : i32
        %dma_wait3A_414 = tpu.memref_slice %arg16[%arg1, %dma_wait3A_411, %dma_wait3A_412, %dma_wait3A_413] : memref<16x4x4x2048xf32, #tpu.memory_space<vmem_shared>> -> memref<1x1x4x2048xf32, #tpu.memory_space<vmem_shared>>
        %dma_wait3A_415 = tpu.memref_squeeze %dma_wait3A_414 : memref<1x1x4x2048xf32, #tpu.memory_space<vmem_shared>> -> memref<4x2048xf32, #tpu.memory_space<vmem_shared>>
        %dma_wait3A_416 = arith.constant 0 : i32
        %dma_wait3A_417 = arith.constant 0 : i32
        %dma_wait3A_418 = tpu.memref_slice %arg16[%arg1, %dma_wait3A_411, %dma_wait3A_416, %dma_wait3A_417] : memref<16x4x4x2048xf32, #tpu.memory_space<vmem_shared>> -> memref<1x1x4x2048xf32, #tpu.memory_space<vmem_shared>>
        %dma_wait3A_419 = tpu.memref_squeeze %dma_wait3A_418 : memref<1x1x4x2048xf32, #tpu.memory_space<vmem_shared>> -> memref<4x2048xf32, #tpu.memory_space<vmem_shared>>
        tpu.wait_dma2 semaphore(%arg25 : memref<!tpu.dma_semaphore, #tpu.memory_space<semaphore_mem>>) src(%arg14 : memref<4x2048xf32, #tpu.memory_space<vmem>>) dst(%dma_wait3A_419 : memref<4x2048xf32, #tpu.memory_space<vmem_shared>>)
        %sub3A = arith.constant 1 : i32
        %sub3A_420 = arith.subi %add3A_298, %sub3A : i32
        %mul3A_421 = arith.constant 4 : i32
        %mul3A_422 = arith.muli %sub3A_420, %mul3A_421 : i32
        %add3A_423 = arith.addi %mul3A_2, %mul3A_422 : i32
        %dma_start3A_424 = arith.constant 0 : i32
        %dma_start3A_425 = arith.constant 0 : i32
        %dma_start3A_426 = tpu.memref_slice %arg4[%add3A_423, %dma_start3A_425] : memref<16384x2048xf32, #tpu.memory_space<hbm>> -> memref<4x2048xf32, #tpu.memory_space<hbm>>
        %dma_start3A_427 = arith.constant 0 : i32
        %dma_start3A_428 = arith.constant 0 : i32
        %dma_start3A_429 = tpu.memref_slice %arg16[%arg1, %dma_start3A_424, %dma_start3A_427, %dma_start3A_428] : memref<16x4x4x2048xf32, #tpu.memory_space<vmem_shared>> -> memref<1x1x4x2048xf32, #tpu.memory_space<vmem_shared>>
        %dma_start3A_430 = tpu.memref_squeeze %dma_start3A_429 : memref<1x1x4x2048xf32, #tpu.memory_space<vmem_shared>> -> memref<4x2048xf32, #tpu.memory_space<vmem_shared>>
        tpu.enqueue_dma source(%dma_start3A_430 : memref<4x2048xf32, #tpu.memory_space<vmem_shared>>) target(%dma_start3A_426 : memref<4x2048xf32, #tpu.memory_space<hbm>>) target_semaphore(%arg27 : memref<!tpu.dma_semaphore, #tpu.memory_space<semaphore_mem>>)
      } else {
      }
      %add3A_328 = arith.constant 8 : i32
      %add3A_329 = arith.addi %add3A_298, %add3A_328 : i32
      %lt3A_330 = arith.constant 128 : i32
      %lt3A_331 = arith.cmpi slt, %add3A_329, %lt3A_330 : i32
      %convert_element_type3A_332 = arith.extui %lt3A_331 : i1 to i32
      %cond3A_333 = arith.constant 0 : i32
      %cond3A_334 = arith.cmpi ne, %convert_element_type3A_332, %cond3A_333 : i32
      scf.if %cond3A_334 {
        %add3A_411 = arith.constant 8 : i32
        %add3A_412 = arith.addi %add3A_298, %add3A_411 : i32
        %mul3A_413 = arith.constant 4 : i32
        %mul3A_414 = arith.muli %add3A_412, %mul3A_413 : i32
        %add3A_415 = arith.addi %mul3A_2, %mul3A_414 : i32
        %dma_start3A_416 = arith.constant 0 : i32
        %dma_start3A_417 = tpu.memref_slice %arg2[%add3A_415, %dma_start3A_416] : memref<16384x2048xf32, #tpu.memory_space<hbm>> -> memref<4x2048xf32, #tpu.memory_space<hbm>>
        %dma_start3A_418 = arith.constant 0 : i32
        %dma_start3A_419 = tpu.memref_slice %arg2[%add3A_415, %dma_start3A_418] : memref<16384x2048xf32, #tpu.memory_space<hbm>> -> memref<4x2048xf32, #tpu.memory_space<hbm>>
        tpu.enqueue_dma source(%dma_start3A_419 : memref<4x2048xf32, #tpu.memory_space<hbm>>) target(%arg11 : memref<4x2048xf32, #tpu.memory_space<vmem>>) target_semaphore(%arg22 : memref<!tpu.dma_semaphore, #tpu.memory_space<semaphore_mem>>)
      } else {
      }
      %add3A_335 = arith.constant 6 : i32
      %add3A_336 = arith.addi %add3A_111, %add3A_335 : i32
      %mul3A_337 = arith.constant 4 : i32
      %mul3A_338 = arith.muli %add3A_336, %mul3A_337 : i32
      %add3A_339 = arith.addi %mul3A_2, %mul3A_338 : i32
      %dma_wait3A_340 = arith.constant 0 : i32
      %dma_wait3A_341 = tpu.memref_slice %arg2[%add3A_339, %dma_wait3A_340] : memref<16384x2048xf32, #tpu.memory_space<hbm>> -> memref<4x2048xf32, #tpu.memory_space<hbm>>
      %dma_wait3A_342 = arith.constant 0 : i32
      %dma_wait3A_343 = tpu.memref_slice %arg2[%add3A_339, %dma_wait3A_342] : memref<16384x2048xf32, #tpu.memory_space<hbm>> -> memref<4x2048xf32, #tpu.memory_space<hbm>>
      tpu.wait_dma2 semaphore(%arg23 : memref<!tpu.dma_semaphore, #tpu.memory_space<semaphore_mem>>) src(%dma_wait3A_343 : memref<4x2048xf32, #tpu.memory_space<hbm>>) dst(%arg12 : memref<4x2048xf32, #tpu.memory_space<vmem>>)
      %parallel_loop3A_344 = arith.constant 0 : i32
      %parallel_loop3A_345 = arith.constant 128 : i32
      %parallel_loop3A_346 = arith.constant 1 : i32
      scf.for %parallel_loop3A_411 = %parallel_loop3A_344 to %parallel_loop3A_345 step %parallel_loop3A_346  : i32 {
        %parallel_loop3A_412 = arith.constant 16 : i32
        %parallel_loop3A_413 = arith.muli %parallel_loop3A_411, %parallel_loop3A_412 : i32
        %parallel_loop3A_414 = arith.index_cast %parallel_loop3A_413 : i32 to index
        %parallel_loop3A_415 = tpu.vector_load %arg5[%parallel_loop3A_414] {strides = array<i32>} : memref<2048xi32, #tpu.memory_space<vmem>>, vector<16xi32>,
        %parallel_loop3A_416 = arith.constant 0 : i32
        %parallel_loop3A_417 = vector.broadcast %parallel_loop3A_416 : i32 to vector<16xi32>
        %parallel_loop3A_418 = tpu.vector_load_idx %arg12[%parallel_loop3A_417, %parallel_loop3A_415] : memref<4x2048xf32, #tpu.memory_space<vmem>>[vector<16xi32>, vector<16xi32>], vector<16xf32>,
        %parallel_loop3A_419 = arith.constant 16 : i32
        %parallel_loop3A_420 = arith.muli %parallel_loop3A_411, %parallel_loop3A_419 : i32
        %parallel_loop3A_421 = arith.constant 0 : i32
        %parallel_loop3A_422 = arith.index_cast %parallel_loop3A_421 : i32 to index
        %parallel_loop3A_423 = arith.index_cast %parallel_loop3A_420 : i32 to index
        %parallel_loop3A_424 = tpu.vector_load %arg14[%parallel_loop3A_422, %parallel_loop3A_423] {strides = array<i32>} : memref<4x2048xf32, #tpu.memory_space<vmem>>, vector<16xf32>,
        tpu.vector_store %arg14[%parallel_loop3A_422, %parallel_loop3A_423], %parallel_loop3A_418 {strides = array<i32>} : memref<4x2048xf32, #tpu.memory_space<vmem>>, vector<16xf32>,
        %parallel_loop3A_425 = arith.constant 1 : i32
        %parallel_loop3A_426 = vector.broadcast %parallel_loop3A_425 : i32 to vector<16xi32>
        %parallel_loop3A_427 = tpu.vector_load_idx %arg12[%parallel_loop3A_426, %parallel_loop3A_415] : memref<4x2048xf32, #tpu.memory_space<vmem>>[vector<16xi32>, vector<16xi32>], vector<16xf32>,
        %parallel_loop3A_428 = arith.constant 16 : i32
        %parallel_loop3A_429 = arith.muli %parallel_loop3A_411, %parallel_loop3A_428 : i32
        %parallel_loop3A_430 = arith.constant 1 : i32
        %parallel_loop3A_431 = arith.index_cast %parallel_loop3A_430 : i32 to index
        %parallel_loop3A_432 = arith.index_cast %parallel_loop3A_429 : i32 to index
        %parallel_loop3A_433 = tpu.vector_load %arg14[%parallel_loop3A_431, %parallel_loop3A_432] {strides = array<i32>} : memref<4x2048xf32, #tpu.memory_space<vmem>>, vector<16xf32>,
        tpu.vector_store %arg14[%parallel_loop3A_431, %parallel_loop3A_432], %parallel_loop3A_427 {strides = array<i32>} : memref<4x2048xf32, #tpu.memory_space<vmem>>, vector<16xf32>,
        %parallel_loop3A_434 = arith.constant 2 : i32
        %parallel_loop3A_435 = vector.broadcast %parallel_loop3A_434 : i32 to vector<16xi32>
        %parallel_loop3A_436 = tpu.vector_load_idx %arg12[%parallel_loop3A_435, %parallel_loop3A_415] : memref<4x2048xf32, #tpu.memory_space<vmem>>[vector<16xi32>, vector<16xi32>], vector<16xf32>,
        %parallel_loop3A_437 = arith.constant 16 : i32
        %parallel_loop3A_438 = arith.muli %parallel_loop3A_411, %parallel_loop3A_437 : i32
        %parallel_loop3A_439 = arith.constant 2 : i32
        %parallel_loop3A_440 = arith.index_cast %parallel_loop3A_439 : i32 to index
        %parallel_loop3A_441 = arith.index_cast %parallel_loop3A_438 : i32 to index
        %parallel_loop3A_442 = tpu.vector_load %arg14[%parallel_loop3A_440, %parallel_loop3A_441] {strides = array<i32>} : memref<4x2048xf32, #tpu.memory_space<vmem>>, vector<16xf32>,
        tpu.vector_store %arg14[%parallel_loop3A_440, %parallel_loop3A_441], %parallel_loop3A_436 {strides = array<i32>} : memref<4x2048xf32, #tpu.memory_space<vmem>>, vector<16xf32>,
        %parallel_loop3A_443 = arith.constant 3 : i32
        %parallel_loop3A_444 = vector.broadcast %parallel_loop3A_443 : i32 to vector<16xi32>
        %parallel_loop3A_445 = tpu.vector_load_idx %arg12[%parallel_loop3A_444, %parallel_loop3A_415] : memref<4x2048xf32, #tpu.memory_space<vmem>>[vector<16xi32>, vector<16xi32>], vector<16xf32>,
        %parallel_loop3A_446 = arith.constant 16 : i32
        %parallel_loop3A_447 = arith.muli %parallel_loop3A_411, %parallel_loop3A_446 : i32
        %parallel_loop3A_448 = arith.constant 3 : i32
        %parallel_loop3A_449 = arith.index_cast %parallel_loop3A_448 : i32 to index
        %parallel_loop3A_450 = arith.index_cast %parallel_loop3A_447 : i32 to index
        %parallel_loop3A_451 = tpu.vector_load %arg14[%parallel_loop3A_449, %parallel_loop3A_450] {strides = array<i32>} : memref<4x2048xf32, #tpu.memory_space<vmem>>, vector<16xf32>,
        tpu.vector_store %arg14[%parallel_loop3A_449, %parallel_loop3A_450], %parallel_loop3A_445 {strides = array<i32>} : memref<4x2048xf32, #tpu.memory_space<vmem>>, vector<16xf32>,
      } {sc.loop_unroll_factor = 8 : i64, sc.parallel_access}
      %ge3A_347 = arith.constant 4 : i32
      %ge3A_348 = arith.cmpi sge, %add3A_336, %ge3A_347 : i32
      %convert_element_type3A_349 = arith.extui %ge3A_348 : i1 to i32
      %cond3A_350 = arith.constant 0 : i32
      %cond3A_351 = arith.cmpi ne, %convert_element_type3A_349, %cond3A_350 : i32
      scf.if %cond3A_351 {
        %sub3A = arith.constant 4 : i32
        %sub3A_411 = arith.subi %add3A_336, %sub3A : i32
        %mul3A_412 = arith.constant 4 : i32
        %mul3A_413 = arith.muli %sub3A_411, %mul3A_412 : i32
        %add3A_414 = arith.addi %mul3A_2, %mul3A_413 : i32
        %dma_wait3A_415 = arith.constant 2 : i32
        %dma_wait3A_416 = arith.constant 0 : i32
        %dma_wait3A_417 = tpu.memref_slice %arg4[%add3A_414, %dma_wait3A_416] : memref<16384x2048xf32, #tpu.memory_space<hbm>> -> memref<4x2048xf32, #tpu.memory_space<hbm>>
        %dma_wait3A_418 = arith.constant 0 : i32
        %dma_wait3A_419 = arith.constant 0 : i32
        %dma_wait3A_420 = tpu.memref_slice %arg16[%arg1, %dma_wait3A_415, %dma_wait3A_418, %dma_wait3A_419] : memref<16x4x4x2048xf32, #tpu.memory_space<vmem_shared>> -> memref<1x1x4x2048xf32, #tpu.memory_space<vmem_shared>>
        %dma_wait3A_421 = tpu.memref_squeeze %dma_wait3A_420 : memref<1x1x4x2048xf32, #tpu.memory_space<vmem_shared>> -> memref<4x2048xf32, #tpu.memory_space<vmem_shared>>
        tpu.wait_dma2 semaphore(%arg29 : memref<!tpu.dma_semaphore, #tpu.memory_space<semaphore_mem>>) src(%dma_wait3A_421 : memref<4x2048xf32, #tpu.memory_space<vmem_shared>>) dst(%dma_wait3A_417 : memref<4x2048xf32, #tpu.memory_space<hbm>>)
      } else {
      }
      %dma_start3A_352 = arith.constant 2 : i32
      %dma_start3A_353 = arith.constant 0 : i32
      %dma_start3A_354 = arith.constant 0 : i32
      %dma_start3A_355 = tpu.memref_slice %arg16[%arg1, %dma_start3A_352, %dma_start3A_353, %dma_start3A_354] : memref<16x4x4x2048xf32, #tpu.memory_space<vmem_shared>> -> memref<1x1x4x2048xf32, #tpu.memory_space<vmem_shared>>
      %dma_start3A_356 = tpu.memref_squeeze %dma_start3A_355 : memref<1x1x4x2048xf32, #tpu.memory_space<vmem_shared>> -> memref<4x2048xf32, #tpu.memory_space<vmem_shared>>
      %dma_start3A_357 = arith.constant 0 : i32
      %dma_start3A_358 = arith.constant 0 : i32
      %dma_start3A_359 = tpu.memref_slice %arg16[%arg1, %dma_start3A_352, %dma_start3A_357, %dma_start3A_358] : memref<16x4x4x2048xf32, #tpu.memory_space<vmem_shared>> -> memref<1x1x4x2048xf32, #tpu.memory_space<vmem_shared>>
      %dma_start3A_360 = tpu.memref_squeeze %dma_start3A_359 : memref<1x1x4x2048xf32, #tpu.memory_space<vmem_shared>> -> memref<4x2048xf32, #tpu.memory_space<vmem_shared>>
      tpu.enqueue_dma source(%arg14 : memref<4x2048xf32, #tpu.memory_space<vmem>>) target(%dma_start3A_360 : memref<4x2048xf32, #tpu.memory_space<vmem_shared>>) target_semaphore(%arg25 : memref<!tpu.dma_semaphore, #tpu.memory_space<semaphore_mem>>)
      %ge3A_361 = arith.constant 1 : i32
      %ge3A_362 = arith.cmpi sge, %add3A_336, %ge3A_361 : i32
      %convert_element_type3A_363 = arith.extui %ge3A_362 : i1 to i32
      %cond3A_364 = arith.constant 0 : i32
      %cond3A_365 = arith.cmpi ne, %convert_element_type3A_363, %cond3A_364 : i32
      scf.if %cond3A_365 {
        %dma_wait3A_411 = arith.constant 1 : i32
        %dma_wait3A_412 = arith.constant 0 : i32
        %dma_wait3A_413 = arith.constant 0 : i32
        %dma_wait3A_414 = tpu.memref_slice %arg16[%arg1, %dma_wait3A_411, %dma_wait3A_412, %dma_wait3A_413] : memref<16x4x4x2048xf32, #tpu.memory_space<vmem_shared>> -> memref<1x1x4x2048xf32, #tpu.memory_space<vmem_shared>>
        %dma_wait3A_415 = tpu.memref_squeeze %dma_wait3A_414 : memref<1x1x4x2048xf32, #tpu.memory_space<vmem_shared>> -> memref<4x2048xf32, #tpu.memory_space<vmem_shared>>
        %dma_wait3A_416 = arith.constant 0 : i32
        %dma_wait3A_417 = arith.constant 0 : i32
        %dma_wait3A_418 = tpu.memref_slice %arg16[%arg1, %dma_wait3A_411, %dma_wait3A_416, %dma_wait3A_417] : memref<16x4x4x2048xf32, #tpu.memory_space<vmem_shared>> -> memref<1x1x4x2048xf32, #tpu.memory_space<vmem_shared>>
        %dma_wait3A_419 = tpu.memref_squeeze %dma_wait3A_418 : memref<1x1x4x2048xf32, #tpu.memory_space<vmem_shared>> -> memref<4x2048xf32, #tpu.memory_space<vmem_shared>>
        tpu.wait_dma2 semaphore(%arg26 : memref<!tpu.dma_semaphore, #tpu.memory_space<semaphore_mem>>) src(%arg15 : memref<4x2048xf32, #tpu.memory_space<vmem>>) dst(%dma_wait3A_419 : memref<4x2048xf32, #tpu.memory_space<vmem_shared>>)
        %sub3A = arith.constant 1 : i32
        %sub3A_420 = arith.subi %add3A_336, %sub3A : i32
        %mul3A_421 = arith.constant 4 : i32
        %mul3A_422 = arith.muli %sub3A_420, %mul3A_421 : i32
        %add3A_423 = arith.addi %mul3A_2, %mul3A_422 : i32
        %dma_start3A_424 = arith.constant 1 : i32
        %dma_start3A_425 = arith.constant 0 : i32
        %dma_start3A_426 = tpu.memref_slice %arg4[%add3A_423, %dma_start3A_425] : memref<16384x2048xf32, #tpu.memory_space<hbm>> -> memref<4x2048xf32, #tpu.memory_space<hbm>>
        %dma_start3A_427 = arith.constant 0 : i32
        %dma_start3A_428 = arith.constant 0 : i32
        %dma_start3A_429 = tpu.memref_slice %arg16[%arg1, %dma_start3A_424, %dma_start3A_427, %dma_start3A_428] : memref<16x4x4x2048xf32, #tpu.memory_space<vmem_shared>> -> memref<1x1x4x2048xf32, #tpu.memory_space<vmem_shared>>
        %dma_start3A_430 = tpu.memref_squeeze %dma_start3A_429 : memref<1x1x4x2048xf32, #tpu.memory_space<vmem_shared>> -> memref<4x2048xf32, #tpu.memory_space<vmem_shared>>
        tpu.enqueue_dma source(%dma_start3A_430 : memref<4x2048xf32, #tpu.memory_space<vmem_shared>>) target(%dma_start3A_426 : memref<4x2048xf32, #tpu.memory_space<hbm>>) target_semaphore(%arg28 : memref<!tpu.dma_semaphore, #tpu.memory_space<semaphore_mem>>)
      } else {
      }
      %add3A_366 = arith.constant 8 : i32
      %add3A_367 = arith.addi %add3A_336, %add3A_366 : i32
      %lt3A_368 = arith.constant 128 : i32
      %lt3A_369 = arith.cmpi slt, %add3A_367, %lt3A_368 : i32
      %convert_element_type3A_370 = arith.extui %lt3A_369 : i1 to i32
      %cond3A_371 = arith.constant 0 : i32
      %cond3A_372 = arith.cmpi ne, %convert_element_type3A_370, %cond3A_371 : i32
      scf.if %cond3A_372 {
        %add3A_411 = arith.constant 8 : i32
        %add3A_412 = arith.addi %add3A_336, %add3A_411 : i32
        %mul3A_413 = arith.constant 4 : i32
        %mul3A_414 = arith.muli %add3A_412, %mul3A_413 : i32
        %add3A_415 = arith.addi %mul3A_2, %mul3A_414 : i32
        %dma_start3A_416 = arith.constant 0 : i32
        %dma_start3A_417 = tpu.memref_slice %arg2[%add3A_415, %dma_start3A_416] : memref<16384x2048xf32, #tpu.memory_space<hbm>> -> memref<4x2048xf32, #tpu.memory_space<hbm>>
        %dma_start3A_418 = arith.constant 0 : i32
        %dma_start3A_419 = tpu.memref_slice %arg2[%add3A_415, %dma_start3A_418] : memref<16384x2048xf32, #tpu.memory_space<hbm>> -> memref<4x2048xf32, #tpu.memory_space<hbm>>
        tpu.enqueue_dma source(%dma_start3A_419 : memref<4x2048xf32, #tpu.memory_space<hbm>>) target(%arg12 : memref<4x2048xf32, #tpu.memory_space<vmem>>) target_semaphore(%arg23 : memref<!tpu.dma_semaphore, #tpu.memory_space<semaphore_mem>>)
      } else {
      }
      %add3A_373 = arith.constant 7 : i32
      %add3A_374 = arith.addi %add3A_111, %add3A_373 : i32
      %mul3A_375 = arith.constant 4 : i32
      %mul3A_376 = arith.muli %add3A_374, %mul3A_375 : i32
      %add3A_377 = arith.addi %mul3A_2, %mul3A_376 : i32
      %dma_wait3A_378 = arith.constant 0 : i32
      %dma_wait3A_379 = tpu.memref_slice %arg2[%add3A_377, %dma_wait3A_378] : memref<16384x2048xf32, #tpu.memory_space<hbm>> -> memref<4x2048xf32, #tpu.memory_space<hbm>>
      %dma_wait3A_380 = arith.constant 0 : i32
      %dma_wait3A_381 = tpu.memref_slice %arg2[%add3A_377, %dma_wait3A_380] : memref<16384x2048xf32, #tpu.memory_space<hbm>> -> memref<4x2048xf32, #tpu.memory_space<hbm>>
      tpu.wait_dma2 semaphore(%arg24 : memref<!tpu.dma_semaphore, #tpu.memory_space<semaphore_mem>>) src(%dma_wait3A_381 : memref<4x2048xf32, #tpu.memory_space<hbm>>) dst(%arg13 : memref<4x2048xf32, #tpu.memory_space<vmem>>)
      %parallel_loop3A_382 = arith.constant 0 : i32
      %parallel_loop3A_383 = arith.constant 128 : i32
      %parallel_loop3A_384 = arith.constant 1 : i32
      scf.for %parallel_loop3A_411 = %parallel_loop3A_382 to %parallel_loop3A_383 step %parallel_loop3A_384  : i32 {
        %parallel_loop3A_412 = arith.constant 16 : i32
        %parallel_loop3A_413 = arith.muli %parallel_loop3A_411, %parallel_loop3A_412 : i32
        %parallel_loop3A_414 = arith.index_cast %parallel_loop3A_413 : i32 to index
        %parallel_loop3A_415 = tpu.vector_load %arg5[%parallel_loop3A_414] {strides = array<i32>} : memref<2048xi32, #tpu.memory_space<vmem>>, vector<16xi32>,
        %parallel_loop3A_416 = arith.constant 0 : i32
        %parallel_loop3A_417 = vector.broadcast %parallel_loop3A_416 : i32 to vector<16xi32>
        %parallel_loop3A_418 = tpu.vector_load_idx %arg13[%parallel_loop3A_417, %parallel_loop3A_415] : memref<4x2048xf32, #tpu.memory_space<vmem>>[vector<16xi32>, vector<16xi32>], vector<16xf32>,
        %parallel_loop3A_419 = arith.constant 16 : i32
        %parallel_loop3A_420 = arith.muli %parallel_loop3A_411, %parallel_loop3A_419 : i32
        %parallel_loop3A_421 = arith.constant 0 : i32
        %parallel_loop3A_422 = arith.index_cast %parallel_loop3A_421 : i32 to index
        %parallel_loop3A_423 = arith.index_cast %parallel_loop3A_420 : i32 to index
        %parallel_loop3A_424 = tpu.vector_load %arg15[%parallel_loop3A_422, %parallel_loop3A_423] {strides = array<i32>} : memref<4x2048xf32, #tpu.memory_space<vmem>>, vector<16xf32>,
        tpu.vector_store %arg15[%parallel_loop3A_422, %parallel_loop3A_423], %parallel_loop3A_418 {strides = array<i32>} : memref<4x2048xf32, #tpu.memory_space<vmem>>, vector<16xf32>,
        %parallel_loop3A_425 = arith.constant 1 : i32
        %parallel_loop3A_426 = vector.broadcast %parallel_loop3A_425 : i32 to vector<16xi32>
        %parallel_loop3A_427 = tpu.vector_load_idx %arg13[%parallel_loop3A_426, %parallel_loop3A_415] : memref<4x2048xf32, #tpu.memory_space<vmem>>[vector<16xi32>, vector<16xi32>], vector<16xf32>,
        %parallel_loop3A_428 = arith.constant 16 : i32
        %parallel_loop3A_429 = arith.muli %parallel_loop3A_411, %parallel_loop3A_428 : i32
        %parallel_loop3A_430 = arith.constant 1 : i32
        %parallel_loop3A_431 = arith.index_cast %parallel_loop3A_430 : i32 to index
        %parallel_loop3A_432 = arith.index_cast %parallel_loop3A_429 : i32 to index
        %parallel_loop3A_433 = tpu.vector_load %arg15[%parallel_loop3A_431, %parallel_loop3A_432] {strides = array<i32>} : memref<4x2048xf32, #tpu.memory_space<vmem>>, vector<16xf32>,
        tpu.vector_store %arg15[%parallel_loop3A_431, %parallel_loop3A_432], %parallel_loop3A_427 {strides = array<i32>} : memref<4x2048xf32, #tpu.memory_space<vmem>>, vector<16xf32>,
        %parallel_loop3A_434 = arith.constant 2 : i32
        %parallel_loop3A_435 = vector.broadcast %parallel_loop3A_434 : i32 to vector<16xi32>
        %parallel_loop3A_436 = tpu.vector_load_idx %arg13[%parallel_loop3A_435, %parallel_loop3A_415] : memref<4x2048xf32, #tpu.memory_space<vmem>>[vector<16xi32>, vector<16xi32>], vector<16xf32>,
        %parallel_loop3A_437 = arith.constant 16 : i32
        %parallel_loop3A_438 = arith.muli %parallel_loop3A_411, %parallel_loop3A_437 : i32
        %parallel_loop3A_439 = arith.constant 2 : i32
        %parallel_loop3A_440 = arith.index_cast %parallel_loop3A_439 : i32 to index
        %parallel_loop3A_441 = arith.index_cast %parallel_loop3A_438 : i32 to index
        %parallel_loop3A_442 = tpu.vector_load %arg15[%parallel_loop3A_440, %parallel_loop3A_441] {strides = array<i32>} : memref<4x2048xf32, #tpu.memory_space<vmem>>, vector<16xf32>,
        tpu.vector_store %arg15[%parallel_loop3A_440, %parallel_loop3A_441], %parallel_loop3A_436 {strides = array<i32>} : memref<4x2048xf32, #tpu.memory_space<vmem>>, vector<16xf32>,
        %parallel_loop3A_443 = arith.constant 3 : i32
        %parallel_loop3A_444 = vector.broadcast %parallel_loop3A_443 : i32 to vector<16xi32>
        %parallel_loop3A_445 = tpu.vector_load_idx %arg13[%parallel_loop3A_444, %parallel_loop3A_415] : memref<4x2048xf32, #tpu.memory_space<vmem>>[vector<16xi32>, vector<16xi32>], vector<16xf32>,
        %parallel_loop3A_446 = arith.constant 16 : i32
        %parallel_loop3A_447 = arith.muli %parallel_loop3A_411, %parallel_loop3A_446 : i32
        %parallel_loop3A_448 = arith.constant 3 : i32
        %parallel_loop3A_449 = arith.index_cast %parallel_loop3A_448 : i32 to index
        %parallel_loop3A_450 = arith.index_cast %parallel_loop3A_447 : i32 to index
        %parallel_loop3A_451 = tpu.vector_load %arg15[%parallel_loop3A_449, %parallel_loop3A_450] {strides = array<i32>} : memref<4x2048xf32, #tpu.memory_space<vmem>>, vector<16xf32>,
        tpu.vector_store %arg15[%parallel_loop3A_449, %parallel_loop3A_450], %parallel_loop3A_445 {strides = array<i32>} : memref<4x2048xf32, #tpu.memory_space<vmem>>, vector<16xf32>,
      } {sc.loop_unroll_factor = 8 : i64, sc.parallel_access}
      %ge3A_385 = arith.constant 4 : i32
      %ge3A_386 = arith.cmpi sge, %add3A_374, %ge3A_385 : i32
      %convert_element_type3A_387 = arith.extui %ge3A_386 : i1 to i32
      %cond3A_388 = arith.constant 0 : i32
      %cond3A_389 = arith.cmpi ne, %convert_element_type3A_387, %cond3A_388 : i32
      scf.if %cond3A_389 {
        %sub3A = arith.constant 4 : i32
        %sub3A_411 = arith.subi %add3A_374, %sub3A : i32
        %mul3A_412 = arith.constant 4 : i32
        %mul3A_413 = arith.muli %sub3A_411, %mul3A_412 : i32
        %add3A_414 = arith.addi %mul3A_2, %mul3A_413 : i32
        %dma_wait3A_415 = arith.constant 3 : i32
        %dma_wait3A_416 = arith.constant 0 : i32
        %dma_wait3A_417 = tpu.memref_slice %arg4[%add3A_414, %dma_wait3A_416] : memref<16384x2048xf32, #tpu.memory_space<hbm>> -> memref<4x2048xf32, #tpu.memory_space<hbm>>
        %dma_wait3A_418 = arith.constant 0 : i32
        %dma_wait3A_419 = arith.constant 0 : i32
        %dma_wait3A_420 = tpu.memref_slice %arg16[%arg1, %dma_wait3A_415, %dma_wait3A_418, %dma_wait3A_419] : memref<16x4x4x2048xf32, #tpu.memory_space<vmem_shared>> -> memref<1x1x4x2048xf32, #tpu.memory_space<vmem_shared>>
        %dma_wait3A_421 = tpu.memref_squeeze %dma_wait3A_420 : memref<1x1x4x2048xf32, #tpu.memory_space<vmem_shared>> -> memref<4x2048xf32, #tpu.memory_space<vmem_shared>>
        tpu.wait_dma2 semaphore(%arg30 : memref<!tpu.dma_semaphore, #tpu.memory_space<semaphore_mem>>) src(%dma_wait3A_421 : memref<4x2048xf32, #tpu.memory_space<vmem_shared>>) dst(%dma_wait3A_417 : memref<4x2048xf32, #tpu.memory_space<hbm>>)
      } else {
      }
      %dma_start3A_390 = arith.constant 3 : i32
      %dma_start3A_391 = arith.constant 0 : i32
      %dma_start3A_392 = arith.constant 0 : i32
      %dma_start3A_393 = tpu.memref_slice %arg16[%arg1, %dma_start3A_390, %dma_start3A_391, %dma_start3A_392] : memref<16x4x4x2048xf32, #tpu.memory_space<vmem_shared>> -> memref<1x1x4x2048xf32, #tpu.memory_space<vmem_shared>>
      %dma_start3A_394 = tpu.memref_squeeze %dma_start3A_393 : memref<1x1x4x2048xf32, #tpu.memory_space<vmem_shared>> -> memref<4x2048xf32, #tpu.memory_space<vmem_shared>>
      %dma_start3A_395 = arith.constant 0 : i32
      %dma_start3A_396 = arith.constant 0 : i32
      %dma_start3A_397 = tpu.memref_slice %arg16[%arg1, %dma_start3A_390, %dma_start3A_395, %dma_start3A_396] : memref<16x4x4x2048xf32, #tpu.memory_space<vmem_shared>> -> memref<1x1x4x2048xf32, #tpu.memory_space<vmem_shared>>
      %dma_start3A_398 = tpu.memref_squeeze %dma_start3A_397 : memref<1x1x4x2048xf32, #tpu.memory_space<vmem_shared>> -> memref<4x2048xf32, #tpu.memory_space<vmem_shared>>
      tpu.enqueue_dma source(%arg15 : memref<4x2048xf32, #tpu.memory_space<vmem>>) target(%dma_start3A_398 : memref<4x2048xf32, #tpu.memory_space<vmem_shared>>) target_semaphore(%arg26 : memref<!tpu.dma_semaphore, #tpu.memory_space<semaphore_mem>>)
      %ge3A_399 = arith.constant 1 : i32
      %ge3A_400 = arith.cmpi sge, %add3A_374, %ge3A_399 : i32
      %convert_element_type3A_401 = arith.extui %ge3A_400 : i1 to i32
      %cond3A_402 = arith.constant 0 : i32
      %cond3A_403 = arith.cmpi ne, %convert_element_type3A_401, %cond3A_402 : i32
      scf.if %cond3A_403 {
        %dma_wait3A_411 = arith.constant 2 : i32
        %dma_wait3A_412 = arith.constant 0 : i32
        %dma_wait3A_413 = arith.constant 0 : i32
        %dma_wait3A_414 = tpu.memref_slice %arg16[%arg1, %dma_wait3A_411, %dma_wait3A_412, %dma_wait3A_413] : memref<16x4x4x2048xf32, #tpu.memory_space<vmem_shared>> -> memref<1x1x4x2048xf32, #tpu.memory_space<vmem_shared>>
        %dma_wait3A_415 = tpu.memref_squeeze %dma_wait3A_414 : memref<1x1x4x2048xf32, #tpu.memory_space<vmem_shared>> -> memref<4x2048xf32, #tpu.memory_space<vmem_shared>>
        %dma_wait3A_416 = arith.constant 0 : i32
        %dma_wait3A_417 = arith.constant 0 : i32
        %dma_wait3A_418 = tpu.memref_slice %arg16[%arg1, %dma_wait3A_411, %dma_wait3A_416, %dma_wait3A_417] : memref<16x4x4x2048xf32, #tpu.memory_space<vmem_shared>> -> memref<1x1x4x2048xf32, #tpu.memory_space<vmem_shared>>
        %dma_wait3A_419 = tpu.memref_squeeze %dma_wait3A_418 : memref<1x1x4x2048xf32, #tpu.memory_space<vmem_shared>> -> memref<4x2048xf32, #tpu.memory_space<vmem_shared>>
        tpu.wait_dma2 semaphore(%arg25 : memref<!tpu.dma_semaphore, #tpu.memory_space<semaphore_mem>>) src(%arg14 : memref<4x2048xf32, #tpu.memory_space<vmem>>) dst(%dma_wait3A_419 : memref<4x2048xf32, #tpu.memory_space<vmem_shared>>)
        %sub3A = arith.constant 1 : i32
        %sub3A_420 = arith.subi %add3A_374, %sub3A : i32
        %mul3A_421 = arith.constant 4 : i32
        %mul3A_422 = arith.muli %sub3A_420, %mul3A_421 : i32
        %add3A_423 = arith.addi %mul3A_2, %mul3A_422 : i32
        %dma_start3A_424 = arith.constant 2 : i32
        %dma_start3A_425 = arith.constant 0 : i32
        %dma_start3A_426 = tpu.memref_slice %arg4[%add3A_423, %dma_start3A_425] : memref<16384x2048xf32, #tpu.memory_space<hbm>> -> memref<4x2048xf32, #tpu.memory_space<hbm>>
        %dma_start3A_427 = arith.constant 0 : i32
        %dma_start3A_428 = arith.constant 0 : i32
        %dma_start3A_429 = tpu.memref_slice %arg16[%arg1, %dma_start3A_424, %dma_start3A_427, %dma_start3A_428] : memref<16x4x4x2048xf32, #tpu.memory_space<vmem_shared>> -> memref<1x1x4x2048xf32, #tpu.memory_space<vmem_shared>>
        %dma_start3A_430 = tpu.memref_squeeze %dma_start3A_429 : memref<1x1x4x2048xf32, #tpu.memory_space<vmem_shared>> -> memref<4x2048xf32, #tpu.memory_space<vmem_shared>>
        tpu.enqueue_dma source(%dma_start3A_430 : memref<4x2048xf32, #tpu.memory_space<vmem_shared>>) target(%dma_start3A_426 : memref<4x2048xf32, #tpu.memory_space<hbm>>) target_semaphore(%arg29 : memref<!tpu.dma_semaphore, #tpu.memory_space<semaphore_mem>>)
      } else {
      }
      %add3A_404 = arith.constant 8 : i32
      %add3A_405 = arith.addi %add3A_374, %add3A_404 : i32
      %lt3A_406 = arith.constant 128 : i32
      %lt3A_407 = arith.cmpi slt, %add3A_405, %lt3A_406 : i32
      %convert_element_type3A_408 = arith.extui %lt3A_407 : i1 to i32
      %cond3A_409 = arith.constant 0 : i32
      %cond3A_410 = arith.cmpi ne, %convert_element_type3A_408, %cond3A_409 : i32
      scf.if %cond3A_410 {
        %add3A_411 = arith.constant 8 : i32
        %add3A_412 = arith.addi %add3A_374, %add3A_411 : i32
        %mul3A_413 = arith.constant 4 : i32
        %mul3A_414 = arith.muli %add3A_412, %mul3A_413 : i32
        %add3A_415 = arith.addi %mul3A_2, %mul3A_414 : i32
        %dma_start3A_416 = arith.constant 0 : i32
        %dma_start3A_417 = tpu.memref_slice %arg2[%add3A_415, %dma_start3A_416] : memref<16384x2048xf32, #tpu.memory_space<hbm>> -> memref<4x2048xf32, #tpu.memory_space<hbm>>
        %dma_start3A_418 = arith.constant 0 : i32
        %dma_start3A_419 = tpu.memref_slice %arg2[%add3A_415, %dma_start3A_418] : memref<16384x2048xf32, #tpu.memory_space<hbm>> -> memref<4x2048xf32, #tpu.memory_space<hbm>>
        tpu.enqueue_dma source(%dma_start3A_419 : memref<4x2048xf32, #tpu.memory_space<hbm>>) target(%arg13 : memref<4x2048xf32, #tpu.memory_space<vmem>>) target_semaphore(%arg24 : memref<!tpu.dma_semaphore, #tpu.memory_space<semaphore_mem>>)
      } else {
      }
    }
    %scan3A_53 = arith.constant 16 : i32
    %dma_wait3A = arith.constant 3 : i32
    %dma_wait3A_54 = arith.constant 0 : i32
    %dma_wait3A_55 = arith.constant 0 : i32
    %dma_wait3A_56 = tpu.memref_slice %arg16[%arg1, %dma_wait3A, %dma_wait3A_54, %dma_wait3A_55] : memref<16x4x4x2048xf32, #tpu.memory_space<vmem_shared>> -> memref<1x1x4x2048xf32, #tpu.memory_space<vmem_shared>>
    %dma_wait3A_57 = tpu.memref_squeeze %dma_wait3A_56 : memref<1x1x4x2048xf32, #tpu.memory_space<vmem_shared>> -> memref<4x2048xf32, #tpu.memory_space<vmem_shared>>
    %dma_wait3A_58 = arith.constant 0 : i32
    %dma_wait3A_59 = arith.constant 0 : i32
    %dma_wait3A_60 = tpu.memref_slice %arg16[%arg1, %dma_wait3A, %dma_wait3A_58, %dma_wait3A_59] : memref<16x4x4x2048xf32, #tpu.memory_space<vmem_shared>> -> memref<1x1x4x2048xf32, #tpu.memory_space<vmem_shared>>
    %dma_wait3A_61 = tpu.memref_squeeze %dma_wait3A_60 : memref<1x1x4x2048xf32, #tpu.memory_space<vmem_shared>> -> memref<4x2048xf32, #tpu.memory_space<vmem_shared>>
    tpu.wait_dma2 semaphore(%arg26 : memref<!tpu.dma_semaphore, #tpu.memory_space<semaphore_mem>>) src(%arg15 : memref<4x2048xf32, #tpu.memory_space<vmem>>) dst(%dma_wait3A_61 : memref<4x2048xf32, #tpu.memory_space<vmem_shared>>)
    %add3A_62 = arith.constant 508 : i32
    %add3A_63 = arith.addi %mul3A_2, %add3A_62 : i32
    %dma_start3A_64 = arith.constant 3 : i32
    %dma_start3A_65 = arith.constant 0 : i32
    %dma_start3A_66 = tpu.memref_slice %arg4[%add3A_63, %dma_start3A_65] : memref<16384x2048xf32, #tpu.memory_space<hbm>> -> memref<4x2048xf32, #tpu.memory_space<hbm>>
    %dma_start3A_67 = arith.constant 0 : i32
    %dma_start3A_68 = arith.constant 0 : i32
    %dma_start3A_69 = tpu.memref_slice %arg16[%arg1, %dma_start3A_64, %dma_start3A_67, %dma_start3A_68] : memref<16x4x4x2048xf32, #tpu.memory_space<vmem_shared>> -> memref<1x1x4x2048xf32, #tpu.memory_space<vmem_shared>>
    %dma_start3A_70 = tpu.memref_squeeze %dma_start3A_69 : memref<1x1x4x2048xf32, #tpu.memory_space<vmem_shared>> -> memref<4x2048xf32, #tpu.memory_space<vmem_shared>>
    tpu.enqueue_dma source(%dma_start3A_70 : memref<4x2048xf32, #tpu.memory_space<vmem_shared>>) target(%dma_start3A_66 : memref<4x2048xf32, #tpu.memory_space<hbm>>) target_semaphore(%arg30 : memref<!tpu.dma_semaphore, #tpu.memory_space<semaphore_mem>>)
    %add3A_71 = arith.constant 496 : i32
    %add3A_72 = arith.addi %mul3A_2, %add3A_71 : i32
    %dma_wait3A_73 = arith.constant 0 : i32
    %dma_wait3A_74 = arith.constant 0 : i32
    %dma_wait3A_75 = tpu.memref_slice %arg4[%add3A_72, %dma_wait3A_74] : memref<16384x2048xf32, #tpu.memory_space<hbm>> -> memref<4x2048xf32, #tpu.memory_space<hbm>>
    %dma_wait3A_76 = arith.constant 0 : i32
    %dma_wait3A_77 = arith.constant 0 : i32
    %dma_wait3A_78 = tpu.memref_slice %arg16[%arg1, %dma_wait3A_73, %dma_wait3A_76, %dma_wait3A_77] : memref<16x4x4x2048xf32, #tpu.memory_space<vmem_shared>> -> memref<1x1x4x2048xf32, #tpu.memory_space<vmem_shared>>
    %dma_wait3A_79 = tpu.memref_squeeze %dma_wait3A_78 : memref<1x1x4x2048xf32, #tpu.memory_space<vmem_shared>> -> memref<4x2048xf32, #tpu.memory_space<vmem_shared>>
    tpu.wait_dma2 semaphore(%arg27 : memref<!tpu.dma_semaphore, #tpu.memory_space<semaphore_mem>>) src(%dma_wait3A_79 : memref<4x2048xf32, #tpu.memory_space<vmem_shared>>) dst(%dma_wait3A_75 : memref<4x2048xf32, #tpu.memory_space<hbm>>)
    %add3A_80 = arith.constant 500 : i32
    %add3A_81 = arith.addi %mul3A_2, %add3A_80 : i32
    %dma_wait3A_82 = arith.constant 1 : i32
    %dma_wait3A_83 = arith.constant 0 : i32
    %dma_wait3A_84 = tpu.memref_slice %arg4[%add3A_81, %dma_wait3A_83] : memref<16384x2048xf32, #tpu.memory_space<hbm>> -> memref<4x2048xf32, #tpu.memory_space<hbm>>
    %dma_wait3A_85 = arith.constant 0 : i32
    %dma_wait3A_86 = arith.constant 0 : i32
    %dma_wait3A_87 = tpu.memref_slice %arg16[%arg1, %dma_wait3A_82, %dma_wait3A_85, %dma_wait3A_86] : memref<16x4x4x2048xf32, #tpu.memory_space<vmem_shared>> -> memref<1x1x4x2048xf32, #tpu.memory_space<vmem_shared>>
    %dma_wait3A_88 = tpu.memref_squeeze %dma_wait3A_87 : memref<1x1x4x2048xf32, #tpu.memory_space<vmem_shared>> -> memref<4x2048xf32, #tpu.memory_space<vmem_shared>>
    tpu.wait_dma2 semaphore(%arg28 : memref<!tpu.dma_semaphore, #tpu.memory_space<semaphore_mem>>) src(%dma_wait3A_88 : memref<4x2048xf32, #tpu.memory_space<vmem_shared>>) dst(%dma_wait3A_84 : memref<4x2048xf32, #tpu.memory_space<hbm>>)
    %add3A_89 = arith.constant 504 : i32
    %add3A_90 = arith.addi %mul3A_2, %add3A_89 : i32
    %dma_wait3A_91 = arith.constant 2 : i32
    %dma_wait3A_92 = arith.constant 0 : i32
    %dma_wait3A_93 = tpu.memref_slice %arg4[%add3A_90, %dma_wait3A_92] : memref<16384x2048xf32, #tpu.memory_space<hbm>> -> memref<4x2048xf32, #tpu.memory_space<hbm>>
    %dma_wait3A_94 = arith.constant 0 : i32
    %dma_wait3A_95 = arith.constant 0 : i32
    %dma_wait3A_96 = tpu.memref_slice %arg16[%arg1, %dma_wait3A_91, %dma_wait3A_94, %dma_wait3A_95] : memref<16x4x4x2048xf32, #tpu.memory_space<vmem_shared>> -> memref<1x1x4x2048xf32, #tpu.memory_space<vmem_shared>>
    %dma_wait3A_97 = tpu.memref_squeeze %dma_wait3A_96 : memref<1x1x4x2048xf32, #tpu.memory_space<vmem_shared>> -> memref<4x2048xf32, #tpu.memory_space<vmem_shared>>
    tpu.wait_dma2 semaphore(%arg29 : memref<!tpu.dma_semaphore, #tpu.memory_space<semaphore_mem>>) src(%dma_wait3A_97 : memref<4x2048xf32, #tpu.memory_space<vmem_shared>>) dst(%dma_wait3A_93 : memref<4x2048xf32, #tpu.memory_space<hbm>>)
    %add3A_98 = arith.constant 508 : i32
    %add3A_99 = arith.addi %mul3A_2, %add3A_98 : i32
    %dma_wait3A_100 = arith.constant 3 : i32
    %dma_wait3A_101 = arith.constant 0 : i32
    %dma_wait3A_102 = tpu.memref_slice %arg4[%add3A_99, %dma_wait3A_101] : memref<16384x2048xf32, #tpu.memory_space<hbm>> -> memref<4x2048xf32, #tpu.memory_space<hbm>>
    %dma_wait3A_103 = arith.constant 0 : i32
    %dma_wait3A_104 = arith.constant 0 : i32
    %dma_wait3A_105 = tpu.memref_slice %arg16[%arg1, %dma_wait3A_100, %dma_wait3A_103, %dma_wait3A_104] : memref<16x4x4x2048xf32, #tpu.memory_space<vmem_shared>> -> memref<1x1x4x2048xf32, #tpu.memory_space<vmem_shared>>
    %dma_wait3A_106 = tpu.memref_squeeze %dma_wait3A_105 : memref<1x1x4x2048xf32, #tpu.memory_space<vmem_shared>> -> memref<4x2048xf32, #tpu.memory_space<vmem_shared>>
    tpu.wait_dma2 semaphore(%arg30 : memref<!tpu.dma_semaphore, #tpu.memory_space<semaphore_mem>>) src(%dma_wait3A_106 : memref<4x2048xf32, #tpu.memory_space<vmem_shared>>) dst(%dma_wait3A_102 : memref<4x2048xf32, #tpu.memory_space<hbm>>)
    return
  }
}

</mosaic_0001>

<sc_bundles>
// kernel: kernel.3.cloned.1.call-start
scs
__scs_entry_jumppad:
0x0: {  	(pc) =	sbr.rel $0x88, $3  }
0x1: {  	(tag) =	ssettag $0x0;
	lr =	simm.s32 $0x1  }
0x2: {  	[smem:$0x3F9F] =	sst lr;
	_ =	strace $0xD0000000  }
0x3: {  	_ = 	snop  }
0x4: {  	_ = 	snop  }
0x5: {  	_ = 	snop  }
0x6: {  	_ = 	snop  }
0x7: {  	_ = 	snop  }
__scs_overlays_trampoline_lowered:
0x8: {  	[smem:$0x3FAE] =	sst s0  }
0x9: {  	[smem:$0x3FAF] =	sst s1  }
0xa: {  	[smem:$0x3FB0] =	sst s2  }
0xb: {  	[smem:$0x3FB1] =	sst s3  }
0xc: {  	[smem:$0x3FB2] =	sst s4  }
0xd: {  	[smem:$0x3FB3] =	sst s5  }
0xe: {  	[smem:$0x3FB4] =	sst s6  }
0xf: {  	[smem:$0x3FB5] =	sst s7  }
0x10: {  	[smem:$0x3FB6] =	sst s8  }
0x11: {  	[smem:$0x3FB7] =	sst s9;
	s0 =	simm.s32 @!p0 $0x0  }
0x12: {  	s1 =	sld [smem:$0x3F9D];
	s0 =	simm.s32 @p0 $0x1  }
0x13: {  	[smem:$0x3FB8] =	sst s0;
	s0 =	simm.s32 @!p1 $0x0  }
0x14: {  	s2 =	sld [smem:$0x3F9C];
	s0 =	simm.s32 @p1 $0x1  }
0x15: {  	[smem:$0x3FB9] =	sst s0;
	s0 =	simm.s32 @!p2 $0x0  }
0x16: {  	s3 =	sld [smem:$0x3FDB];
	s0 =	simm.s32 @p2 $0x1  }
0x17: {  	s4 =	simm.s32 $0x1BF5;
	[smem:$0x3FBB] =	sst s0  }
0x18: {  	s0 =	sld [smem:$0x3F9E];
	_ =	swait.ge [sflag:s4], $0x0  }
0x19: {  	s7 =	sld [smem:$0x3F9F]  }
0x1a: {  	s8 =	sadd.s32 $0xFFFFE003, lr  }
0x1b: {  	s9 =	sadd.s32 $0xFFFFFEF7, lr;
	s5 =	simm.s32 $0xFFFFFFFF;
	p2 =	slt.u32 s8, $0xFFFFF086  }
0x1c: {  	p1 =	slt.u32 s9, $0xF7A;
	s5 =	simm.s32 @!p2 $0x0  }
0x1d: {  	s5 =	simm.s32 @p1 $0x1;
	p0 =	seq.s32 s7, s2  }
0x1e: {  	s7 =	smul.u32 @!p0 $0xF7A, s2;
	p2 =	seq.s32 @!p0 s5, $0x0  }
0x1f: {  	s9 =	smul.u32 $0xF7A, s1;
	s8 =	simm.s32 @!p0 $0x1BF5;
	p2 =	por !p2, p0  }
0x20: {  	[sflag:s8] =	ssyncset.s32 @!p0 $0xFFFFF086;
	s6 =	sadd.s32 @!p0 s3, s7;
	s7 =	simm.s32 @!p0 $0x108  }
0x21: {  	s3 =	sadd.s32 s3, s9;
	s6 =	sadd.s32 @!p0 $0x88, s6;
	s7 =	simm.s32 @p2 $0x1082  }
0x22: {  	[simem:s7], [sflag:s8] =	dma.local @!p0 [hbm:s6], $0xF7A  }
0x23: {  	s9 =	sor.u32 $0xD0000000, s2;
	s6 =	simm.s32 $0x108;
	_ =	swait.ge @!p0 [sflag:s8], $0x0  }
0x24: {  	s3 =	sadd.s32 $0x88, s3;
	s6 =	simm.s32 @!p1 $0x1082;
	[sflag:s4] =	ssyncset.s32 $0xFFFFF086  }
0x25: {  	[simem:s6], [sflag:s4] =	dma.local [hbm:s3], $0xF7A  }
0x26: {  	[smem:$0x3F9F] =	sst s1;
	(tag) =	ssettag s2;
	_ =	strace s9  }
0x27: {  	s1 =	sld [smem:$0x3FAF]  }
0x28: {  	s2 =	sld [smem:$0x3FB0]  }
0x29: {  	s4 =	sld [smem:$0x3FB2]  }
0x2a: {  	p0 =	seq.s32 s5, $0x0;
	s5 =	sld [smem:$0x3FB3]  }
0x2b: {  	s6 =	sld [smem:$0x3FB4]  }
0x2c: {  	s7 =	sld [smem:$0x3FB5]  }
0x2d: {  	s3 =	simm.s32 $0x108;
	s8 =	sld [smem:$0x3FB6]  }
0x2e: {  	s3 =	simm.s32 @!p0 $0x1082;
	s9 =	sld [smem:$0x3FB7]  }
0x2f: {  	lr =	sadd.s32 s0, s3;
	s0 =	sld [smem:$0x3FAE]  }
0x30: {  	s3 =	sld [smem:$0x3FB1]  }
0x31: {  	[smem:$0x3FBA] =	sst s10  }
0x32: {  	s10 =	sld [smem:$0x3FB8];
	_ =	sdelay $0x3  }
0x33: {  	p0 =	seq.s32 s10, $0x1;
	s10 =	sld [smem:$0x3FBA];
	_ =	sdelay $0x3  }
0x34: {  	[smem:$0x3FBA] =	sst s10  }
0x35: {  	s10 =	sld [smem:$0x3FB9];
	_ =	sdelay $0x3  }
0x36: {  	p1 =	seq.s32 s10, $0x1;
	s10 =	sld [smem:$0x3FBA];
	_ =	sdelay $0x3  }
0x37: {  	[smem:$0x3FBA] =	sst s10  }
0x38: {  	s10 =	sld [smem:$0x3FBB]  }
0x39: {  	_ = 	snop;
	(pc) =	sbr.ind lr, $3  }
0x3a: {  	_ = 	snop  }
0x3b: {  	_ = 	snop  }
0x3c: {  	p2 =	seq.s32 s10, $0x1;
	s10 =	sld [smem:$0x3FBA]  }
0x3d: {  	_ =	shalt  }
0x3e: {  	_ =	shalt  }
0x3f: {  	_ =	shalt  }
0x40: {  	_ =	shalt  }
0x41: {  	_ =	shalt  }
0x42: {  	_ =	shalt  }
0x43: {  	_ =	shalt  }
0x44: {  	_ =	shalt  }
0x45: {  	_ =	shalt  }
0x46: {  	_ =	shalt  }
0x47: {  	_ =	shalt  }
0x48: {  	_ =	shalt  }
0x49: {  	_ =	shalt  }
0x4a: {  	_ =	shalt  }
0x4b: {  	_ =	shalt  }
0x4c: {  	_ =	shalt  }
0x4d: {  	_ =	shalt  }
0x4e: {  	_ =	shalt  }
0x4f: {  	_ =	shalt  }
0x50: {  	_ =	shalt  }
0x51: {  	_ =	shalt  }
0x52: {  	_ =	shalt  }
0x53: {  	_ =	shalt  }
0x54: {  	_ =	shalt  }
0x55: {  	_ =	shalt  }
0x56: {  	_ =	shalt  }
0x57: {  	_ =	shalt  }
0x58: {  	_ =	shalt  }
0x59: {  	_ =	shalt  }
0x5a: {  	_ =	shalt  }
0x5b: {  	_ =	shalt  }
0x5c: {  	_ =	shalt  }
0x5d: {  	_ =	shalt  }
0x5e: {  	_ =	shalt  }
0x5f: {  	_ =	shalt  }
0x60: {  	_ =	shalt  }
0x61: {  	_ =	shalt  }
0x62: {  	_ =	shalt  }
0x63: {  	_ =	shalt  }
0x64: {  	_ =	shalt  }
0x65: {  	_ =	shalt  }
0x66: {  	_ =	shalt  }
0x67: {  	_ =	shalt  }
0x68: {  	_ =	shalt  }
0x69: {  	_ =	shalt  }
0x6a: {  	_ =	shalt  }
0x6b: {  	_ =	shalt  }
0x6c: {  	_ =	shalt  }
0x6d: {  	_ =	shalt  }
0x6e: {  	_ =	shalt  }
0x6f: {  	_ =	shalt  }
0x70: {  	_ =	shalt  }
0x71: {  	_ =	shalt  }
0x72: {  	_ =	shalt  }
0x73: {  	_ =	shalt  }
0x74: {  	_ =	shalt  }
0x75: {  	_ =	shalt  }
0x76: {  	_ =	shalt  }
0x77: {  	_ =	shalt  }
0x78: {  	_ =	shalt  }
0x79: {  	_ =	shalt  }
0x7a: {  	_ =	shalt  }
0x7b: {  	_ =	shalt  }
0x7c: {  	_ =	shalt  }
0x7d: {  	_ =	shalt  }
0x7e: {  	_ =	shalt  }
0x7f: {  	_ =	shalt  }
0x80: {  	_ =	shalt  }
0x81: {  	_ =	shalt  }
0x82: {  	_ =	shalt  }
0x83: {  	_ =	shalt  }
0x84: {  	_ =	shalt  }
0x85: {  	_ =	shalt  }
0x86: {  	_ =	shalt  }
0x87: {  	_ =	shalt  }
.Lfunc_end0:
.L_simem_size_0:
called_computation_lowered:
.L_overlay_start_0:
0x88: {  	s2 =	sld [smem:$0x3FD9]  }
0x89: {  	s3 =	sld [smem:$0x3FFE];
	_ =	sdelay $0x1  }
0x8a: {  	s1 =	srdreg.scid  }
0x8b: {  	s0 =	sand.u32 $0x1, s1  }
0x8c: {  	s18 =	sshll.u32 s0, $0xA;
	s2 =	sadd.s32 s3, s2  }
0x8d: {  	s2 =	sadd.s32 s2, s18  }
0x8e: {  	[smem:$0x3FC6] =	sst s2  }
0x8f: {  	_ = 	snop  }
0x90: {  	s2 =	sld [smem:$0x3FC9]  }
0x91: {  	s19 =	sld [smem:$0x3FC8]  }
0x92: {  	s4 =	sld [smem:$0x3FD0];
	(tm) =	ssettm $0x1  }
0x93: {  	s5 =	sld [smem:$0x3FFB];
	_ =	sdelay $0x3  }
0x94: {  	_ =	strace s5  }
0x95: {  	s5 =	sld [smem:$0x3FFC];
	_ =	sdelay $0x3  }
0x96: {  	_ =	strace s5  }
0x97: {  	s5 =	sld [smem:$0x3FFD];
	_ =	sdelay $0x3  }
0x98: {  	_ =	strace s5  }
0x99: {  	_ =	strace $0x8FFFFFFF  }
0x9a: {  	s20 =	sld [smem:$0x3FDB];
	_ =	sdelay $0x1  }
0x9b: {  	s6 =	simm.s32 $_scs_section_size  }
0x9c: {  	s7 =	simm.s32 $_size__tile_overlayer_lowered;
	s8 =	simm.s32 $_tile_overlayer_lowered  }
0x9d: {  	s23 =	simm.s32 $0x1BFF;
	s22 =	sshll.u32 s8, $0x1;
	s5 =	sadd.s32 s6, s20  }
0x9e: {  	s9 =	simm.s32 $0x0;
	s21 =	sshll.u32 s7, $0x1;
	s7 =	sadd.s32 s22, s5  }
0x9f: {  	[timem:s9], [sflag:s23] =	dma.local [hbm:s7], s21  }
0xa0: {  	_ =	swait.ge [sflag:s23], s21  }
0xa1: {  	s6 =	ssub.s32 $0x0, s21;
	[sflag:s23] =	ssyncset.done $0x0  }
0xa2: {  	[sflag:s23] =	ssyncadd.s32 s6;
	_ =	sdelay $0x1  }
0xa3: {  	s24 =	simm.s32 $0x1B8B  }
0xa4: {  	_ =	swait.ge [sflag:s24], $0x1  }
0xa5: {  	[sflag:s24] =	ssyncset.done $0x0  }
0xa6: {  	s25 =	simm.s32 $0x1B8E;
	[sflag:s24] =	ssyncadd.s32 $0xFFFFFFFF  }
0xa7: {  	s26 =	simm.s32 $execute0_lowered;
	[smem:$0x3FD2] =	sst s25  }
0xa8: {  	s6 =	sshll.u32 s26, $0x1;
	_ =	strace $0x80000046;
	[dreg:$0x1] =	wrdreg $0xFFFFFFFF  }
0xa9: {  	s28 =	simm.s32 $_size_execute0_lowered;
	s5 =	sadd.s32 s5, s6;
	[dreg:$0x0] =	wrdreg $0x0  }
0xaa: {  	s6 =	sshll.u32 s28, $0x1;
	[dreg:$0x2] =	wrdreg s5  }
0xab: {  	[dreg:$0x3] =	wrdreg s6  }
0xac: {  	[dreg:$0x4] =	wrdreg $0xC0  }
0xad: {  	_ =	task [dreg:s9], $0x5FFFF  }
0xae: {  	[dreg:$0x1] =	wrdreg $0xFFFFFFFF  }
0xaf: {  	[dreg:$0x0] =	wrdreg $0x60  }
0xb0: {  	[dreg:$0x2] =	wrdreg s2  }
0xb1: {  	[dreg:$0x3] =	wrdreg s19  }
0xb2: {  	[dreg:$0x4] =	wrdreg s4  }
0xb3: {  	[dreg:$0x5] =	wrdreg $0x148000  }
0xb4: {  	[dreg:$0x6] =	wrdreg $0x9  }
0xb5: {  	_ =	task.clear_ibuf [dreg:s9], $0x7FFFF;
	_ =	strace $0x90000046  }
0xb6: {  	s29 =	simm.s32 $0x9;
	_ =	strace $0x80000048  }
0xb7: {  	_ =	swait.ge [sflag:s29], $0x1  }
0xb8: {  	[sflag:s29] =	ssyncadd.s32 $0xFFFFFFFF  }
0xb9: {  	_ =	strace $0x90000048  }
0xba: {  	_ =	sfence  }
0xbb: {  	s30 =	sld [smem:$0x0];
	_ =	sdelay $0x2  }
0xbc: {  	s31 =	sshll.u32 s1, $0xD;
	s1 =	sshrl.u32 s1, $0x2  }
0xbd: {  	s3 =	sand.u32 $0x4000, s31;
	s1 =	sadd.s32 s1, s30  }
0xbe: {  	s0 =	sor.u32 s3, s0;
	s1 =	sshll.u32 s1, $0x11  }
0xbf: {  	s0 =	sor.u32 s1, s0  }
0xc0: {  	s0 =	sadd.s32 $0x8F2B, s0  }
0xc1: {  	[sflag:s0] =	ssyncadd.remote.s32 $0x1  }
0xc2: {  	_ =	sfence.sel $0xFFFF  }
0xc3: {  	[dreg:$0x0] =	wrdreg $0xFFFFFFFF;
	(pc) =	sbr.abs _section_cstart, $3  }
0xc4: {  	[dreg:$0x1] =	wrdreg $0xFFFFFFFF  }
0xc5: {  	_ =	task.clear_ibuf [dreg:s9], $0x2FFFF;
	_ =	strace $0x9FFFFFFF  }
0xc6: {  	(tm) =	ssettm $0x7FFFFFFF  }
0xc7: {  	_ =	shalt  }
tec
execute0_lowered:
.L_overlay_start_1:
0x0: {  	(tag) =	ssettag $0x1  }
0x1: {  	s0 =	rddreg [dreg:$0x0]  }
0x2: {  	s6 =	rddreg [dreg:$0x2]  }
0x3: {  	s1 =	rddreg [dreg:$0x3]  }
0x4: {  	s2 =	srdreg.scid;
	s5 =	simm.s32 $0x0;
	s7 =	stileid.u32  }
0x5: {  	s2 =	sand.u32 $0x1, s2;
	[smem:$0x7FF] =	sst s5;
	s12 =	sadd.s32 $0x40, s6  }
0x6: {  	s17 =	sadd.s32 $0x800, s6;
	_ =	strace $0x80000047;
	[dreg:$0xe] =	wrdreg s12  }
0x7: {  	s4 =	sshll.u32 s7, $0x12;
	s19 =	sadd.s32 $0x840, s6;
	[dreg:$0x12] =	wrdreg s17  }
0x8: {  	s23 =	sadd.s32 $0x1000, s6;
	s25 =	sadd.s32 $0x1040, s6;
	[dreg:$0x14] =	wrdreg s19  }
0x9: {  	s3 =	ssub.s32 $0x2, s2;
	s2 =	sshll.u32 s2, $0x11;
	[dreg:$0x18] =	wrdreg s23  }
0xa: {  	[dreg:$0x1a] =	wrdreg s25;
	s4 =	sor.u32 s2, s4  }
0xb: {  	s29 =	sadd.s32 s0, s4;
	[dreg:$0x5] =	wrdreg s4  }
0xc: {  	s0 =	sadd.s32 $0x40, s29;
	[dreg:$0x6] =	wrdreg s29  }
0xd: {  	s30 =	sadd.s32 $0x800, s29;
	[dreg:$0x7] =	wrdreg s0  }
0xe: {  	s31 =	sadd.s32 $0x840, s29;
	[dreg:$0x8] =	wrdreg s30  }
0xf: {  	s5 =	sadd.s32 $0x1000, s29;
	[dreg:$0x9] =	wrdreg s31  }
0x10: {  	s9 =	sshll.u32 s7, $0xF;
	s8 =	sadd.s32 $0x1040, s29;
	[dreg:$0xa] =	wrdreg s5  }
0x11: {  	s1 =	sadd.s32 s9, s1;
	s10 =	sadd.s32 $0x1800, s29;
	[dreg:$0xb] =	wrdreg s8  }
0x12: {  	s12 =	simm.s32 $0x2800;
	s11 =	sadd.s32 $0x1840, s29;
	[dreg:$0xc] =	wrdreg s10  }
0x13: {  	s25 =	simm.s32 $0x8800;
	s13 =	sadd.s32 $0x2000, s29;
	[dreg:$0xd] =	wrdreg s11  }
0x14: {  	s9 =	simm.s32 $0x0;
	s14 =	sadd.s32 $0x2040, s29;
	[dreg:$0xf] =	wrdreg s13  }
0x15: {  	s26 =	sshrl.u32 s3, $0x1;
	s16 =	sadd.s32 $0x2800, s29;
	[dreg:$0x10] =	wrdreg s14  }
0x16: {  	s15 =	sadd.s32 $0x6000, s1;
	s18 =	sadd.s32 $0x2840, s29;
	[dreg:$0x11] =	wrdreg s16  }
0x17: {  	s28 =	ssub.s32 s3, s26;
	s21 =	sadd.s32 $0x3000, s29;
	[dreg:$0x13] =	wrdreg s18  }
0x18: {  	s7 =	sadd.s32 $0x4000, s1;
	s22 =	smax.u32 s28, $0x1;
	[dreg:$0x15] =	wrdreg s21  }
0x19: {  	s2 =	simm.s32 $0xE800;
	s24 =	sadd.s32 $0x3040, s29;
	[dreg:$0x17] =	wrdreg s22  }
0x1a: {  	s20 =	sadd.s32 s4, s6;
	s26 =	sadd.s32 $0x3800, s29;
	[dreg:$0x19] =	wrdreg s24  }
0x1b: {  	s28 =	sadd.s32 $0x1800, s6;
	s29 =	sadd.s32 $0x3840, s29;
	[dreg:$0x1b] =	wrdreg s26  }
0x1c: {  	s6 =	simm.s32 $0xA800;
	s0 =	sadd.s32 $0x1F840, s20;
	[dreg:$0x1c] =	wrdreg s28  }
0x1d: {  	[dreg:$0x1d] =	wrdreg s29;
	s30 =	sadd.s32 $0x1FFFFC00, s4;
	s31 =	sadd.s32 $0x2000, s1  }
.Ltmp0:
0x1e: {  	s4 =	smov.u32 s1;
	s11 =	simm.s32 $0x800;
	(pc) =	sbr.rel .LBB2_1-.Ltmp0, $4  }
0x1f: {  	s13 =	simm.s32 $0x4800;
	s24 =	simm.s32 $0x6800;
	s8 =	simm.s32 $0xC800  }
0x20: {  	s22 =	simm.s32 $0x12800;
	s10 =	simm.s32 $0x9;
	[dreg:$0x16] =	wrdreg s0  }
0x21: {  	s5 =	simm.s32 $0x80;
	s18 =	simm.s32 $0x40;
	[dreg:$0x1e] =	wrdreg s30  }
0x22: {  	s20 =	simm.s32 $0xA;
	[dreg:$0x1f] =	wrdreg s31;
	s0 =	simm.s32 $0x4  }
.LBB2_24:
0x23: {  	_ =	swait.ge [sflag:s20], $0x2000  }
0x24: {  	[sflag:s20] =	ssyncset.done $0x0  }
0x25: {  	s28 =	simm.s32 $0xB;
	s1 =	rddreg [dreg:$0x16];
	[sflag:s20] =	ssyncadd.s32 $0xFFFFE000  }
0x26: {  	[hbm:s1@s5], [sflag:s31] =	dma.strided [spmem:s16@s18], $0x400, s0, $0x10   }
0x27: {  	_ =	swait.ge [sflag:s28], $0x400  }
0x28: {  	[sflag:s28] =	ssyncset.done $0x0  }
0x29: {  	s29 =	simm.s32 $0xC;
	[sflag:s28] =	ssyncadd.s32 $0xFFFFFC00  }
0x2a: {  	_ =	swait.ge [sflag:s29], $0x400  }
0x2b: {  	[sflag:s29] =	ssyncset.done $0x0  }
0x2c: {  	s30 =	simm.s32 $0xD;
	[sflag:s29] =	ssyncadd.s32 $0xFFFFFC00  }
0x2d: {  	_ =	swait.ge [sflag:s30], $0x400  }
0x2e: {  	[sflag:s30] =	ssyncset.done $0x0  }
0x2f: {  	s3 =	simm.s32 $0xE;
	[sflag:s30] =	ssyncadd.s32 $0xFFFFFC00  }
0x30: {  	_ =	swait.ge [sflag:s3], $0x400  }
0x31: {  	s9 =	sld [smem:$0x7FD];
	_ =	sdelay $0x2  }
0x32: {  	s31 =	rddreg [dreg:$0x17];
	s9 =	sadd.s32 $0x1, s9  }
0x33: {  	p0 =	sne.s32 s9, s31  }
.Ltmp1:
0x34: {  	_ = 	snop;
	(pc) =	sbr.rel @!p0 .LBB2_25-.Ltmp1, $3  }
0x35: {  	_ =	sdelay $0x1  }
0x36: {  	[sflag:s3] =	ssyncset.done $0x0  }
0x37: {  	[sflag:s3] =	ssyncadd.s32 $0xFFFFFC00  }
.LBB2_1:
0x38: {  	[smem:$0x7FD] =	sst s9  }
0x39: {  	s1 =	rddreg [dreg:$0x1];
	s3 =	simm.s32 $0x0;
	s14 =	simm.s32 $0xF  }
0x3a: {  	[tilespmem:s3], [sflag:$0xF] =	stream.linear.gather [hbm4b:s1+s3], $0x800, $0x38;
	[tilespmem:$0x1C800] =	vst v63  }
0x3b: {  	_ =	swait.ge [sflag:s14], $0x800  }
0x3c: {  	s17 =	simm.s32 $0x200;
	[sflag:s14] =	ssyncset.done $0x0  }
0x3d: {  	s19 =	simm.s32 $0x400;
	s16 =	rddreg [dreg:$0x6];
	[sflag:s14] =	ssyncadd.s32 $0xFFFFF800  }
0x3e: {  	[tilespmem:s11], [sflag:$0x1] =	stream.strided.gather [hbm4b:s16+s17], $0x2000, s19, s17, $0x38;
	[tilespmem:$0x1C800] =	vst v63  }
0x3f: {  	s21 =	rddreg [dreg:$0x7]  }
0x40: {  	[tilespmem:s12], [sflag:$0x2] =	stream.strided.gather [hbm4b:s21+s17], $0x2000, s19, s17, $0x38;
	[tilespmem:$0x1C800] =	vst v63  }
0x41: {  	s23 =	rddreg [dreg:$0x8]  }
0x42: {  	[tilespmem:s13], [sflag:$0x3] =	stream.strided.gather [hbm4b:s23+s17], $0x2000, s19, s17, $0x38;
	[tilespmem:$0x1C800] =	vst v63  }
0x43: {  	s26 =	rddreg [dreg:$0x9]  }
0x44: {  	[tilespmem:s24], [sflag:$0x4] =	stream.strided.gather [hbm4b:s26+s17], $0x2000, s19, s17, $0x38;
	[tilespmem:$0x1C800] =	vst v63  }
0x45: {  	s28 =	rddreg [dreg:$0xa]  }
0x46: {  	[tilespmem:s25], [sflag:$0x5] =	stream.strided.gather [hbm4b:s28+s17], $0x2000, s19, s17, $0x38;
	[tilespmem:$0x1C800] =	vst v63  }
0x47: {  	s29 =	rddreg [dreg:$0xb]  }
0x48: {  	[tilespmem:s6], [sflag:$0x6] =	stream.strided.gather [hbm4b:s29+s17], $0x2000, s19, s17, $0x38;
	[tilespmem:$0x1C800] =	vst v63  }
0x49: {  	s30 =	rddreg [dreg:$0xc]  }
0x4a: {  	[tilespmem:s8], [sflag:$0x7] =	stream.strided.gather [hbm4b:s30+s17], $0x2000, s19, s17, $0x38;
	[tilespmem:$0x1C800] =	vst v63  }
0x4b: {  	s1 =	simm.s32 $0x0;
	s31 =	rddreg [dreg:$0xd]  }
0x4c: {  	[tilespmem:s2], [sflag:$0x8] =	stream.strided.gather [hbm4b:s31+s17], $0x2000, s19, s17, $0x38;
	[tilespmem:$0x1C800] =	vst v63  }
.LBB2_2:
0x4d: {  	s3 =	simm.s32 $0x1  }
0x4e: {  	_ =	swait.ge [sflag:s3], $0x2000  }
0x4f: {  	[sflag:s3] =	ssyncset.done $0x0  }
0x50: {  	s31 =	simm.s32 $0x40;
	[sflag:s3] =	ssyncadd.s32 $0xFFFFE000  }
0x51: {  	v0 =	vld [tilespmem:s31+$0xFFFFFFC0]  }
0x52: {  	v1 =	vld [tilespmem:s31+$0x10]  }
0x53: {  	v3 =	vld [tilespmem:s31+$0xFFFFFFE0]  }
0x54: {  	v2 =	vld [tilespmem:s31+$0x0];
	_ =	sdelay $0x1  }
0x55: {  	v6 =	vld [tilespmem:s31+$0x20]  }
0x56: {  	v7 =	vld [tilespmem:s31+$0xFFFFFFF0];
	v4 =	vshll.u32 v0, $0x2;
	v0 =	vand.u32 $0x7F, v0;
	v5 =	vshll.u32 v1, $0x2  }
0x57: {  	v1 =	vand.u32 $0x7F, v1;
	v9 =	vshll.u32 v3, $0x2;
	v4 =	vand.u32 $0xFFFFFE00, v4  }
0x58: {  	v8 =	vld [tilespmem:s31+$0xFFFFFFD0];
	v3 =	vand.u32 $0x7F, v3;
	v4 =	vor.u32 v0, v4;
	v0 =	vshll.u32 v2, $0x2  }
0x59: {  	v5 =	vand.u32 $0xFFFFFE00, v5;
	v2 =	vand.u32 $0x7F, v2;
	v0 =	vand.u32 $0xFFFFFE00, v0  }
0x5a: {  	v5 =	vor.u32 v1, v5;
	v0 =	vor.u32 v2, v0;
	v2 =	vand.u32 $0xFFFFFE00, v9;
	v9 =	vld [tilespmem:s31+$0x30]  }
0x5b: {  	v11 =	vand.u32 $0x7F, v7;
	v2 =	vor.u32 v3, v2;
	v3 =	vshll.u32 v6, $0x2  }
0x5c: {  	v1 =	vand.u32 $0x7F, v6;
	v12 =	vor.u32 $0x80, v4;
	v3 =	vand.u32 $0xFFFFFE00, v3  }
0x5d: {  	v6 =	vshll.u32 v7, $0x2;
	v10 =	vld.idx.msk [tilespmem:v4+s11+$0x0], $0xffff;
	v1 =	vor.u32 v1, v3;
	v3 =	vshll.u32 v8, $0x2  }
0x5e: {  	v6 =	vand.u32 $0xFFFFFE00, v6;
	v8 =	vand.u32 $0x7F, v8;
	v3 =	vand.u32 $0xFFFFFE00, v3  }
0x5f: {  	v6 =	vor.u32 v11, v6;
	v17 =	vld.idx.msk [tilespmem:v5+s11+$0x0], $0xffff;
	v7 =	vor.u32 v8, v3;
	v3 =	vshll.u32 v9, $0x2  }
0x60: {  	v13 =	vld.idx.msk [tilespmem:v0+s11+$0x0], $0xffff;
	v8 =	vand.u32 $0x7F, v9;
	v3 =	vand.u32 $0xFFFFFE00, v3  }
0x61: {  	s3 =	simm.s32 $0x10900;
	v11 =	vld.idx.msk [tilespmem:v2+s11+$0x0], $0xffff;
	v3 =	vor.u32 v8, v3  }
0x62: {  	v20 =	vor.u32 $0x80, v0;
	[tilespmem:s3+$0xFFFFFF00] =	vst v10;
	v10 =	vld.idx.msk [tilespmem:v1+s11+$0x0], $0xffff  }
0x63: {  	v18 =	vld.idx.msk [tilespmem:v12+s11+$0x0], $0xffff;
	v12 =	vor.u32 $0x80, v5  }
0x64: {  	v15 =	vor.u32 $0x80, v2;
	v16 =	vld.idx.msk [tilespmem:v6+s11+$0x0], $0xffff  }
0x65: {  	s16 =	simm.s32 $0x0;
	s9 =	simm.s32 $0xC0;
	s17 =	simm.s32 $0x10900;
	v9 =	vor.u32 $0x80, v1;
	v14 =	vor.u32 $0x80, v7;
	v8 =	vor.u32 $0x80, v3;
	v19 =	vld.idx.msk [tilespmem:v7+s11+$0x0], $0xffff  }
.LBB2_3:
0x66: {  	s16 =	sadd.s32 $0x8, s16;
	[tilespmem:s3+$0xFFFFFF40] =	vst v13;
	v13 =	vld.idx.msk [tilespmem:v3+s11+$0x0], $0xffff;
	s17 =	sadd.s32 $0x200, s17  }
0x67: {  	p0 =	slt.u32 s16, $0x78;
	v20 =	vld.idx.msk [tilespmem:v20+s11+$0x0], $0xffff;
	[tilespmem:s3+$0xFFFFFF50] =	vst v17  }
0x68: {  	v17 =	vor.u32 $0x100, v4;
	v12 =	vld.idx.msk [tilespmem:v12+s11+$0x0], $0xffff  }
0x69: {  	v21 =	vld [tilespmem:s9+$0x10];
	[tilespmem:s3+$0xFFFFFF80] =	vst v18  }
0x6a: {  	v18 =	vld [tilespmem:s9+$0xFFFFFFE0];
	[tilespmem:s3+$0xFFFFFF10] =	vst v19;
	v19 =	vor.u32 $0x80, v6  }
0x6b: {  	v14 =	vld.idx.msk [tilespmem:v14+s11+$0x0], $0xffff;
	[tilespmem:s3+$0xFFFFFF20] =	vst v11  }
0x6c: {  	v11 =	vld.idx.msk [tilespmem:v15+s11+$0x0], $0xffff;
	[tilespmem:s3+$0xFFFFFF70] =	vst v13  }
0x6d: {  	v13 =	vld.idx.msk [tilespmem:v17+s11+$0x0], $0xffff;
	[tilespmem:s3+$0xFFFFFFC0] =	vst v20  }
0x6e: {  	v15 =	vld [tilespmem:s9+$0xFFFFFFF0];
	[tilespmem:s3+$0xFFFFFF30] =	vst v16  }
0x6f: {  	v16 =	vld.idx.msk [tilespmem:v19+s11+$0x0], $0xffff;
	[tilespmem:s3+$0xFFFFFFD0] =	vst v12  }
0x70: {  	v12 =	vld [tilespmem:s9+$0xFFFFFFC0];
	[tilespmem:s3+$0xFFFFFF60] =	vst v10  }
0x71: {  	[tilespmem:s3+$0xFFFFFF90] =	vst v14;
	v8 =	vld.idx.msk [tilespmem:v8+s11+$0x0], $0xffff  }
0x72: {  	v10 =	vld [tilespmem:s9+$0x20];
	[tilespmem:s3+$0xFFFFFFA0] =	vst v11;
	v11 =	vor.u32 $0x100, v5  }
0x73: {  	v14 =	vld [tilespmem:s9+$0x30];
	[tilespmem:s3+$0x0] =	vst v13;
	v13 =	vor.u32 $0x100, v7  }
0x74: {  	v19 =	vor.u32 $0x100, v6;
	v17 =	vld [tilespmem:s9+$0xFFFFFFD0]  }
0x75: {  	v20 =	vor.u32 $0x180, v4;
	[tilespmem:s3+$0xFFFFFFB0] =	vst v16;
	v9 =	vld.idx.msk [tilespmem:v9+s11+$0x0], $0xffff  }
0x76: {  	v22 =	vor.u32 $0x100, v2;
	v23 =	vor.u32 $0x180, v5;
	v5 =	vor.u32 $0x100, v1;
	v16 =	vld [tilespmem:s9+$0x0]  }
0x77: {  	v24 =	vor.u32 $0x100, v0;
	v4 =	vshll.u32 v12, $0x2;
	v11 =	vld.idx.msk [tilespmem:v11+s11+$0x0], $0xffff;
	[tilespmem:s3+$0xFFFFFFF0] =	vst v8;
	v8 =	vor.u32 $0x100, v3  }
0x78: {  	v4 =	vand.u32 $0xFFFFFE00, v4;
	v25 =	vand.u32 $0x7F, v14;
	v14 =	vshll.u32 v14, $0x2;
	v13 =	vld.idx.msk [tilespmem:v13+s11+$0x0], $0xffff  }
0x79: {  	v6 =	vor.u32 $0x180, v6;
	v12 =	vand.u32 $0x7F, v12;
	v14 =	vand.u32 $0xFFFFFE00, v14;
	v19 =	vld.idx.msk [tilespmem:v19+s11+$0x0], $0xffff  }
0x7a: {  	v7 =	vor.u32 $0x180, v7;
	v4 =	vor.u32 v12, v4;
	v12 =	vshll.u32 v21, $0x2;
	v20 =	vld.idx.msk [tilespmem:v20+s11+$0x0], $0xffff  }
0x7b: {  	v26 =	vshll.u32 v15, $0x2;
	v14 =	vor.u32 v25, v14;
	v27 =	vshll.u32 v16, $0x2;
	v22 =	vld.idx.msk [tilespmem:v22+s11+$0x0], $0xffff;
	[tilespmem:s3+$0xFFFFFFE0] =	vst v9  }
0x7c: {  	v21 =	vand.u32 $0x7F, v21;
	v9 =	vand.u32 $0xFFFFFE00, v26;
	v16 =	vand.u32 $0x7F, v16;
	v25 =	vld.idx.msk [tilespmem:v5+s11+$0x0], $0xffff  }
0x7d: {  	v12 =	vand.u32 $0xFFFFFE00, v12;
	v26 =	vor.u32 $0x180, v2;
	v5 =	vand.u32 $0xFFFFFE00, v27;
	[tilespmem:s3+$0x50] =	vst v11;
	v8 =	vld.idx.msk [tilespmem:v8+s11+$0x0], $0xffff  }
0x7e: {  	v2 =	vshll.u32 v18, $0x2;
	v11 =	vor.u32 v16, v5;
	v5 =	vor.u32 v21, v12;
	[tilespmem:s3+$0x10] =	vst v13;
	v12 =	vld.idx.msk [tilespmem:v24+s11+$0x0], $0xffff  }
0x7f: {  	v2 =	vand.u32 $0xFFFFFE00, v2;
	v13 =	vor.u32 $0x180, v3;
	v3 =	vmov v14;
	v7 =	vld.idx.msk [tilespmem:v7+s11+$0x0], $0xffff;
	[tilespmem:s3+$0x30] =	vst v19  }
0x80: {  	v14 =	vand.u32 $0x7F, v18;
	v18 =	vor.u32 $0x180, v0;
	v0 =	vmovc v11;
	v19 =	vor.u32 $0x180, v1;
	[tilespmem:s3+$0x80] =	vst v20;
	v16 =	vld.idx.msk [tilespmem:v6+s11+$0x0], $0xffff  }
0x81: {  	v21 =	vor.u32 $0x80, v4;
	v2 =	vor.u32 v14, v2;
	v1 =	vand.u32 $0x7F, v15;
	[tilespmem:s3+$0x20] =	vst v22;
	v11 =	vld.idx.msk [tilespmem:v23+s11+$0x0], $0xffff  }
0x82: {  	v6 =	vor.u32 v1, v9;
	v1 =	vshll.u32 v10, $0x2;
	v9 =	vld.idx.msk [tilespmem:v26+s11+$0x0], $0xffff;
	[tilespmem:s3+$0x60] =	vst v25  }
0x83: {  	v10 =	vand.u32 $0x7F, v10;
	v1 =	vand.u32 $0xFFFFFE00, v1;
	v15 =	vld.idx.msk [tilespmem:v4+s11+$0x0], $0xffff;
	[tilespmem:s3+$0x70] =	vst v8  }
0x84: {  	v1 =	vor.u32 v10, v1;
	[tilespmem:s3+$0x40] =	vst v12;
	v22 =	vld.idx.msk [tilespmem:v13+s11+$0x0], $0xffff  }
0x85: {  	v8 =	vshll.u32 v17, $0x2;
	v12 =	vor.u32 $0x80, v5;
	v13 =	vld.idx.msk [tilespmem:v0+s11+$0x0], $0xffff;
	[tilespmem:s3+$0x90] =	vst v7  }
0x86: {  	v10 =	vand.u32 $0xFFFFFE00, v8;
	v8 =	vor.u32 $0x80, v3;
	v7 =	vand.u32 $0x7F, v17;
	[tilespmem:s3+$0xB0] =	vst v16;
	v16 =	vld.idx.msk [tilespmem:v18+s11+$0x0], $0xffff  }
0x87: {  	v7 =	vor.u32 v7, v10;
	[tilespmem:s3+$0xD0] =	vst v11;
	v23 =	vld.idx.msk [tilespmem:v19+s11+$0x0], $0xffff  }
0x88: {  	v14 =	vor.u32 $0x80, v7;
	v11 =	vld.idx.msk [tilespmem:v2+s11+$0x0], $0xffff  }
.Ltmp2:
0x89: {  	[tilespmem:s17+$0xFFFFFF00] =	vst v15;
	v15 =	vor.u32 $0x80, v2;
	v17 =	vld.idx.msk [tilespmem:v5+s11+$0x0], $0xffff;
	(pc) =	sbr.rel @p0 .LBB2_3-.Ltmp2, $4  }
0x8a: {  	v20 =	vor.u32 $0x80, v0;
	v10 =	vld.idx.msk [tilespmem:v1+s11+$0x0], $0xffff;
	[tilespmem:s3+$0xF0] =	vst v22  }
0x8b: {  	v18 =	vld.idx.msk [tilespmem:v21+s11+$0x0], $0xffff;
	[tilespmem:s3+$0xA0] =	vst v9  }
0x8c: {  	v19 =	vld.idx.msk [tilespmem:v7+s11+$0x0], $0xffff;
	[tilespmem:s3+$0xC0] =	vst v16  }
0x8d: {  	s9 =	sadd.s32 $0x80, s9;
	v9 =	vor.u32 $0x80, v1;
	v16 =	vld.idx.msk [tilespmem:v6+s11+$0x0], $0xffff;
	[tilespmem:s3+$0xE0] =	vst v23;
	s3 =	smov.u32 s17  }
0x8e: {  	_ =	sdelay $0x1  }
0x8f: {  	[tilespmem:s3+$0xFFFFFF40] =	vst v13  }
0x90: {  	[tilespmem:s3+$0xFFFFFF50] =	vst v17  }
0x91: {  	v34 =	vld.idx.msk [tilespmem:v3+s11+$0x0], $0xffff;
	[tilespmem:s3+$0xFFFFFF20] =	vst v11  }
0x92: {  	v36 =	vor.u32 $0x80, v6;
	v35 =	vld.idx.msk [tilespmem:v20+s11+$0x0], $0xffff;
	[tilespmem:s3+$0xFFFFFF60] =	vst v10  }
0x93: {  	v37 =	vor.u32 $0x100, v4;
	v12 =	vld.idx.msk [tilespmem:v12+s11+$0x0], $0xffff;
	[tilespmem:s3+$0xFFFFFF80] =	vst v18  }
0x94: {  	v39 =	vld.idx.msk [tilespmem:v15+s11+$0x0], $0xffff;
	[tilespmem:s3+$0xFFFFFF10] =	vst v19  }
0x95: {  	v40 =	vor.u32 $0x100, v5;
	v9 =	vld.idx.msk [tilespmem:v9+s11+$0x0], $0xffff;
	[tilespmem:s3+$0xFFFFFF30] =	vst v16  }
0x96: {  	v46 =	vor.u32 $0x100, v2;
	v38 =	vld.idx.msk [tilespmem:v14+s11+$0x0], $0xffff;
	[tilespmem:s3+$0xFFFFFF70] =	vst v34  }
0x97: {  	v51 =	vor.u32 $0x100, v0;
	v41 =	vld.idx.msk [tilespmem:v36+s11+$0x0], $0xffff;
	[tilespmem:s3+$0xFFFFFFC0] =	vst v35  }
0x98: {  	v49 =	vor.u32 $0x100, v1;
	v43 =	vld.idx.msk [tilespmem:v37+s11+$0x0], $0xffff;
	[tilespmem:s3+$0xFFFFFFD0] =	vst v12  }
0x99: {  	v42 =	vor.u32 $0x100, v7;
	v8 =	vld.idx.msk [tilespmem:v8+s11+$0x0], $0xffff;
	[tilespmem:s3+$0xFFFFFFA0] =	vst v39  }
0x9a: {  	v44 =	vor.u32 $0x100, v6;
	v47 =	vld.idx.msk [tilespmem:v40+s11+$0x0], $0xffff;
	[tilespmem:s3+$0xFFFFFFE0] =	vst v9  }
0x9b: {  	v45 =	vor.u32 $0x180, v4;
	v54 =	vld.idx.msk [tilespmem:v46+s11+$0x0], $0xffff;
	[tilespmem:s3+$0xFFFFFF90] =	vst v38  }
0x9c: {  	v48 =	vor.u32 $0x100, v3;
	v60 =	vld.idx.msk [tilespmem:v51+s11+$0x0], $0xffff;
	[tilespmem:s3+$0xFFFFFFB0] =	vst v41  }
0x9d: {  	v55 =	vor.u32 $0x180, v5;
	v57 =	vld.idx.msk [tilespmem:v49+s11+$0x0], $0xffff;
	[tilespmem:s3+$0x0] =	vst v43  }
0x9e: {  	v59 =	vor.u32 $0x180, v2;
	v50 =	vld.idx.msk [tilespmem:v42+s11+$0x0], $0xffff;
	[tilespmem:s3+$0xFFFFFFF0] =	vst v8  }
0x9f: {  	v61 =	vor.u32 $0x180, v0;
	v12 =	vld.idx.msk [tilespmem:v44+s11+$0x0], $0xffff;
	[tilespmem:s3+$0x50] =	vst v47  }
0xa0: {  	v63 =	vor.u32 $0x180, v1;
	v4 =	vld.idx.msk [tilespmem:v45+s11+$0x0], $0xffff;
	[tilespmem:s3+$0x20] =	vst v54  }
0xa1: {  	v52 =	vor.u32 $0x180, v7;
	v56 =	vld.idx.msk [tilespmem:v48+s11+$0x0], $0xffff;
	[tilespmem:s3+$0x40] =	vst v60  }
0xa2: {  	v53 =	vor.u32 $0x180, v6;
	v5 =	vld.idx.msk [tilespmem:v55+s11+$0x0], $0xffff;
	[tilespmem:s3+$0x60] =	vst v57  }
0xa3: {  	v58 =	vor.u32 $0x180, v3;
	v2 =	vld.idx.msk [tilespmem:v59+s11+$0x0], $0xffff;
	[tilespmem:s3+$0x10] =	vst v50  }
0xa4: {  	v0 =	vld.idx.msk [tilespmem:v61+s11+$0x0], $0xffff;
	[tilespmem:s3+$0x30] =	vst v12  }
0xa5: {  	v1 =	vld.idx.msk [tilespmem:v63+s11+$0x0], $0xffff;
	[tilespmem:s3+$0x80] =	vst v4  }
0xa6: {  	v7 =	vld.idx.msk [tilespmem:v52+s11+$0x0], $0xffff;
	[tilespmem:s3+$0x70] =	vst v56  }
0xa7: {  	v62 =	vld.idx.msk [tilespmem:v53+s11+$0x0], $0xffff;
	[tilespmem:s3+$0xD0] =	vst v5  }
0xa8: {  	p0 =	sne.s32 s1, $0x0;
	v3 =	vld.idx.msk [tilespmem:v58+s11+$0x0], $0xffff;
	[tilespmem:s3+$0xA0] =	vst v2  }
.Ltmp3:
0xa9: {  	[tilespmem:s3+$0xC0] =	vst v0;
	(pc) =	sbr.rel @!p0 .LBB2_5-.Ltmp3, $4  }
0xaa: {  	[tilespmem:s3+$0xE0] =	vst v1  }
0xab: {  	[tilespmem:s3+$0x90] =	vst v7  }
0xac: {  	[tilespmem:s3+$0xB0] =	vst v62  }
0xad: {  	[tilespmem:s3+$0xF0] =	vst v3;
	s3 =	sshll.u32 s1, $0xD  }
0xae: {  	s9 =	simm.s32 $0xB  }
0xaf: {  	_ =	swait.ge [sflag:s9], $0x400  }
0xb0: {  	[sflag:s9] =	ssyncset.done $0x0  }
0xb1: {  	s29 =	simm.s32 $0x10800;
	[sflag:s9] =	ssyncadd.s32 $0xFFFFFC00  }
0xb2: {  	[spmem:s4] =	stream.linear.scatter [tilespmem:s29], [sflag:$0x9], $0x2000, $0x38;
	[tilespmem:$0x1C800] =	vst v63  }
0xb3: {  	s14 =	stileid.u32;
	p0 =	seq.s32 s1, $0xF;
	_ =	swait.ge [sflag:s20], $0x2000  }
.Ltmp4:
0xb4: {  	s31 =	sshrl.u32 s15, $0x3;
	s30 =	rddreg [dreg:$0x1e];
	(pc) =	sbr.rel @p0 .LBB2_8-.Ltmp4, $4  }
.Ltmp5:
0xb5: {  	s14 =	sshll.u32 s14, $0x6;
	s9 =	sadd.s32 s30, s3;
	(pc) =	sbr.rel @!p0 .LBB2_7-.Ltmp5, $4  }
0xb6: {  	[sflag:s20] =	ssyncset.done $0x0;
	s16 =	rddreg [dreg:$0xe];
	s9 =	sand.u32 $0x1FFFF800, s9  }
0xb7: {  	s14 =	sor.u32 $0x1C0E, s14;
	[sflag:s20] =	ssyncadd.s32 $0xFFFFE000;
	s9 =	sadd.s32 s9, s16  }
0xb8: {  	[hbm:s9@s5], [sflag:s14] =	dma.strided [spmem:s31@s18], $0x400, s0, $0x10   }
0xb9: {  	_ = 	snop  }
.LBB2_5:
0xba: {  	s9 =	simm.s32 $0x10800  }
0xbb: {  	[spmem:s4] =	stream.linear.scatter [tilespmem:s9], [sflag:$0x9], $0x2000, $0x38;
	[tilespmem:$0x1C800] =	vst v63  }
.LBB2_7:
0xbc: {  	s9 =	rddreg [dreg:$0xf]  }
0xbd: {  	s14 =	simm.s32 $0x200;
	s16 =	simm.s32 $0x400;
	s9 =	sadd.s32 s3, s9  }
0xbe: {  	[tilespmem:s11], [sflag:$0x1] =	stream.strided.gather [hbm4b:s9+s14], $0x2000, s16, s14, $0x38;
	[tilespmem:$0x1C800] =	vst v63  }
.LBB2_8:
0xbf: {  	s9 =	simm.s32 $0x2  }
0xc0: {  	_ =	swait.ge [sflag:s9], $0x2000  }
0xc1: {  	[sflag:s9] =	ssyncset.done $0x0  }
0xc2: {  	s30 =	simm.s32 $0x40;
	[sflag:s9] =	ssyncadd.s32 $0xFFFFE000  }
0xc3: {  	v0 =	vld [tilespmem:s30+$0xFFFFFFC0]  }
0xc4: {  	v1 =	vld [tilespmem:s30+$0x10]  }
0xc5: {  	v3 =	vld [tilespmem:s30+$0xFFFFFFE0]  }
0xc6: {  	v2 =	vld [tilespmem:s30+$0x0];
	_ =	sdelay $0x1  }
0xc7: {  	v6 =	vld [tilespmem:s30+$0x20]  }
0xc8: {  	v7 =	vld [tilespmem:s30+$0xFFFFFFF0];
	v4 =	vshll.u32 v0, $0x2;
	v0 =	vand.u32 $0x7F, v0;
	v5 =	vshll.u32 v1, $0x2  }
0xc9: {  	v1 =	vand.u32 $0x7F, v1;
	v9 =	vshll.u32 v3, $0x2;
	v4 =	vand.u32 $0xFFFFFE00, v4  }
0xca: {  	v8 =	vld [tilespmem:s30+$0xFFFFFFD0];
	v3 =	vand.u32 $0x7F, v3;
	v4 =	vor.u32 v0, v4;
	v0 =	vshll.u32 v2, $0x2  }
0xcb: {  	v5 =	vand.u32 $0xFFFFFE00, v5;
	v2 =	vand.u32 $0x7F, v2;
	v0 =	vand.u32 $0xFFFFFE00, v0  }
0xcc: {  	v5 =	vor.u32 v1, v5;
	v0 =	vor.u32 v2, v0;
	v2 =	vand.u32 $0xFFFFFE00, v9;
	v9 =	vld [tilespmem:s30+$0x30]  }
0xcd: {  	v11 =	vand.u32 $0x7F, v7;
	v2 =	vor.u32 v3, v2;
	v3 =	vshll.u32 v6, $0x2  }
0xce: {  	v1 =	vand.u32 $0x7F, v6;
	v12 =	vor.u32 $0x80, v4;
	v3 =	vand.u32 $0xFFFFFE00, v3  }
0xcf: {  	v6 =	vshll.u32 v7, $0x2;
	v10 =	vld.idx.msk [tilespmem:v4+s12+$0x0], $0xffff;
	v1 =	vor.u32 v1, v3;
	v3 =	vshll.u32 v8, $0x2  }
0xd0: {  	v6 =	vand.u32 $0xFFFFFE00, v6;
	v8 =	vand.u32 $0x7F, v8;
	v3 =	vand.u32 $0xFFFFFE00, v3  }
0xd1: {  	v6 =	vor.u32 v11, v6;
	v17 =	vld.idx.msk [tilespmem:v5+s12+$0x0], $0xffff;
	v7 =	vor.u32 v8, v3;
	v3 =	vshll.u32 v9, $0x2  }
0xd2: {  	v13 =	vld.idx.msk [tilespmem:v0+s12+$0x0], $0xffff;
	v8 =	vand.u32 $0x7F, v9;
	v3 =	vand.u32 $0xFFFFFE00, v3  }
0xd3: {  	s16 =	simm.s32 $0x12900;
	v11 =	vld.idx.msk [tilespmem:v2+s12+$0x0], $0xffff;
	v3 =	vor.u32 v8, v3  }
0xd4: {  	v20 =	vor.u32 $0x80, v0;
	[tilespmem:s16+$0xFFFFFF00] =	vst v10;
	v9 =	vld.idx.msk [tilespmem:v1+s12+$0x0], $0xffff  }
0xd5: {  	v18 =	vld.idx.msk [tilespmem:v12+s12+$0x0], $0xffff;
	v12 =	vor.u32 $0x80, v5  }
0xd6: {  	s17 =	simm.s32 $0x0;
	v15 =	vor.u32 $0x80, v2;
	v16 =	vld.idx.msk [tilespmem:v6+s12+$0x0], $0xffff;
	s31 =	rddreg [dreg:$0x5]  }
0xd7: {  	s21 =	simm.s32 $0x12900;
	s9 =	simm.s32 $0xC0;
	v14 =	vor.u32 $0x80, v7;
	v8 =	vor.u32 $0x80, v3;
	v10 =	vor.u32 $0x80, v1;
	s19 =	sor.u32 s31, s3;
	v19 =	vld.idx.msk [tilespmem:v7+s12+$0x0], $0xffff  }
.LBB2_9:
0xd8: {  	s17 =	sadd.s32 $0x8, s17;
	[tilespmem:s16+$0xFFFFFF40] =	vst v13;
	v13 =	vld.idx.msk [tilespmem:v3+s12+$0x0], $0xffff;
	s21 =	sadd.s32 $0x200, s21  }
0xd9: {  	p0 =	slt.u32 s17, $0x78;
	v20 =	vld.idx.msk [tilespmem:v20+s12+$0x0], $0xffff;
	[tilespmem:s16+$0xFFFFFF50] =	vst v17  }
0xda: {  	v17 =	vor.u32 $0x100, v4;
	v12 =	vld.idx.msk [tilespmem:v12+s12+$0x0], $0xffff  }
0xdb: {  	v21 =	vld [tilespmem:s9+$0x10];
	[tilespmem:s16+$0xFFFFFF80] =	vst v18  }
0xdc: {  	v18 =	vld [tilespmem:s9+$0xFFFFFFE0];
	[tilespmem:s16+$0xFFFFFF10] =	vst v19;
	v19 =	vor.u32 $0x80, v6  }
0xdd: {  	v14 =	vld.idx.msk [tilespmem:v14+s12+$0x0], $0xffff;
	[tilespmem:s16+$0xFFFFFF20] =	vst v11  }
0xde: {  	v11 =	vld.idx.msk [tilespmem:v15+s12+$0x0], $0xffff;
	[tilespmem:s16+$0xFFFFFF70] =	vst v13  }
0xdf: {  	v13 =	vld.idx.msk [tilespmem:v17+s12+$0x0], $0xffff;
	[tilespmem:s16+$0xFFFFFFC0] =	vst v20  }
0xe0: {  	v15 =	vld [tilespmem:s9+$0xFFFFFFF0];
	[tilespmem:s16+$0xFFFFFF30] =	vst v16  }
0xe1: {  	v16 =	vld.idx.msk [tilespmem:v19+s12+$0x0], $0xffff;
	[tilespmem:s16+$0xFFFFFFD0] =	vst v12  }
0xe2: {  	v12 =	vld [tilespmem:s9+$0xFFFFFFC0];
	[tilespmem:s16+$0xFFFFFF60] =	vst v9  }
0xe3: {  	[tilespmem:s16+$0xFFFFFF90] =	vst v14;
	v8 =	vld.idx.msk [tilespmem:v8+s12+$0x0], $0xffff  }
0xe4: {  	v9 =	vld [tilespmem:s9+$0x20];
	[tilespmem:s16+$0xFFFFFFA0] =	vst v11;
	v11 =	vor.u32 $0x100, v5  }
0xe5: {  	v14 =	vld [tilespmem:s9+$0x30];
	[tilespmem:s16+$0x0] =	vst v13;
	v13 =	vor.u32 $0x100, v7  }
0xe6: {  	v19 =	vor.u32 $0x100, v6;
	v17 =	vld [tilespmem:s9+$0xFFFFFFD0]  }
0xe7: {  	v20 =	vor.u32 $0x180, v4;
	[tilespmem:s16+$0xFFFFFFB0] =	vst v16;
	v10 =	vld.idx.msk [tilespmem:v10+s12+$0x0], $0xffff  }
0xe8: {  	v22 =	vor.u32 $0x100, v2;
	v23 =	vor.u32 $0x180, v5;
	v5 =	vor.u32 $0x100, v1;
	v16 =	vld [tilespmem:s9+$0x0]  }
0xe9: {  	v24 =	vor.u32 $0x100, v0;
	v4 =	vshll.u32 v12, $0x2;
	v11 =	vld.idx.msk [tilespmem:v11+s12+$0x0], $0xffff;
	[tilespmem:s16+$0xFFFFFFF0] =	vst v8;
	v8 =	vor.u32 $0x100, v3  }
0xea: {  	v4 =	vand.u32 $0xFFFFFE00, v4;
	v25 =	vand.u32 $0x7F, v14;
	v14 =	vshll.u32 v14, $0x2;
	v13 =	vld.idx.msk [tilespmem:v13+s12+$0x0], $0xffff  }
0xeb: {  	v6 =	vor.u32 $0x180, v6;
	v12 =	vand.u32 $0x7F, v12;
	v14 =	vand.u32 $0xFFFFFE00, v14;
	v19 =	vld.idx.msk [tilespmem:v19+s12+$0x0], $0xffff  }
0xec: {  	v7 =	vor.u32 $0x180, v7;
	v4 =	vor.u32 v12, v4;
	v12 =	vshll.u32 v21, $0x2;
	v20 =	vld.idx.msk [tilespmem:v20+s12+$0x0], $0xffff  }
0xed: {  	v26 =	vshll.u32 v15, $0x2;
	v14 =	vor.u32 v25, v14;
	v27 =	vshll.u32 v16, $0x2;
	v22 =	vld.idx.msk [tilespmem:v22+s12+$0x0], $0xffff;
	[tilespmem:s16+$0xFFFFFFE0] =	vst v10  }
0xee: {  	v21 =	vand.u32 $0x7F, v21;
	v10 =	vand.u32 $0xFFFFFE00, v26;
	v16 =	vand.u32 $0x7F, v16;
	v25 =	vld.idx.msk [tilespmem:v5+s12+$0x0], $0xffff  }
0xef: {  	v12 =	vand.u32 $0xFFFFFE00, v12;
	v26 =	vor.u32 $0x180, v2;
	v5 =	vand.u32 $0xFFFFFE00, v27;
	[tilespmem:s16+$0x50] =	vst v11;
	v8 =	vld.idx.msk [tilespmem:v8+s12+$0x0], $0xffff  }
0xf0: {  	v2 =	vshll.u32 v18, $0x2;
	v11 =	vor.u32 v16, v5;
	v5 =	vor.u32 v21, v12;
	[tilespmem:s16+$0x10] =	vst v13;
	v12 =	vld.idx.msk [tilespmem:v24+s12+$0x0], $0xffff  }
0xf1: {  	v2 =	vand.u32 $0xFFFFFE00, v2;
	v13 =	vor.u32 $0x180, v3;
	v3 =	vmov v14;
	v7 =	vld.idx.msk [tilespmem:v7+s12+$0x0], $0xffff;
	[tilespmem:s16+$0x30] =	vst v19  }
0xf2: {  	v14 =	vand.u32 $0x7F, v18;
	v18 =	vor.u32 $0x180, v0;
	v0 =	vmovc v11;
	v19 =	vor.u32 $0x180, v1;
	[tilespmem:s16+$0x80] =	vst v20;
	v16 =	vld.idx.msk [tilespmem:v6+s12+$0x0], $0xffff  }
0xf3: {  	v21 =	vor.u32 $0x80, v4;
	v2 =	vor.u32 v14, v2;
	v1 =	vand.u32 $0x7F, v15;
	[tilespmem:s16+$0x20] =	vst v22;
	v11 =	vld.idx.msk [tilespmem:v23+s12+$0x0], $0xffff  }
0xf4: {  	v6 =	vor.u32 v1, v10;
	v1 =	vshll.u32 v9, $0x2;
	v10 =	vld.idx.msk [tilespmem:v26+s12+$0x0], $0xffff;
	[tilespmem:s16+$0x60] =	vst v25  }
0xf5: {  	v9 =	vand.u32 $0x7F, v9;
	v1 =	vand.u32 $0xFFFFFE00, v1;
	v15 =	vld.idx.msk [tilespmem:v4+s12+$0x0], $0xffff;
	[tilespmem:s16+$0x70] =	vst v8  }
0xf6: {  	v1 =	vor.u32 v9, v1;
	[tilespmem:s16+$0x40] =	vst v12;
	v22 =	vld.idx.msk [tilespmem:v13+s12+$0x0], $0xffff  }
0xf7: {  	v8 =	vshll.u32 v17, $0x2;
	v12 =	vor.u32 $0x80, v5;
	v13 =	vld.idx.msk [tilespmem:v0+s12+$0x0], $0xffff;
	[tilespmem:s16+$0x90] =	vst v7  }
0xf8: {  	v9 =	vand.u32 $0xFFFFFE00, v8;
	v8 =	vor.u32 $0x80, v3;
	v7 =	vand.u32 $0x7F, v17;
	[tilespmem:s16+$0xB0] =	vst v16;
	v16 =	vld.idx.msk [tilespmem:v18+s12+$0x0], $0xffff  }
0xf9: {  	v7 =	vor.u32 v7, v9;
	[tilespmem:s16+$0xD0] =	vst v11;
	v23 =	vld.idx.msk [tilespmem:v19+s12+$0x0], $0xffff  }
0xfa: {  	v14 =	vor.u32 $0x80, v7;
	v11 =	vld.idx.msk [tilespmem:v2+s12+$0x0], $0xffff  }
.Ltmp6:
0xfb: {  	[tilespmem:s21+$0xFFFFFF00] =	vst v15;
	v15 =	vor.u32 $0x80, v2;
	v17 =	vld.idx.msk [tilespmem:v5+s12+$0x0], $0xffff;
	(pc) =	sbr.rel @p0 .LBB2_9-.Ltmp6, $4  }
0xfc: {  	v20 =	vor.u32 $0x80, v0;
	v9 =	vld.idx.msk [tilespmem:v1+s12+$0x0], $0xffff;
	[tilespmem:s16+$0xF0] =	vst v22  }
0xfd: {  	v18 =	vld.idx.msk [tilespmem:v21+s12+$0x0], $0xffff;
	[tilespmem:s16+$0xA0] =	vst v10  }
0xfe: {  	v19 =	vld.idx.msk [tilespmem:v7+s12+$0x0], $0xffff;
	[tilespmem:s16+$0xC0] =	vst v16  }
0xff: {  	s9 =	sadd.s32 $0x80, s9;
	v10 =	vor.u32 $0x80, v1;
	v16 =	vld.idx.msk [tilespmem:v6+s12+$0x0], $0xffff;
	[tilespmem:s16+$0xE0] =	vst v23;
	s16 =	smov.u32 s21  }
0x100: {  	_ =	sdelay $0x2  }
0x101: {  	[tilespmem:s16+$0xFFFFFF40] =	vst v13  }
0x102: {  	v13 =	vld.idx.msk [tilespmem:v3+s12+$0x0], $0xffff;
	[tilespmem:s16+$0xFFFFFF50] =	vst v17  }
0x103: {  	v17 =	vld.idx.msk [tilespmem:v20+s12+$0x0], $0xffff;
	v20 =	vor.u32 $0x100, v4;
	[tilespmem:s16+$0xFFFFFF60] =	vst v9  }
0x104: {  	v12 =	vld.idx.msk [tilespmem:v12+s12+$0x0], $0xffff;
	[tilespmem:s16+$0xFFFFFF80] =	vst v18  }
0x105: {  	v18 =	vor.u32 $0x80, v6;
	v9 =	vld.idx.msk [tilespmem:v10+s12+$0x0], $0xffff;
	[tilespmem:s16+$0xFFFFFF10] =	vst v19  }
0x106: {  	[tilespmem:s16+$0xFFFFFF20] =	vst v11;
	v11 =	vld.idx.msk [tilespmem:v14+s12+$0x0], $0xffff  }
0x107: {  	[tilespmem:s16+$0xFFFFFF70] =	vst v13;
	v13 =	vld.idx.msk [tilespmem:v15+s12+$0x0], $0xffff  }
0x108: {  	v14 =	vor.u32 $0x100, v5;
	[tilespmem:s16+$0xFFFFFFC0] =	vst v17;
	v17 =	vld.idx.msk [tilespmem:v20+s12+$0x0], $0xffff  }
0x109: {  	v10 =	vor.u32 $0x100, v2;
	[tilespmem:s16+$0xFFFFFF30] =	vst v16;
	v8 =	vld.idx.msk [tilespmem:v8+s12+$0x0], $0xffff  }
0x10a: {  	v16 =	vor.u32 $0x100, v7;
	[tilespmem:s16+$0xFFFFFFD0] =	vst v12;
	v15 =	vld.idx.msk [tilespmem:v18+s12+$0x0], $0xffff  }
0x10b: {  	v4 =	vor.u32 $0x180, v4;
	[tilespmem:s16+$0xFFFFFF90] =	vst v11  }
0x10c: {  	v12 =	vor.u32 $0x100, v6;
	[tilespmem:s16+$0xFFFFFFA0] =	vst v13  }
0x10d: {  	v11 =	vld.idx.msk [tilespmem:v14+s12+$0x0], $0xffff;
	v14 =	vor.u32 $0x100, v1;
	[tilespmem:s16+$0x0] =	vst v17  }
0x10e: {  	v13 =	vor.u32 $0x100, v3;
	[tilespmem:s16+$0xFFFFFFF0] =	vst v8;
	v8 =	vld.idx.msk [tilespmem:v10+s12+$0x0], $0xffff  }
0x10f: {  	v5 =	vor.u32 $0x180, v5;
	[tilespmem:s16+$0xFFFFFFB0] =	vst v15;
	v15 =	vld.idx.msk [tilespmem:v16+s12+$0x0], $0xffff  }
0x110: {  	v16 =	vor.u32 $0x100, v0;
	v4 =	vld.idx.msk [tilespmem:v4+s12+$0x0], $0xffff  }
0x111: {  	v2 =	vor.u32 $0x180, v2;
	[tilespmem:s16+$0xFFFFFFE0] =	vst v9;
	v12 =	vld.idx.msk [tilespmem:v12+s12+$0x0], $0xffff  }
0x112: {  	v7 =	vor.u32 $0x180, v7;
	[tilespmem:s16+$0x50] =	vst v11;
	v10 =	vld.idx.msk [tilespmem:v14+s12+$0x0], $0xffff  }
0x113: {  	v6 =	vor.u32 $0x180, v6;
	v9 =	vld.idx.msk [tilespmem:v13+s12+$0x0], $0xffff;
	[tilespmem:s16+$0x20] =	vst v8  }
0x114: {  	v1 =	vor.u32 $0x180, v1;
	v5 =	vld.idx.msk [tilespmem:v5+s12+$0x0], $0xffff;
	[tilespmem:s16+$0x10] =	vst v15  }
0x115: {  	v3 =	vor.u32 $0x180, v3;
	v11 =	vld.idx.msk [tilespmem:v16+s12+$0x0], $0xffff;
	[tilespmem:s16+$0x80] =	vst v4  }
0x116: {  	v0 =	vor.u32 $0x180, v0;
	v2 =	vld.idx.msk [tilespmem:v2+s12+$0x0], $0xffff;
	[tilespmem:s16+$0x30] =	vst v12  }
0x117: {  	v7 =	vld.idx.msk [tilespmem:v7+s12+$0x0], $0xffff;
	[tilespmem:s16+$0x60] =	vst v10  }
0x118: {  	v4 =	vld.idx.msk [tilespmem:v6+s12+$0x0], $0xffff;
	[tilespmem:s16+$0x70] =	vst v9  }
0x119: {  	v1 =	vld.idx.msk [tilespmem:v1+s12+$0x0], $0xffff;
	[tilespmem:s16+$0xD0] =	vst v5  }
0x11a: {  	v3 =	vld.idx.msk [tilespmem:v3+s12+$0x0], $0xffff;
	[tilespmem:s16+$0x40] =	vst v11  }
0x11b: {  	[tilespmem:s16+$0xA0] =	vst v2;
	v0 =	vld.idx.msk [tilespmem:v0+s12+$0x0], $0xffff  }
0x11c: {  	[tilespmem:s16+$0x90] =	vst v7  }
0x11d: {  	[tilespmem:s16+$0xB0] =	vst v4  }
0x11e: {  	[tilespmem:s16+$0xE0] =	vst v1  }
0x11f: {  	p1 =	seq.s32 s1, $0x0;
	[tilespmem:s16+$0xF0] =	vst v3  }
0x120: {  	s9 =	simm.s32 @!p1 $0xC;
	[tilespmem:s16+$0xC0] =	vst v0  }
0x121: {  	_ =	swait.ge @!p1 [sflag:s9], $0x400  }
0x122: {  	[sflag:s9] =	ssyncset.done @!p1 $0x0  }
0x123: {  	s21 =	rddreg [dreg:$0x1f];
	[sflag:s9] =	ssyncadd.s32 @!p1 $0xFFFFFC00  }
0x124: {  	[spmem:s21] =	stream.linear.scatter [tilespmem:s22], [sflag:$0xA], $0x2000, $0x38;
	[tilespmem:$0x1C800] =	vst v63  }
0x125: {  	_ =	swait.ge [sflag:s10], $0x2000  }
0x126: {  	[sflag:s10] =	ssyncset.done $0x0  }
0x127: {  	s23 =	stileid.u32;
	[sflag:s10] =	ssyncadd.s32 $0xFFFFE000  }
0x128: {  	p0 =	seq.s32 s1, $0xF;
	s31 =	sshll.u32 s23, $0x6;
	s28 =	rddreg [dreg:$0x2]  }
0x129: {  	s23 =	sshrl.u32 s4, $0x3;
	s21 =	sor.u32 $0x1C0B, s31;
	s9 =	sadd.s32 s28, s19  }
0x12a: {  	[hbm:s9@s5], [sflag:s21] =	dma.strided [spmem:s23@s18], $0x400, s0, $0x10   }
0x12b: {  	s29 =	simm.s32 $0x3;
	s14 =	simm.s32 @!p0 $0x200;
	s9 =	rddreg [dreg:$0x10]  }
0x12c: {  	s17 =	simm.s32 @!p0 $0x2800;
	s16 =	simm.s32 @!p0 $0x400;
	s9 =	sadd.s32 @!p0 s3, s9  }
0x12d: {  	[tilespmem:s17], [sflag:$0x2] =	stream.strided.gather @!p0 [hbm4b:s9+s14], $0x2000, s16, s14, $0x38;
	[tilespmem:$0x1C800] =	vst v63  }
0x12e: {  	_ =	swait.ge [sflag:s29], $0x2000  }
0x12f: {  	[sflag:s29] =	ssyncset.done $0x0  }
0x130: {  	s30 =	simm.s32 $0x40;
	[sflag:s29] =	ssyncadd.s32 $0xFFFFE000  }
0x131: {  	v0 =	vld [tilespmem:s30+$0xFFFFFFC0]  }
0x132: {  	v1 =	vld [tilespmem:s30+$0x10]  }
0x133: {  	v3 =	vld [tilespmem:s30+$0xFFFFFFE0]  }
0x134: {  	v2 =	vld [tilespmem:s30+$0x0];
	_ =	sdelay $0x1  }
0x135: {  	v6 =	vld [tilespmem:s30+$0x20]  }
0x136: {  	v7 =	vld [tilespmem:s30+$0xFFFFFFF0];
	v4 =	vshll.u32 v0, $0x2;
	v0 =	vand.u32 $0x7F, v0;
	v5 =	vshll.u32 v1, $0x2  }
0x137: {  	v1 =	vand.u32 $0x7F, v1;
	v9 =	vshll.u32 v3, $0x2;
	v4 =	vand.u32 $0xFFFFFE00, v4  }
0x138: {  	v8 =	vld [tilespmem:s30+$0xFFFFFFD0];
	v3 =	vand.u32 $0x7F, v3;
	v4 =	vor.u32 v0, v4;
	v0 =	vshll.u32 v2, $0x2  }
0x139: {  	v5 =	vand.u32 $0xFFFFFE00, v5;
	v2 =	vand.u32 $0x7F, v2;
	v0 =	vand.u32 $0xFFFFFE00, v0  }
0x13a: {  	v5 =	vor.u32 v1, v5;
	v0 =	vor.u32 v2, v0;
	v2 =	vand.u32 $0xFFFFFE00, v9;
	v9 =	vld [tilespmem:s30+$0x30]  }
0x13b: {  	v11 =	vand.u32 $0x7F, v7;
	v2 =	vor.u32 v3, v2;
	v3 =	vshll.u32 v6, $0x2  }
0x13c: {  	v1 =	vand.u32 $0x7F, v6;
	v12 =	vor.u32 $0x80, v4;
	v3 =	vand.u32 $0xFFFFFE00, v3  }
0x13d: {  	v6 =	vshll.u32 v7, $0x2;
	v10 =	vld.idx.msk [tilespmem:v4+s13+$0x0], $0xffff;
	v1 =	vor.u32 v1, v3;
	v3 =	vshll.u32 v8, $0x2  }
0x13e: {  	v6 =	vand.u32 $0xFFFFFE00, v6;
	v8 =	vand.u32 $0x7F, v8;
	v3 =	vand.u32 $0xFFFFFE00, v3  }
0x13f: {  	v6 =	vor.u32 v11, v6;
	v17 =	vld.idx.msk [tilespmem:v5+s13+$0x0], $0xffff;
	v7 =	vor.u32 v8, v3;
	v3 =	vshll.u32 v9, $0x2  }
0x140: {  	v13 =	vld.idx.msk [tilespmem:v0+s13+$0x0], $0xffff;
	v8 =	vand.u32 $0x7F, v9;
	v3 =	vand.u32 $0xFFFFFE00, v3  }
0x141: {  	s16 =	simm.s32 $0x10900;
	v11 =	vld.idx.msk [tilespmem:v2+s13+$0x0], $0xffff;
	v3 =	vor.u32 v8, v3  }
0x142: {  	v20 =	vor.u32 $0x80, v0;
	[tilespmem:s16+$0xFFFFFF00] =	vst v10;
	v10 =	vld.idx.msk [tilespmem:v1+s13+$0x0], $0xffff  }
0x143: {  	v18 =	vld.idx.msk [tilespmem:v12+s13+$0x0], $0xffff;
	v12 =	vor.u32 $0x80, v5  }
0x144: {  	s26 =	simm.s32 $0x12800;
	v15 =	vor.u32 $0x80, v2;
	v16 =	vld.idx.msk [tilespmem:v6+s13+$0x0], $0xffff  }
0x145: {  	s22 =	simm.s32 $0x10900;
	s17 =	simm.s32 $0x0;
	s9 =	simm.s32 $0xC0;
	v9 =	vor.u32 $0x80, v1;
	v14 =	vor.u32 $0x80, v7;
	v8 =	vor.u32 $0x80, v3;
	v19 =	vld.idx.msk [tilespmem:v7+s13+$0x0], $0xffff  }
.LBB2_11:
0x146: {  	s17 =	sadd.s32 $0x8, s17;
	[tilespmem:s16+$0xFFFFFF40] =	vst v13;
	v13 =	vld.idx.msk [tilespmem:v3+s13+$0x0], $0xffff;
	s22 =	sadd.s32 $0x200, s22  }
0x147: {  	p2 =	slt.u32 s17, $0x78;
	v20 =	vld.idx.msk [tilespmem:v20+s13+$0x0], $0xffff;
	[tilespmem:s16+$0xFFFFFF50] =	vst v17  }
0x148: {  	v17 =	vor.u32 $0x100, v4;
	v12 =	vld.idx.msk [tilespmem:v12+s13+$0x0], $0xffff  }
0x149: {  	v21 =	vld [tilespmem:s9+$0x10];
	[tilespmem:s16+$0xFFFFFF80] =	vst v18  }
0x14a: {  	v18 =	vld [tilespmem:s9+$0xFFFFFFE0];
	[tilespmem:s16+$0xFFFFFF10] =	vst v19;
	v19 =	vor.u32 $0x80, v6  }
0x14b: {  	v14 =	vld.idx.msk [tilespmem:v14+s13+$0x0], $0xffff;
	[tilespmem:s16+$0xFFFFFF20] =	vst v11  }
0x14c: {  	v11 =	vld.idx.msk [tilespmem:v15+s13+$0x0], $0xffff;
	[tilespmem:s16+$0xFFFFFF70] =	vst v13  }
0x14d: {  	v13 =	vld.idx.msk [tilespmem:v17+s13+$0x0], $0xffff;
	[tilespmem:s16+$0xFFFFFFC0] =	vst v20  }
0x14e: {  	v15 =	vld [tilespmem:s9+$0xFFFFFFF0];
	[tilespmem:s16+$0xFFFFFF30] =	vst v16  }
0x14f: {  	v16 =	vld.idx.msk [tilespmem:v19+s13+$0x0], $0xffff;
	[tilespmem:s16+$0xFFFFFFD0] =	vst v12  }
0x150: {  	v12 =	vld [tilespmem:s9+$0xFFFFFFC0];
	[tilespmem:s16+$0xFFFFFF60] =	vst v10  }
0x151: {  	[tilespmem:s16+$0xFFFFFF90] =	vst v14;
	v8 =	vld.idx.msk [tilespmem:v8+s13+$0x0], $0xffff  }
0x152: {  	v10 =	vld [tilespmem:s9+$0x20];
	[tilespmem:s16+$0xFFFFFFA0] =	vst v11;
	v11 =	vor.u32 $0x100, v5  }
0x153: {  	v14 =	vld [tilespmem:s9+$0x30];
	[tilespmem:s16+$0x0] =	vst v13;
	v13 =	vor.u32 $0x100, v7  }
0x154: {  	v19 =	vor.u32 $0x100, v6;
	v17 =	vld [tilespmem:s9+$0xFFFFFFD0]  }
0x155: {  	v20 =	vor.u32 $0x180, v4;
	[tilespmem:s16+$0xFFFFFFB0] =	vst v16;
	v9 =	vld.idx.msk [tilespmem:v9+s13+$0x0], $0xffff  }
0x156: {  	v22 =	vor.u32 $0x100, v2;
	v23 =	vor.u32 $0x180, v5;
	v5 =	vor.u32 $0x100, v1;
	v16 =	vld [tilespmem:s9+$0x0]  }
0x157: {  	v24 =	vor.u32 $0x100, v0;
	v4 =	vshll.u32 v12, $0x2;
	v11 =	vld.idx.msk [tilespmem:v11+s13+$0x0], $0xffff;
	[tilespmem:s16+$0xFFFFFFF0] =	vst v8;
	v8 =	vor.u32 $0x100, v3  }
0x158: {  	v4 =	vand.u32 $0xFFFFFE00, v4;
	v25 =	vand.u32 $0x7F, v14;
	v14 =	vshll.u32 v14, $0x2;
	v13 =	vld.idx.msk [tilespmem:v13+s13+$0x0], $0xffff  }
0x159: {  	v6 =	vor.u32 $0x180, v6;
	v12 =	vand.u32 $0x7F, v12;
	v14 =	vand.u32 $0xFFFFFE00, v14;
	v19 =	vld.idx.msk [tilespmem:v19+s13+$0x0], $0xffff  }
0x15a: {  	v7 =	vor.u32 $0x180, v7;
	v4 =	vor.u32 v12, v4;
	v12 =	vshll.u32 v21, $0x2;
	v20 =	vld.idx.msk [tilespmem:v20+s13+$0x0], $0xffff  }
0x15b: {  	v26 =	vshll.u32 v15, $0x2;
	v14 =	vor.u32 v25, v14;
	v27 =	vshll.u32 v16, $0x2;
	v22 =	vld.idx.msk [tilespmem:v22+s13+$0x0], $0xffff;
	[tilespmem:s16+$0xFFFFFFE0] =	vst v9  }
0x15c: {  	v21 =	vand.u32 $0x7F, v21;
	v9 =	vand.u32 $0xFFFFFE00, v26;
	v16 =	vand.u32 $0x7F, v16;
	v25 =	vld.idx.msk [tilespmem:v5+s13+$0x0], $0xffff  }
0x15d: {  	v12 =	vand.u32 $0xFFFFFE00, v12;
	v26 =	vor.u32 $0x180, v2;
	v5 =	vand.u32 $0xFFFFFE00, v27;
	[tilespmem:s16+$0x50] =	vst v11;
	v8 =	vld.idx.msk [tilespmem:v8+s13+$0x0], $0xffff  }
0x15e: {  	v2 =	vshll.u32 v18, $0x2;
	v11 =	vor.u32 v16, v5;
	v5 =	vor.u32 v21, v12;
	[tilespmem:s16+$0x10] =	vst v13;
	v12 =	vld.idx.msk [tilespmem:v24+s13+$0x0], $0xffff  }
0x15f: {  	v2 =	vand.u32 $0xFFFFFE00, v2;
	v13 =	vor.u32 $0x180, v3;
	v3 =	vmov v14;
	v7 =	vld.idx.msk [tilespmem:v7+s13+$0x0], $0xffff;
	[tilespmem:s16+$0x30] =	vst v19  }
0x160: {  	v14 =	vand.u32 $0x7F, v18;
	v18 =	vor.u32 $0x180, v0;
	v0 =	vmovc v11;
	v19 =	vor.u32 $0x180, v1;
	[tilespmem:s16+$0x80] =	vst v20;
	v16 =	vld.idx.msk [tilespmem:v6+s13+$0x0], $0xffff  }
0x161: {  	v21 =	vor.u32 $0x80, v4;
	v2 =	vor.u32 v14, v2;
	v1 =	vand.u32 $0x7F, v15;
	[tilespmem:s16+$0x20] =	vst v22;
	v11 =	vld.idx.msk [tilespmem:v23+s13+$0x0], $0xffff  }
0x162: {  	v6 =	vor.u32 v1, v9;
	v1 =	vshll.u32 v10, $0x2;
	v9 =	vld.idx.msk [tilespmem:v26+s13+$0x0], $0xffff;
	[tilespmem:s16+$0x60] =	vst v25  }
0x163: {  	v10 =	vand.u32 $0x7F, v10;
	v1 =	vand.u32 $0xFFFFFE00, v1;
	v15 =	vld.idx.msk [tilespmem:v4+s13+$0x0], $0xffff;
	[tilespmem:s16+$0x70] =	vst v8  }
0x164: {  	v1 =	vor.u32 v10, v1;
	[tilespmem:s16+$0x40] =	vst v12;
	v22 =	vld.idx.msk [tilespmem:v13+s13+$0x0], $0xffff  }
0x165: {  	v8 =	vshll.u32 v17, $0x2;
	v12 =	vor.u32 $0x80, v5;
	v13 =	vld.idx.msk [tilespmem:v0+s13+$0x0], $0xffff;
	[tilespmem:s16+$0x90] =	vst v7  }
0x166: {  	v10 =	vand.u32 $0xFFFFFE00, v8;
	v8 =	vor.u32 $0x80, v3;
	v7 =	vand.u32 $0x7F, v17;
	[tilespmem:s16+$0xB0] =	vst v16;
	v16 =	vld.idx.msk [tilespmem:v18+s13+$0x0], $0xffff  }
0x167: {  	v7 =	vor.u32 v7, v10;
	[tilespmem:s16+$0xD0] =	vst v11;
	v23 =	vld.idx.msk [tilespmem:v19+s13+$0x0], $0xffff  }
0x168: {  	v14 =	vor.u32 $0x80, v7;
	v11 =	vld.idx.msk [tilespmem:v2+s13+$0x0], $0xffff  }
.Ltmp7:
0x169: {  	[tilespmem:s22+$0xFFFFFF00] =	vst v15;
	v15 =	vor.u32 $0x80, v2;
	v17 =	vld.idx.msk [tilespmem:v5+s13+$0x0], $0xffff;
	(pc) =	sbr.rel @p2 .LBB2_11-.Ltmp7, $4  }
0x16a: {  	v20 =	vor.u32 $0x80, v0;
	v10 =	vld.idx.msk [tilespmem:v1+s13+$0x0], $0xffff;
	[tilespmem:s16+$0xF0] =	vst v22  }
0x16b: {  	v18 =	vld.idx.msk [tilespmem:v21+s13+$0x0], $0xffff;
	[tilespmem:s16+$0xA0] =	vst v9  }
0x16c: {  	v19 =	vld.idx.msk [tilespmem:v7+s13+$0x0], $0xffff;
	[tilespmem:s16+$0xC0] =	vst v16  }
0x16d: {  	s9 =	sadd.s32 $0x80, s9;
	v9 =	vor.u32 $0x80, v1;
	v16 =	vld.idx.msk [tilespmem:v6+s13+$0x0], $0xffff;
	[tilespmem:s16+$0xE0] =	vst v23;
	s16 =	smov.u32 s22  }
0x16e: {  	_ =	sdelay $0x2  }
0x16f: {  	[tilespmem:s16+$0xFFFFFF40] =	vst v13  }
0x170: {  	v13 =	vld.idx.msk [tilespmem:v3+s13+$0x0], $0xffff;
	[tilespmem:s16+$0xFFFFFF50] =	vst v17  }
0x171: {  	[tilespmem:s16+$0xFFFFFF20] =	vst v11;
	v17 =	vld.idx.msk [tilespmem:v20+s13+$0x0], $0xffff;
	v20 =	vor.u32 $0x100, v4  }
0x172: {  	[tilespmem:s16+$0xFFFFFF80] =	vst v18  }
0x173: {  	v12 =	vld.idx.msk [tilespmem:v12+s13+$0x0], $0xffff;
	v18 =	vor.u32 $0x80, v6;
	[tilespmem:s16+$0xFFFFFF10] =	vst v19  }
0x174: {  	[tilespmem:s16+$0xFFFFFF60] =	vst v10;
	v11 =	vld.idx.msk [tilespmem:v14+s13+$0x0], $0xffff  }
0x175: {  	[tilespmem:s16+$0xFFFFFF70] =	vst v13;
	v13 =	vld.idx.msk [tilespmem:v15+s13+$0x0], $0xffff  }
0x176: {  	v14 =	vor.u32 $0x100, v5;
	[tilespmem:s16+$0xFFFFFFC0] =	vst v17;
	v17 =	vld.idx.msk [tilespmem:v20+s13+$0x0], $0xffff  }
0x177: {  	v10 =	vor.u32 $0x100, v2;
	[tilespmem:s16+$0xFFFFFF30] =	vst v16;
	v8 =	vld.idx.msk [tilespmem:v8+s13+$0x0], $0xffff  }
0x178: {  	v16 =	vor.u32 $0x100, v7;
	[tilespmem:s16+$0xFFFFFFD0] =	vst v12;
	v15 =	vld.idx.msk [tilespmem:v18+s13+$0x0], $0xffff  }
0x179: {  	v4 =	vor.u32 $0x180, v4;
	[tilespmem:s16+$0xFFFFFF90] =	vst v11  }
0x17a: {  	v9 =	vld.idx.msk [tilespmem:v9+s13+$0x0], $0xffff;
	v12 =	vor.u32 $0x100, v6;
	[tilespmem:s16+$0xFFFFFFA0] =	vst v13  }
0x17b: {  	v11 =	vld.idx.msk [tilespmem:v14+s13+$0x0], $0xffff;
	v14 =	vor.u32 $0x100, v1;
	[tilespmem:s16+$0x0] =	vst v17  }
0x17c: {  	v13 =	vor.u32 $0x100, v3;
	[tilespmem:s16+$0xFFFFFFF0] =	vst v8;
	v8 =	vld.idx.msk [tilespmem:v10+s13+$0x0], $0xffff  }
0x17d: {  	v5 =	vor.u32 $0x180, v5;
	[tilespmem:s16+$0xFFFFFFB0] =	vst v15;
	v15 =	vld.idx.msk [tilespmem:v16+s13+$0x0], $0xffff  }
0x17e: {  	v16 =	vor.u32 $0x100, v0;
	v4 =	vld.idx.msk [tilespmem:v4+s13+$0x0], $0xffff  }
0x17f: {  	v2 =	vor.u32 $0x180, v2;
	[tilespmem:s16+$0xFFFFFFE0] =	vst v9;
	v12 =	vld.idx.msk [tilespmem:v12+s13+$0x0], $0xffff  }
0x180: {  	v7 =	vor.u32 $0x180, v7;
	[tilespmem:s16+$0x50] =	vst v11;
	v10 =	vld.idx.msk [tilespmem:v14+s13+$0x0], $0xffff  }
0x181: {  	v6 =	vor.u32 $0x180, v6;
	v9 =	vld.idx.msk [tilespmem:v13+s13+$0x0], $0xffff;
	[tilespmem:s16+$0x20] =	vst v8  }
0x182: {  	v1 =	vor.u32 $0x180, v1;
	v5 =	vld.idx.msk [tilespmem:v5+s13+$0x0], $0xffff;
	[tilespmem:s16+$0x10] =	vst v15  }
0x183: {  	v3 =	vor.u32 $0x180, v3;
	v11 =	vld.idx.msk [tilespmem:v16+s13+$0x0], $0xffff;
	[tilespmem:s16+$0x80] =	vst v4  }
0x184: {  	v0 =	vor.u32 $0x180, v0;
	v2 =	vld.idx.msk [tilespmem:v2+s13+$0x0], $0xffff;
	[tilespmem:s16+$0x30] =	vst v12  }
0x185: {  	v7 =	vld.idx.msk [tilespmem:v7+s13+$0x0], $0xffff;
	[tilespmem:s16+$0x60] =	vst v10  }
0x186: {  	v4 =	vld.idx.msk [tilespmem:v6+s13+$0x0], $0xffff;
	[tilespmem:s16+$0x70] =	vst v9  }
0x187: {  	v1 =	vld.idx.msk [tilespmem:v1+s13+$0x0], $0xffff;
	[tilespmem:s16+$0xD0] =	vst v5  }
0x188: {  	v3 =	vld.idx.msk [tilespmem:v3+s13+$0x0], $0xffff;
	[tilespmem:s16+$0x40] =	vst v11  }
0x189: {  	[tilespmem:s16+$0xA0] =	vst v2;
	v0 =	vld.idx.msk [tilespmem:v0+s13+$0x0], $0xffff  }
0x18a: {  	[tilespmem:s16+$0x90] =	vst v7  }
0x18b: {  	[tilespmem:s16+$0xB0] =	vst v4  }
0x18c: {  	[tilespmem:s16+$0xE0] =	vst v1  }
0x18d: {  	[tilespmem:s16+$0xF0] =	vst v3  }
0x18e: {  	s9 =	simm.s32 @!p1 $0xD;
	[tilespmem:s16+$0xC0] =	vst v0  }
0x18f: {  	_ =	swait.ge @!p1 [sflag:s9], $0x400  }
0x190: {  	[sflag:s9] =	ssyncset.done @!p1 $0x0  }
0x191: {  	s17 =	simm.s32 $0x10800;
	[sflag:s9] =	ssyncadd.s32 @!p1 $0xFFFFFC00  }
0x192: {  	[spmem:s7] =	stream.linear.scatter [tilespmem:s17], [sflag:$0x9], $0x2000, $0x38;
	[tilespmem:$0x1C800] =	vst v63  }
0x193: {  	_ =	swait.ge [sflag:s20], $0x2000  }
0x194: {  	s22 =	rddreg [dreg:$0xe]  }
0x195: {  	s28 =	sor.u32 $0x1C0C, s31;
	[sflag:s20] =	ssyncset.done $0x0;
	s14 =	rddreg [dreg:$0x1f]  }
0x196: {  	[sflag:s20] =	ssyncadd.s32 $0xFFFFE000;
	s9 =	sadd.s32 s19, s22;
	s30 =	sshrl.u32 s14, $0x3  }
0x197: {  	[hbm:s9@s5], [sflag:s28] =	dma.strided [spmem:s30@s18], $0x400, s0, $0x10   }
0x198: {  	s16 =	simm.s32 @!p0 $0x400;
	s9 =	rddreg [dreg:$0x11]  }
0x199: {  	s17 =	simm.s32 @!p0 $0x4800;
	s14 =	simm.s32 @!p0 $0x200;
	s9 =	sadd.s32 @!p0 s3, s9  }
0x19a: {  	[tilespmem:s17], [sflag:$0x3] =	stream.strided.gather @!p0 [hbm4b:s9+s14], $0x2000, s16, s14, $0x38;
	[tilespmem:$0x1C800] =	vst v63  }
0x19b: {  	_ =	swait.ge [sflag:s0], $0x2000  }
0x19c: {  	[sflag:s0] =	ssyncset.done $0x0  }
0x19d: {  	s29 =	simm.s32 $0x40;
	[sflag:s0] =	ssyncadd.s32 $0xFFFFE000  }
0x19e: {  	v0 =	vld [tilespmem:s29+$0xFFFFFFC0]  }
0x19f: {  	v1 =	vld [tilespmem:s29+$0x10]  }
0x1a0: {  	v3 =	vld [tilespmem:s29+$0xFFFFFFE0]  }
0x1a1: {  	v2 =	vld [tilespmem:s29+$0x0];
	_ =	sdelay $0x1  }
0x1a2: {  	v6 =	vld [tilespmem:s29+$0x20]  }
0x1a3: {  	v7 =	vld [tilespmem:s29+$0xFFFFFFF0];
	v4 =	vshll.u32 v0, $0x2;
	v0 =	vand.u32 $0x7F, v0;
	v5 =	vshll.u32 v1, $0x2  }
0x1a4: {  	v1 =	vand.u32 $0x7F, v1;
	v9 =	vshll.u32 v3, $0x2;
	v4 =	vand.u32 $0xFFFFFE00, v4  }
0x1a5: {  	v8 =	vld [tilespmem:s29+$0xFFFFFFD0];
	v3 =	vand.u32 $0x7F, v3;
	v4 =	vor.u32 v0, v4;
	v0 =	vshll.u32 v2, $0x2  }
0x1a6: {  	v5 =	vand.u32 $0xFFFFFE00, v5;
	v2 =	vand.u32 $0x7F, v2;
	v0 =	vand.u32 $0xFFFFFE00, v0  }
0x1a7: {  	v5 =	vor.u32 v1, v5;
	v0 =	vor.u32 v2, v0;
	v2 =	vand.u32 $0xFFFFFE00, v9;
	v9 =	vld [tilespmem:s29+$0x30]  }
0x1a8: {  	v11 =	vand.u32 $0x7F, v7;
	v2 =	vor.u32 v3, v2;
	v3 =	vshll.u32 v6, $0x2  }
0x1a9: {  	v1 =	vand.u32 $0x7F, v6;
	v12 =	vor.u32 $0x80, v4;
	v3 =	vand.u32 $0xFFFFFE00, v3  }
0x1aa: {  	v6 =	vshll.u32 v7, $0x2;
	v10 =	vld.idx.msk [tilespmem:v4+s24+$0x0], $0xffff;
	v1 =	vor.u32 v1, v3;
	v3 =	vshll.u32 v8, $0x2  }
0x1ab: {  	v6 =	vand.u32 $0xFFFFFE00, v6;
	v8 =	vand.u32 $0x7F, v8;
	v3 =	vand.u32 $0xFFFFFE00, v3  }
0x1ac: {  	v6 =	vor.u32 v11, v6;
	v17 =	vld.idx.msk [tilespmem:v5+s24+$0x0], $0xffff;
	v7 =	vor.u32 v8, v3;
	v3 =	vshll.u32 v9, $0x2  }
0x1ad: {  	v13 =	vld.idx.msk [tilespmem:v0+s24+$0x0], $0xffff;
	v8 =	vand.u32 $0x7F, v9;
	v3 =	vand.u32 $0xFFFFFE00, v3  }
0x1ae: {  	s16 =	simm.s32 $0x12900;
	v11 =	vld.idx.msk [tilespmem:v2+s24+$0x0], $0xffff;
	v3 =	vor.u32 v8, v3  }
0x1af: {  	v20 =	vor.u32 $0x80, v0;
	[tilespmem:s16+$0xFFFFFF00] =	vst v10;
	v10 =	vld.idx.msk [tilespmem:v1+s24+$0x0], $0xffff  }
0x1b0: {  	v18 =	vld.idx.msk [tilespmem:v12+s24+$0x0], $0xffff;
	v12 =	vor.u32 $0x80, v5  }
0x1b1: {  	v15 =	vor.u32 $0x80, v2;
	v16 =	vld.idx.msk [tilespmem:v6+s24+$0x0], $0xffff  }
0x1b2: {  	s22 =	simm.s32 $0x12900;
	s17 =	simm.s32 $0x0;
	s9 =	simm.s32 $0xC0;
	v9 =	vor.u32 $0x80, v1;
	v14 =	vor.u32 $0x80, v7;
	v8 =	vor.u32 $0x80, v3;
	v19 =	vld.idx.msk [tilespmem:v7+s24+$0x0], $0xffff  }
.LBB2_13:
0x1b3: {  	s17 =	sadd.s32 $0x8, s17;
	[tilespmem:s16+$0xFFFFFF40] =	vst v13;
	v13 =	vld.idx.msk [tilespmem:v3+s24+$0x0], $0xffff;
	s22 =	sadd.s32 $0x200, s22  }
0x1b4: {  	p2 =	slt.u32 s17, $0x78;
	v20 =	vld.idx.msk [tilespmem:v20+s24+$0x0], $0xffff;
	[tilespmem:s16+$0xFFFFFF50] =	vst v17  }
0x1b5: {  	v17 =	vor.u32 $0x100, v4;
	v12 =	vld.idx.msk [tilespmem:v12+s24+$0x0], $0xffff  }
0x1b6: {  	v21 =	vld [tilespmem:s9+$0x10];
	[tilespmem:s16+$0xFFFFFF80] =	vst v18  }
0x1b7: {  	v18 =	vld [tilespmem:s9+$0xFFFFFFE0];
	[tilespmem:s16+$0xFFFFFF10] =	vst v19;
	v19 =	vor.u32 $0x80, v6  }
0x1b8: {  	v14 =	vld.idx.msk [tilespmem:v14+s24+$0x0], $0xffff;
	[tilespmem:s16+$0xFFFFFF20] =	vst v11  }
0x1b9: {  	v11 =	vld.idx.msk [tilespmem:v15+s24+$0x0], $0xffff;
	[tilespmem:s16+$0xFFFFFF70] =	vst v13  }
0x1ba: {  	v13 =	vld.idx.msk [tilespmem:v17+s24+$0x0], $0xffff;
	[tilespmem:s16+$0xFFFFFFC0] =	vst v20  }
0x1bb: {  	v15 =	vld [tilespmem:s9+$0xFFFFFFF0];
	[tilespmem:s16+$0xFFFFFF30] =	vst v16  }
0x1bc: {  	v16 =	vld.idx.msk [tilespmem:v19+s24+$0x0], $0xffff;
	[tilespmem:s16+$0xFFFFFFD0] =	vst v12  }
0x1bd: {  	v12 =	vld [tilespmem:s9+$0xFFFFFFC0];
	[tilespmem:s16+$0xFFFFFF60] =	vst v10  }
0x1be: {  	[tilespmem:s16+$0xFFFFFF90] =	vst v14;
	v8 =	vld.idx.msk [tilespmem:v8+s24+$0x0], $0xffff  }
0x1bf: {  	v10 =	vld [tilespmem:s9+$0x20];
	[tilespmem:s16+$0xFFFFFFA0] =	vst v11;
	v11 =	vor.u32 $0x100, v5  }
0x1c0: {  	v14 =	vld [tilespmem:s9+$0x30];
	[tilespmem:s16+$0x0] =	vst v13;
	v13 =	vor.u32 $0x100, v7  }
0x1c1: {  	v19 =	vor.u32 $0x100, v6;
	v17 =	vld [tilespmem:s9+$0xFFFFFFD0]  }
0x1c2: {  	v20 =	vor.u32 $0x180, v4;
	[tilespmem:s16+$0xFFFFFFB0] =	vst v16;
	v9 =	vld.idx.msk [tilespmem:v9+s24+$0x0], $0xffff  }
0x1c3: {  	v22 =	vor.u32 $0x100, v2;
	v23 =	vor.u32 $0x180, v5;
	v5 =	vor.u32 $0x100, v1;
	v16 =	vld [tilespmem:s9+$0x0]  }
0x1c4: {  	v24 =	vor.u32 $0x100, v0;
	v4 =	vshll.u32 v12, $0x2;
	v11 =	vld.idx.msk [tilespmem:v11+s24+$0x0], $0xffff;
	[tilespmem:s16+$0xFFFFFFF0] =	vst v8;
	v8 =	vor.u32 $0x100, v3  }
0x1c5: {  	v4 =	vand.u32 $0xFFFFFE00, v4;
	v25 =	vand.u32 $0x7F, v14;
	v14 =	vshll.u32 v14, $0x2;
	v13 =	vld.idx.msk [tilespmem:v13+s24+$0x0], $0xffff  }
0x1c6: {  	v6 =	vor.u32 $0x180, v6;
	v12 =	vand.u32 $0x7F, v12;
	v14 =	vand.u32 $0xFFFFFE00, v14;
	v19 =	vld.idx.msk [tilespmem:v19+s24+$0x0], $0xffff  }
0x1c7: {  	v7 =	vor.u32 $0x180, v7;
	v4 =	vor.u32 v12, v4;
	v12 =	vshll.u32 v21, $0x2;
	v20 =	vld.idx.msk [tilespmem:v20+s24+$0x0], $0xffff  }
0x1c8: {  	v26 =	vshll.u32 v15, $0x2;
	v14 =	vor.u32 v25, v14;
	v27 =	vshll.u32 v16, $0x2;
	v22 =	vld.idx.msk [tilespmem:v22+s24+$0x0], $0xffff;
	[tilespmem:s16+$0xFFFFFFE0] =	vst v9  }
0x1c9: {  	v21 =	vand.u32 $0x7F, v21;
	v9 =	vand.u32 $0xFFFFFE00, v26;
	v16 =	vand.u32 $0x7F, v16;
	v25 =	vld.idx.msk [tilespmem:v5+s24+$0x0], $0xffff  }
0x1ca: {  	v12 =	vand.u32 $0xFFFFFE00, v12;
	v26 =	vor.u32 $0x180, v2;
	v5 =	vand.u32 $0xFFFFFE00, v27;
	[tilespmem:s16+$0x50] =	vst v11;
	v8 =	vld.idx.msk [tilespmem:v8+s24+$0x0], $0xffff  }
0x1cb: {  	v2 =	vshll.u32 v18, $0x2;
	v11 =	vor.u32 v16, v5;
	v5 =	vor.u32 v21, v12;
	[tilespmem:s16+$0x10] =	vst v13;
	v12 =	vld.idx.msk [tilespmem:v24+s24+$0x0], $0xffff  }
0x1cc: {  	v2 =	vand.u32 $0xFFFFFE00, v2;
	v13 =	vor.u32 $0x180, v3;
	v3 =	vmov v14;
	v7 =	vld.idx.msk [tilespmem:v7+s24+$0x0], $0xffff;
	[tilespmem:s16+$0x30] =	vst v19  }
0x1cd: {  	v14 =	vand.u32 $0x7F, v18;
	v18 =	vor.u32 $0x180, v0;
	v0 =	vmovc v11;
	v19 =	vor.u32 $0x180, v1;
	[tilespmem:s16+$0x80] =	vst v20;
	v16 =	vld.idx.msk [tilespmem:v6+s24+$0x0], $0xffff  }
0x1ce: {  	v21 =	vor.u32 $0x80, v4;
	v2 =	vor.u32 v14, v2;
	v1 =	vand.u32 $0x7F, v15;
	[tilespmem:s16+$0x20] =	vst v22;
	v11 =	vld.idx.msk [tilespmem:v23+s24+$0x0], $0xffff  }
0x1cf: {  	v6 =	vor.u32 v1, v9;
	v1 =	vshll.u32 v10, $0x2;
	v9 =	vld.idx.msk [tilespmem:v26+s24+$0x0], $0xffff;
	[tilespmem:s16+$0x60] =	vst v25  }
0x1d0: {  	v10 =	vand.u32 $0x7F, v10;
	v1 =	vand.u32 $0xFFFFFE00, v1;
	v15 =	vld.idx.msk [tilespmem:v4+s24+$0x0], $0xffff;
	[tilespmem:s16+$0x70] =	vst v8  }
0x1d1: {  	v1 =	vor.u32 v10, v1;
	[tilespmem:s16+$0x40] =	vst v12;
	v22 =	vld.idx.msk [tilespmem:v13+s24+$0x0], $0xffff  }
0x1d2: {  	v8 =	vshll.u32 v17, $0x2;
	v12 =	vor.u32 $0x80, v5;
	v13 =	vld.idx.msk [tilespmem:v0+s24+$0x0], $0xffff;
	[tilespmem:s16+$0x90] =	vst v7  }
0x1d3: {  	v10 =	vand.u32 $0xFFFFFE00, v8;
	v8 =	vor.u32 $0x80, v3;
	v7 =	vand.u32 $0x7F, v17;
	[tilespmem:s16+$0xB0] =	vst v16;
	v16 =	vld.idx.msk [tilespmem:v18+s24+$0x0], $0xffff  }
0x1d4: {  	v7 =	vor.u32 v7, v10;
	[tilespmem:s16+$0xD0] =	vst v11;
	v23 =	vld.idx.msk [tilespmem:v19+s24+$0x0], $0xffff  }
0x1d5: {  	v14 =	vor.u32 $0x80, v7;
	v11 =	vld.idx.msk [tilespmem:v2+s24+$0x0], $0xffff  }
.Ltmp8:
0x1d6: {  	[tilespmem:s22+$0xFFFFFF00] =	vst v15;
	v15 =	vor.u32 $0x80, v2;
	v17 =	vld.idx.msk [tilespmem:v5+s24+$0x0], $0xffff;
	(pc) =	sbr.rel @p2 .LBB2_13-.Ltmp8, $4  }
0x1d7: {  	v20 =	vor.u32 $0x80, v0;
	v10 =	vld.idx.msk [tilespmem:v1+s24+$0x0], $0xffff;
	[tilespmem:s16+$0xF0] =	vst v22  }
0x1d8: {  	v18 =	vld.idx.msk [tilespmem:v21+s24+$0x0], $0xffff;
	[tilespmem:s16+$0xA0] =	vst v9  }
0x1d9: {  	v19 =	vld.idx.msk [tilespmem:v7+s24+$0x0], $0xffff;
	[tilespmem:s16+$0xC0] =	vst v16  }
0x1da: {  	s9 =	sadd.s32 $0x80, s9;
	v9 =	vor.u32 $0x80, v1;
	v16 =	vld.idx.msk [tilespmem:v6+s24+$0x0], $0xffff;
	[tilespmem:s16+$0xE0] =	vst v23;
	s16 =	smov.u32 s22  }
0x1db: {  	_ =	sdelay $0x2  }
0x1dc: {  	[tilespmem:s16+$0xFFFFFF40] =	vst v13  }
0x1dd: {  	v13 =	vld.idx.msk [tilespmem:v3+s24+$0x0], $0xffff;
	[tilespmem:s16+$0xFFFFFF50] =	vst v17  }
0x1de: {  	[tilespmem:s16+$0xFFFFFF20] =	vst v11;
	v17 =	vld.idx.msk [tilespmem:v20+s24+$0x0], $0xffff;
	v20 =	vor.u32 $0x100, v4  }
0x1df: {  	[tilespmem:s16+$0xFFFFFF80] =	vst v18  }
0x1e0: {  	v12 =	vld.idx.msk [tilespmem:v12+s24+$0x0], $0xffff;
	v18 =	vor.u32 $0x80, v6;
	[tilespmem:s16+$0xFFFFFF10] =	vst v19  }
0x1e1: {  	[tilespmem:s16+$0xFFFFFF60] =	vst v10;
	v11 =	vld.idx.msk [tilespmem:v14+s24+$0x0], $0xffff  }
0x1e2: {  	[tilespmem:s16+$0xFFFFFF70] =	vst v13;
	v13 =	vld.idx.msk [tilespmem:v15+s24+$0x0], $0xffff  }
0x1e3: {  	v14 =	vor.u32 $0x100, v5;
	[tilespmem:s16+$0xFFFFFFC0] =	vst v17;
	v17 =	vld.idx.msk [tilespmem:v20+s24+$0x0], $0xffff  }
0x1e4: {  	v10 =	vor.u32 $0x100, v2;
	[tilespmem:s16+$0xFFFFFF30] =	vst v16;
	v8 =	vld.idx.msk [tilespmem:v8+s24+$0x0], $0xffff  }
0x1e5: {  	v16 =	vor.u32 $0x100, v7;
	[tilespmem:s16+$0xFFFFFFD0] =	vst v12;
	v15 =	vld.idx.msk [tilespmem:v18+s24+$0x0], $0xffff  }
0x1e6: {  	v4 =	vor.u32 $0x180, v4;
	[tilespmem:s16+$0xFFFFFF90] =	vst v11  }
0x1e7: {  	v9 =	vld.idx.msk [tilespmem:v9+s24+$0x0], $0xffff;
	v12 =	vor.u32 $0x100, v6;
	[tilespmem:s16+$0xFFFFFFA0] =	vst v13  }
0x1e8: {  	v11 =	vld.idx.msk [tilespmem:v14+s24+$0x0], $0xffff;
	v14 =	vor.u32 $0x100, v1;
	[tilespmem:s16+$0x0] =	vst v17  }
0x1e9: {  	v13 =	vor.u32 $0x100, v3;
	[tilespmem:s16+$0xFFFFFFF0] =	vst v8;
	v8 =	vld.idx.msk [tilespmem:v10+s24+$0x0], $0xffff  }
0x1ea: {  	v5 =	vor.u32 $0x180, v5;
	[tilespmem:s16+$0xFFFFFFB0] =	vst v15;
	v15 =	vld.idx.msk [tilespmem:v16+s24+$0x0], $0xffff  }
0x1eb: {  	v16 =	vor.u32 $0x100, v0;
	v4 =	vld.idx.msk [tilespmem:v4+s24+$0x0], $0xffff  }
0x1ec: {  	v2 =	vor.u32 $0x180, v2;
	[tilespmem:s16+$0xFFFFFFE0] =	vst v9;
	v12 =	vld.idx.msk [tilespmem:v12+s24+$0x0], $0xffff  }
0x1ed: {  	v7 =	vor.u32 $0x180, v7;
	[tilespmem:s16+$0x50] =	vst v11;
	v10 =	vld.idx.msk [tilespmem:v14+s24+$0x0], $0xffff  }
0x1ee: {  	v6 =	vor.u32 $0x180, v6;
	v9 =	vld.idx.msk [tilespmem:v13+s24+$0x0], $0xffff;
	[tilespmem:s16+$0x20] =	vst v8  }
0x1ef: {  	v1 =	vor.u32 $0x180, v1;
	v5 =	vld.idx.msk [tilespmem:v5+s24+$0x0], $0xffff;
	[tilespmem:s16+$0x10] =	vst v15  }
0x1f0: {  	v3 =	vor.u32 $0x180, v3;
	v11 =	vld.idx.msk [tilespmem:v16+s24+$0x0], $0xffff;
	[tilespmem:s16+$0x80] =	vst v4  }
0x1f1: {  	v0 =	vor.u32 $0x180, v0;
	v2 =	vld.idx.msk [tilespmem:v2+s24+$0x0], $0xffff;
	[tilespmem:s16+$0x30] =	vst v12  }
0x1f2: {  	v7 =	vld.idx.msk [tilespmem:v7+s24+$0x0], $0xffff;
	[tilespmem:s16+$0x60] =	vst v10  }
0x1f3: {  	v4 =	vld.idx.msk [tilespmem:v6+s24+$0x0], $0xffff;
	[tilespmem:s16+$0x70] =	vst v9  }
0x1f4: {  	v1 =	vld.idx.msk [tilespmem:v1+s24+$0x0], $0xffff;
	[tilespmem:s16+$0xD0] =	vst v5  }
0x1f5: {  	v3 =	vld.idx.msk [tilespmem:v3+s24+$0x0], $0xffff;
	[tilespmem:s16+$0x40] =	vst v11  }
0x1f6: {  	[tilespmem:s16+$0xA0] =	vst v2;
	v0 =	vld.idx.msk [tilespmem:v0+s24+$0x0], $0xffff  }
0x1f7: {  	[tilespmem:s16+$0x90] =	vst v7  }
0x1f8: {  	[tilespmem:s16+$0xB0] =	vst v4  }
0x1f9: {  	[tilespmem:s16+$0xE0] =	vst v1  }
0x1fa: {  	[tilespmem:s16+$0xF0] =	vst v3  }
0x1fb: {  	s9 =	simm.s32 @!p1 $0xE;
	[tilespmem:s16+$0xC0] =	vst v0  }
0x1fc: {  	_ =	swait.ge @!p1 [sflag:s9], $0x400  }
0x1fd: {  	[sflag:s9] =	ssyncset.done @!p1 $0x0  }
0x1fe: {  	[sflag:s9] =	ssyncadd.s32 @!p1 $0xFFFFFC00  }
0x1ff: {  	[spmem:s15] =	stream.linear.scatter [tilespmem:s26], [sflag:$0xA], $0x2000, $0x38;
	[tilespmem:$0x1C800] =	vst v63  }
0x200: {  	_ =	swait.ge [sflag:s10], $0x2000  }
0x201: {  	s29 =	sshrl.u32 s7, $0x3;
	[sflag:s10] =	ssyncset.done $0x0;
	s16 =	rddreg [dreg:$0x12]  }
0x202: {  	s26 =	sor.u32 $0x1C0D, s31;
	[sflag:s10] =	ssyncadd.s32 $0xFFFFE000;
	s9 =	sadd.s32 s19, s16  }
0x203: {  	[hbm:s9@s5], [sflag:s26] =	dma.strided [spmem:s29@s18], $0x400, s0, $0x10   }
0x204: {  	s14 =	simm.s32 @!p0 $0x200;
	s9 =	rddreg [dreg:$0x13]  }
0x205: {  	s17 =	simm.s32 @!p0 $0x6800;
	s16 =	simm.s32 @!p0 $0x400;
	s9 =	sadd.s32 @!p0 s3, s9  }
0x206: {  	[tilespmem:s17], [sflag:$0x4] =	stream.strided.gather @!p0 [hbm4b:s9+s14], $0x2000, s16, s14, $0x38;
	[tilespmem:$0x1C800] =	vst v63  }
0x207: {  	s17 =	simm.s32 $0x5  }
0x208: {  	_ =	swait.ge [sflag:s17], $0x2000  }
0x209: {  	[sflag:s17] =	ssyncset.done $0x0  }
0x20a: {  	s22 =	simm.s32 $0x40;
	[sflag:s17] =	ssyncadd.s32 $0xFFFFE000  }
0x20b: {  	v0 =	vld [tilespmem:s22+$0xFFFFFFC0]  }
0x20c: {  	v1 =	vld [tilespmem:s22+$0x10]  }
0x20d: {  	v3 =	vld [tilespmem:s22+$0xFFFFFFE0]  }
0x20e: {  	v2 =	vld [tilespmem:s22+$0x0];
	_ =	sdelay $0x1  }
0x20f: {  	v6 =	vld [tilespmem:s22+$0x20]  }
0x210: {  	v7 =	vld [tilespmem:s22+$0xFFFFFFF0];
	v4 =	vshll.u32 v0, $0x2;
	v0 =	vand.u32 $0x7F, v0;
	v5 =	vshll.u32 v1, $0x2  }
0x211: {  	v1 =	vand.u32 $0x7F, v1;
	v9 =	vshll.u32 v3, $0x2;
	v4 =	vand.u32 $0xFFFFFE00, v4  }
0x212: {  	v8 =	vld [tilespmem:s22+$0xFFFFFFD0];
	v3 =	vand.u32 $0x7F, v3;
	v4 =	vor.u32 v0, v4;
	v0 =	vshll.u32 v2, $0x2  }
0x213: {  	v5 =	vand.u32 $0xFFFFFE00, v5;
	v2 =	vand.u32 $0x7F, v2;
	v0 =	vand.u32 $0xFFFFFE00, v0  }
0x214: {  	v5 =	vor.u32 v1, v5;
	v0 =	vor.u32 v2, v0;
	v2 =	vand.u32 $0xFFFFFE00, v9;
	v9 =	vld [tilespmem:s22+$0x30]  }
0x215: {  	v11 =	vand.u32 $0x7F, v7;
	v2 =	vor.u32 v3, v2;
	v3 =	vshll.u32 v6, $0x2  }
0x216: {  	v1 =	vand.u32 $0x7F, v6;
	v12 =	vor.u32 $0x80, v4;
	v3 =	vand.u32 $0xFFFFFE00, v3  }
0x217: {  	v6 =	vshll.u32 v7, $0x2;
	v10 =	vld.idx.msk [tilespmem:v4+s25+$0x0], $0xffff;
	v1 =	vor.u32 v1, v3;
	v3 =	vshll.u32 v8, $0x2  }
0x218: {  	v6 =	vand.u32 $0xFFFFFE00, v6;
	v8 =	vand.u32 $0x7F, v8;
	v3 =	vand.u32 $0xFFFFFE00, v3  }
0x219: {  	v6 =	vor.u32 v11, v6;
	v17 =	vld.idx.msk [tilespmem:v5+s25+$0x0], $0xffff;
	v7 =	vor.u32 v8, v3;
	v3 =	vshll.u32 v9, $0x2  }
0x21a: {  	v13 =	vld.idx.msk [tilespmem:v0+s25+$0x0], $0xffff;
	v8 =	vand.u32 $0x7F, v9;
	v3 =	vand.u32 $0xFFFFFE00, v3  }
0x21b: {  	s16 =	simm.s32 $0x10900;
	v11 =	vld.idx.msk [tilespmem:v2+s25+$0x0], $0xffff;
	v3 =	vor.u32 v8, v3  }
0x21c: {  	v20 =	vor.u32 $0x80, v0;
	[tilespmem:s16+$0xFFFFFF00] =	vst v10;
	v10 =	vld.idx.msk [tilespmem:v1+s25+$0x0], $0xffff  }
0x21d: {  	v18 =	vld.idx.msk [tilespmem:v12+s25+$0x0], $0xffff;
	v12 =	vor.u32 $0x80, v5  }
0x21e: {  	v15 =	vor.u32 $0x80, v2;
	v16 =	vld.idx.msk [tilespmem:v6+s25+$0x0], $0xffff  }
0x21f: {  	s9 =	simm.s32 $0xC0;
	s17 =	simm.s32 $0x0;
	s22 =	simm.s32 $0x10900;
	v9 =	vor.u32 $0x80, v1;
	v14 =	vor.u32 $0x80, v7;
	v8 =	vor.u32 $0x80, v3;
	v19 =	vld.idx.msk [tilespmem:v7+s25+$0x0], $0xffff  }
.LBB2_15:
0x220: {  	s17 =	sadd.s32 $0x8, s17;
	[tilespmem:s16+$0xFFFFFF40] =	vst v13;
	v13 =	vld.idx.msk [tilespmem:v3+s25+$0x0], $0xffff;
	s22 =	sadd.s32 $0x200, s22  }
0x221: {  	p1 =	slt.u32 s17, $0x78;
	v20 =	vld.idx.msk [tilespmem:v20+s25+$0x0], $0xffff;
	[tilespmem:s16+$0xFFFFFF50] =	vst v17  }
0x222: {  	v17 =	vor.u32 $0x100, v4;
	v12 =	vld.idx.msk [tilespmem:v12+s25+$0x0], $0xffff  }
0x223: {  	v21 =	vld [tilespmem:s9+$0x10];
	[tilespmem:s16+$0xFFFFFF80] =	vst v18  }
0x224: {  	v18 =	vld [tilespmem:s9+$0xFFFFFFE0];
	[tilespmem:s16+$0xFFFFFF10] =	vst v19;
	v19 =	vor.u32 $0x80, v6  }
0x225: {  	v14 =	vld.idx.msk [tilespmem:v14+s25+$0x0], $0xffff;
	[tilespmem:s16+$0xFFFFFF20] =	vst v11  }
0x226: {  	v11 =	vld.idx.msk [tilespmem:v15+s25+$0x0], $0xffff;
	[tilespmem:s16+$0xFFFFFF70] =	vst v13  }
0x227: {  	v13 =	vld.idx.msk [tilespmem:v17+s25+$0x0], $0xffff;
	[tilespmem:s16+$0xFFFFFFC0] =	vst v20  }
0x228: {  	v15 =	vld [tilespmem:s9+$0xFFFFFFF0];
	[tilespmem:s16+$0xFFFFFF30] =	vst v16  }
0x229: {  	v16 =	vld.idx.msk [tilespmem:v19+s25+$0x0], $0xffff;
	[tilespmem:s16+$0xFFFFFFD0] =	vst v12  }
0x22a: {  	v12 =	vld [tilespmem:s9+$0xFFFFFFC0];
	[tilespmem:s16+$0xFFFFFF60] =	vst v10  }
0x22b: {  	[tilespmem:s16+$0xFFFFFF90] =	vst v14;
	v8 =	vld.idx.msk [tilespmem:v8+s25+$0x0], $0xffff  }
0x22c: {  	v10 =	vld [tilespmem:s9+$0x20];
	[tilespmem:s16+$0xFFFFFFA0] =	vst v11;
	v11 =	vor.u32 $0x100, v5  }
0x22d: {  	v14 =	vld [tilespmem:s9+$0x30];
	[tilespmem:s16+$0x0] =	vst v13;
	v13 =	vor.u32 $0x100, v7  }
0x22e: {  	v19 =	vor.u32 $0x100, v6;
	v17 =	vld [tilespmem:s9+$0xFFFFFFD0]  }
0x22f: {  	v20 =	vor.u32 $0x180, v4;
	[tilespmem:s16+$0xFFFFFFB0] =	vst v16;
	v9 =	vld.idx.msk [tilespmem:v9+s25+$0x0], $0xffff  }
0x230: {  	v22 =	vor.u32 $0x100, v2;
	v23 =	vor.u32 $0x180, v5;
	v5 =	vor.u32 $0x100, v1;
	v16 =	vld [tilespmem:s9+$0x0]  }
0x231: {  	v24 =	vor.u32 $0x100, v0;
	v4 =	vshll.u32 v12, $0x2;
	v11 =	vld.idx.msk [tilespmem:v11+s25+$0x0], $0xffff;
	[tilespmem:s16+$0xFFFFFFF0] =	vst v8;
	v8 =	vor.u32 $0x100, v3  }
0x232: {  	v4 =	vand.u32 $0xFFFFFE00, v4;
	v25 =	vand.u32 $0x7F, v14;
	v14 =	vshll.u32 v14, $0x2;
	v13 =	vld.idx.msk [tilespmem:v13+s25+$0x0], $0xffff  }
0x233: {  	v6 =	vor.u32 $0x180, v6;
	v12 =	vand.u32 $0x7F, v12;
	v14 =	vand.u32 $0xFFFFFE00, v14;
	v19 =	vld.idx.msk [tilespmem:v19+s25+$0x0], $0xffff  }
0x234: {  	v7 =	vor.u32 $0x180, v7;
	v4 =	vor.u32 v12, v4;
	v12 =	vshll.u32 v21, $0x2;
	v20 =	vld.idx.msk [tilespmem:v20+s25+$0x0], $0xffff  }
0x235: {  	v26 =	vshll.u32 v15, $0x2;
	v14 =	vor.u32 v25, v14;
	v27 =	vshll.u32 v16, $0x2;
	v22 =	vld.idx.msk [tilespmem:v22+s25+$0x0], $0xffff;
	[tilespmem:s16+$0xFFFFFFE0] =	vst v9  }
0x236: {  	v21 =	vand.u32 $0x7F, v21;
	v9 =	vand.u32 $0xFFFFFE00, v26;
	v16 =	vand.u32 $0x7F, v16;
	v25 =	vld.idx.msk [tilespmem:v5+s25+$0x0], $0xffff  }
0x237: {  	v12 =	vand.u32 $0xFFFFFE00, v12;
	v26 =	vor.u32 $0x180, v2;
	v5 =	vand.u32 $0xFFFFFE00, v27;
	[tilespmem:s16+$0x50] =	vst v11;
	v8 =	vld.idx.msk [tilespmem:v8+s25+$0x0], $0xffff  }
0x238: {  	v2 =	vshll.u32 v18, $0x2;
	v11 =	vor.u32 v16, v5;
	v5 =	vor.u32 v21, v12;
	[tilespmem:s16+$0x10] =	vst v13;
	v12 =	vld.idx.msk [tilespmem:v24+s25+$0x0], $0xffff  }
0x239: {  	v2 =	vand.u32 $0xFFFFFE00, v2;
	v13 =	vor.u32 $0x180, v3;
	v3 =	vmov v14;
	v7 =	vld.idx.msk [tilespmem:v7+s25+$0x0], $0xffff;
	[tilespmem:s16+$0x30] =	vst v19  }
0x23a: {  	v14 =	vand.u32 $0x7F, v18;
	v18 =	vor.u32 $0x180, v0;
	v0 =	vmovc v11;
	v19 =	vor.u32 $0x180, v1;
	[tilespmem:s16+$0x80] =	vst v20;
	v16 =	vld.idx.msk [tilespmem:v6+s25+$0x0], $0xffff  }
0x23b: {  	v21 =	vor.u32 $0x80, v4;
	v2 =	vor.u32 v14, v2;
	v1 =	vand.u32 $0x7F, v15;
	[tilespmem:s16+$0x20] =	vst v22;
	v11 =	vld.idx.msk [tilespmem:v23+s25+$0x0], $0xffff  }
0x23c: {  	v6 =	vor.u32 v1, v9;
	v1 =	vshll.u32 v10, $0x2;
	v9 =	vld.idx.msk [tilespmem:v26+s25+$0x0], $0xffff;
	[tilespmem:s16+$0x60] =	vst v25  }
0x23d: {  	v10 =	vand.u32 $0x7F, v10;
	v1 =	vand.u32 $0xFFFFFE00, v1;
	v15 =	vld.idx.msk [tilespmem:v4+s25+$0x0], $0xffff;
	[tilespmem:s16+$0x70] =	vst v8  }
0x23e: {  	v1 =	vor.u32 v10, v1;
	[tilespmem:s16+$0x40] =	vst v12;
	v22 =	vld.idx.msk [tilespmem:v13+s25+$0x0], $0xffff  }
0x23f: {  	v8 =	vshll.u32 v17, $0x2;
	v12 =	vor.u32 $0x80, v5;
	v13 =	vld.idx.msk [tilespmem:v0+s25+$0x0], $0xffff;
	[tilespmem:s16+$0x90] =	vst v7  }
0x240: {  	v10 =	vand.u32 $0xFFFFFE00, v8;
	v8 =	vor.u32 $0x80, v3;
	v7 =	vand.u32 $0x7F, v17;
	[tilespmem:s16+$0xB0] =	vst v16;
	v16 =	vld.idx.msk [tilespmem:v18+s25+$0x0], $0xffff  }
0x241: {  	v7 =	vor.u32 v7, v10;
	[tilespmem:s16+$0xD0] =	vst v11;
	v23 =	vld.idx.msk [tilespmem:v19+s25+$0x0], $0xffff  }
0x242: {  	v14 =	vor.u32 $0x80, v7;
	v11 =	vld.idx.msk [tilespmem:v2+s25+$0x0], $0xffff  }
.Ltmp9:
0x243: {  	[tilespmem:s22+$0xFFFFFF00] =	vst v15;
	v15 =	vor.u32 $0x80, v2;
	v17 =	vld.idx.msk [tilespmem:v5+s25+$0x0], $0xffff;
	(pc) =	sbr.rel @p1 .LBB2_15-.Ltmp9, $4  }
0x244: {  	v20 =	vor.u32 $0x80, v0;
	v10 =	vld.idx.msk [tilespmem:v1+s25+$0x0], $0xffff;
	[tilespmem:s16+$0xF0] =	vst v22  }
0x245: {  	v18 =	vld.idx.msk [tilespmem:v21+s25+$0x0], $0xffff;
	[tilespmem:s16+$0xA0] =	vst v9  }
0x246: {  	v19 =	vld.idx.msk [tilespmem:v7+s25+$0x0], $0xffff;
	[tilespmem:s16+$0xC0] =	vst v16  }
0x247: {  	s9 =	sadd.s32 $0x80, s9;
	v9 =	vor.u32 $0x80, v1;
	v16 =	vld.idx.msk [tilespmem:v6+s25+$0x0], $0xffff;
	[tilespmem:s16+$0xE0] =	vst v23;
	s16 =	smov.u32 s22  }
0x248: {  	_ =	sdelay $0x2  }
0x249: {  	[tilespmem:s16+$0xFFFFFF40] =	vst v13  }
0x24a: {  	v13 =	vld.idx.msk [tilespmem:v3+s25+$0x0], $0xffff;
	[tilespmem:s16+$0xFFFFFF50] =	vst v17  }
0x24b: {  	[tilespmem:s16+$0xFFFFFF20] =	vst v11;
	v17 =	vld.idx.msk [tilespmem:v20+s25+$0x0], $0xffff;
	v20 =	vor.u32 $0x100, v4  }
0x24c: {  	[tilespmem:s16+$0xFFFFFF80] =	vst v18  }
0x24d: {  	v12 =	vld.idx.msk [tilespmem:v12+s25+$0x0], $0xffff;
	v18 =	vor.u32 $0x80, v6;
	[tilespmem:s16+$0xFFFFFF10] =	vst v19  }
0x24e: {  	[tilespmem:s16+$0xFFFFFF60] =	vst v10;
	v11 =	vld.idx.msk [tilespmem:v14+s25+$0x0], $0xffff  }
0x24f: {  	[tilespmem:s16+$0xFFFFFF70] =	vst v13;
	v13 =	vld.idx.msk [tilespmem:v15+s25+$0x0], $0xffff  }
0x250: {  	v14 =	vor.u32 $0x100, v5;
	[tilespmem:s16+$0xFFFFFFC0] =	vst v17;
	v17 =	vld.idx.msk [tilespmem:v20+s25+$0x0], $0xffff  }
0x251: {  	v10 =	vor.u32 $0x100, v2;
	[tilespmem:s16+$0xFFFFFF30] =	vst v16;
	v8 =	vld.idx.msk [tilespmem:v8+s25+$0x0], $0xffff  }
0x252: {  	v16 =	vor.u32 $0x100, v7;
	[tilespmem:s16+$0xFFFFFFD0] =	vst v12;
	v15 =	vld.idx.msk [tilespmem:v18+s25+$0x0], $0xffff  }
0x253: {  	v4 =	vor.u32 $0x180, v4;
	[tilespmem:s16+$0xFFFFFF90] =	vst v11  }
0x254: {  	v9 =	vld.idx.msk [tilespmem:v9+s25+$0x0], $0xffff;
	v12 =	vor.u32 $0x100, v6;
	[tilespmem:s16+$0xFFFFFFA0] =	vst v13  }
0x255: {  	v11 =	vld.idx.msk [tilespmem:v14+s25+$0x0], $0xffff;
	v14 =	vor.u32 $0x100, v1;
	[tilespmem:s16+$0x0] =	vst v17  }
0x256: {  	v13 =	vor.u32 $0x100, v3;
	[tilespmem:s16+$0xFFFFFFF0] =	vst v8;
	v8 =	vld.idx.msk [tilespmem:v10+s25+$0x0], $0xffff  }
0x257: {  	v5 =	vor.u32 $0x180, v5;
	[tilespmem:s16+$0xFFFFFFB0] =	vst v15;
	v15 =	vld.idx.msk [tilespmem:v16+s25+$0x0], $0xffff  }
0x258: {  	v16 =	vor.u32 $0x100, v0;
	v4 =	vld.idx.msk [tilespmem:v4+s25+$0x0], $0xffff  }
0x259: {  	v2 =	vor.u32 $0x180, v2;
	[tilespmem:s16+$0xFFFFFFE0] =	vst v9;
	v12 =	vld.idx.msk [tilespmem:v12+s25+$0x0], $0xffff  }
0x25a: {  	v7 =	vor.u32 $0x180, v7;
	[tilespmem:s16+$0x50] =	vst v11;
	v10 =	vld.idx.msk [tilespmem:v14+s25+$0x0], $0xffff  }
0x25b: {  	v6 =	vor.u32 $0x180, v6;
	v9 =	vld.idx.msk [tilespmem:v13+s25+$0x0], $0xffff;
	[tilespmem:s16+$0x20] =	vst v8  }
0x25c: {  	v1 =	vor.u32 $0x180, v1;
	v5 =	vld.idx.msk [tilespmem:v5+s25+$0x0], $0xffff;
	[tilespmem:s16+$0x10] =	vst v15  }
0x25d: {  	v3 =	vor.u32 $0x180, v3;
	v11 =	vld.idx.msk [tilespmem:v16+s25+$0x0], $0xffff;
	[tilespmem:s16+$0x80] =	vst v4  }
0x25e: {  	v0 =	vor.u32 $0x180, v0;
	v2 =	vld.idx.msk [tilespmem:v2+s25+$0x0], $0xffff;
	[tilespmem:s16+$0x30] =	vst v12  }
0x25f: {  	v7 =	vld.idx.msk [tilespmem:v7+s25+$0x0], $0xffff;
	[tilespmem:s16+$0x60] =	vst v10  }
0x260: {  	v4 =	vld.idx.msk [tilespmem:v6+s25+$0x0], $0xffff;
	[tilespmem:s16+$0x70] =	vst v9  }
0x261: {  	v1 =	vld.idx.msk [tilespmem:v1+s25+$0x0], $0xffff;
	[tilespmem:s16+$0xD0] =	vst v5  }
0x262: {  	v3 =	vld.idx.msk [tilespmem:v3+s25+$0x0], $0xffff;
	[tilespmem:s16+$0x40] =	vst v11  }
0x263: {  	[tilespmem:s16+$0xA0] =	vst v2;
	v0 =	vld.idx.msk [tilespmem:v0+s25+$0x0], $0xffff  }
0x264: {  	[tilespmem:s16+$0x90] =	vst v7  }
0x265: {  	[tilespmem:s16+$0xB0] =	vst v4  }
0x266: {  	[tilespmem:s16+$0xE0] =	vst v1  }
0x267: {  	[tilespmem:s16+$0xF0] =	vst v3  }
0x268: {  	s9 =	simm.s32 $0xB;
	[tilespmem:s16+$0xC0] =	vst v0  }
0x269: {  	_ =	swait.ge [sflag:s9], $0x400  }
0x26a: {  	[sflag:s9] =	ssyncset.done $0x0  }
0x26b: {  	s14 =	simm.s32 $0x10800;
	[sflag:s9] =	ssyncadd.s32 $0xFFFFFC00  }
0x26c: {  	[spmem:s4] =	stream.linear.scatter [tilespmem:s14], [sflag:$0x9], $0x2000, $0x38;
	[tilespmem:$0x1C800] =	vst v63  }
0x26d: {  	_ =	swait.ge [sflag:s20], $0x2000  }
0x26e: {  	s31 =	sor.u32 $0x1C0E, s31;
	[sflag:s20] =	ssyncset.done $0x0;
	s16 =	rddreg [dreg:$0x14]  }
0x26f: {  	[sflag:s20] =	ssyncadd.s32 $0xFFFFE000;
	s9 =	sadd.s32 s19, s16;
	s16 =	sshrl.u32 s15, $0x3  }
0x270: {  	[hbm:s9@s5], [sflag:s31] =	dma.strided [spmem:s16@s18], $0x400, s0, $0x10   }
0x271: {  	s17 =	simm.s32 @!p0 $0x400;
	s9 =	rddreg [dreg:$0x15]  }
0x272: {  	s22 =	simm.s32 @!p0 $0x8800;
	s14 =	simm.s32 @!p0 $0x200;
	s9 =	sadd.s32 @!p0 s3, s9  }
0x273: {  	[tilespmem:s22], [sflag:$0x5] =	stream.strided.gather @!p0 [hbm4b:s9+s14], $0x2000, s17, s14, $0x38;
	[tilespmem:$0x1C800] =	vst v63  }
0x274: {  	s17 =	simm.s32 $0x6  }
0x275: {  	_ =	swait.ge [sflag:s17], $0x2000  }
0x276: {  	[sflag:s17] =	ssyncset.done $0x0  }
0x277: {  	s22 =	simm.s32 $0x40;
	[sflag:s17] =	ssyncadd.s32 $0xFFFFE000  }
0x278: {  	v0 =	vld [tilespmem:s22+$0xFFFFFFC0]  }
0x279: {  	v1 =	vld [tilespmem:s22+$0x10]  }
0x27a: {  	v3 =	vld [tilespmem:s22+$0xFFFFFFE0]  }
0x27b: {  	v2 =	vld [tilespmem:s22+$0x0];
	_ =	sdelay $0x1  }
0x27c: {  	v6 =	vld [tilespmem:s22+$0x20]  }
0x27d: {  	v7 =	vld [tilespmem:s22+$0xFFFFFFF0];
	v4 =	vshll.u32 v0, $0x2;
	v0 =	vand.u32 $0x7F, v0;
	v5 =	vshll.u32 v1, $0x2  }
0x27e: {  	v1 =	vand.u32 $0x7F, v1;
	v9 =	vshll.u32 v3, $0x2;
	v4 =	vand.u32 $0xFFFFFE00, v4  }
0x27f: {  	v8 =	vld [tilespmem:s22+$0xFFFFFFD0];
	v3 =	vand.u32 $0x7F, v3;
	v4 =	vor.u32 v0, v4;
	v0 =	vshll.u32 v2, $0x2  }
0x280: {  	v5 =	vand.u32 $0xFFFFFE00, v5;
	v2 =	vand.u32 $0x7F, v2;
	v0 =	vand.u32 $0xFFFFFE00, v0  }
0x281: {  	v5 =	vor.u32 v1, v5;
	v0 =	vor.u32 v2, v0;
	v2 =	vand.u32 $0xFFFFFE00, v9;
	v9 =	vld [tilespmem:s22+$0x30]  }
0x282: {  	v11 =	vand.u32 $0x7F, v7;
	v2 =	vor.u32 v3, v2;
	v3 =	vshll.u32 v6, $0x2  }
0x283: {  	v1 =	vand.u32 $0x7F, v6;
	v12 =	vor.u32 $0x80, v4;
	v3 =	vand.u32 $0xFFFFFE00, v3  }
0x284: {  	v6 =	vshll.u32 v7, $0x2;
	v10 =	vld.idx.msk [tilespmem:v4+s6+$0x0], $0xffff;
	v1 =	vor.u32 v1, v3;
	v3 =	vshll.u32 v8, $0x2  }
0x285: {  	v6 =	vand.u32 $0xFFFFFE00, v6;
	v8 =	vand.u32 $0x7F, v8;
	v3 =	vand.u32 $0xFFFFFE00, v3  }
0x286: {  	v6 =	vor.u32 v11, v6;
	v17 =	vld.idx.msk [tilespmem:v5+s6+$0x0], $0xffff;
	v7 =	vor.u32 v8, v3;
	v3 =	vshll.u32 v9, $0x2  }
0x287: {  	v13 =	vld.idx.msk [tilespmem:v0+s6+$0x0], $0xffff;
	v8 =	vand.u32 $0x7F, v9;
	v3 =	vand.u32 $0xFFFFFE00, v3  }
0x288: {  	s17 =	simm.s32 $0x12900;
	v11 =	vld.idx.msk [tilespmem:v2+s6+$0x0], $0xffff;
	v3 =	vor.u32 v8, v3  }
0x289: {  	v20 =	vor.u32 $0x80, v0;
	[tilespmem:s17+$0xFFFFFF00] =	vst v10;
	v10 =	vld.idx.msk [tilespmem:v1+s6+$0x0], $0xffff  }
0x28a: {  	v18 =	vld.idx.msk [tilespmem:v12+s6+$0x0], $0xffff;
	v12 =	vor.u32 $0x80, v5  }
0x28b: {  	v15 =	vor.u32 $0x80, v2;
	v16 =	vld.idx.msk [tilespmem:v6+s6+$0x0], $0xffff  }
0x28c: {  	s9 =	simm.s32 $0x0;
	s14 =	simm.s32 $0x12900;
	s22 =	simm.s32 $0xC0;
	v9 =	vor.u32 $0x80, v1;
	v14 =	vor.u32 $0x80, v7;
	v8 =	vor.u32 $0x80, v3;
	v19 =	vld.idx.msk [tilespmem:v7+s6+$0x0], $0xffff  }
.LBB2_17:
0x28d: {  	s9 =	sadd.s32 $0x8, s9;
	[tilespmem:s17+$0xFFFFFF40] =	vst v13;
	v13 =	vld.idx.msk [tilespmem:v3+s6+$0x0], $0xffff;
	s14 =	sadd.s32 $0x200, s14  }
0x28e: {  	p1 =	slt.u32 s9, $0x78;
	v20 =	vld.idx.msk [tilespmem:v20+s6+$0x0], $0xffff;
	[tilespmem:s17+$0xFFFFFF50] =	vst v17  }
0x28f: {  	v17 =	vor.u32 $0x100, v4;
	v12 =	vld.idx.msk [tilespmem:v12+s6+$0x0], $0xffff  }
0x290: {  	v21 =	vld [tilespmem:s22+$0x10];
	[tilespmem:s17+$0xFFFFFF80] =	vst v18  }
0x291: {  	v18 =	vld [tilespmem:s22+$0xFFFFFFE0];
	[tilespmem:s17+$0xFFFFFF10] =	vst v19;
	v19 =	vor.u32 $0x80, v6  }
0x292: {  	v14 =	vld.idx.msk [tilespmem:v14+s6+$0x0], $0xffff;
	[tilespmem:s17+$0xFFFFFF20] =	vst v11  }
0x293: {  	v11 =	vld.idx.msk [tilespmem:v15+s6+$0x0], $0xffff;
	[tilespmem:s17+$0xFFFFFF70] =	vst v13  }
0x294: {  	v13 =	vld.idx.msk [tilespmem:v17+s6+$0x0], $0xffff;
	[tilespmem:s17+$0xFFFFFFC0] =	vst v20  }
0x295: {  	v15 =	vld [tilespmem:s22+$0xFFFFFFF0];
	[tilespmem:s17+$0xFFFFFF30] =	vst v16  }
0x296: {  	v16 =	vld.idx.msk [tilespmem:v19+s6+$0x0], $0xffff;
	[tilespmem:s17+$0xFFFFFFD0] =	vst v12  }
0x297: {  	v12 =	vld [tilespmem:s22+$0xFFFFFFC0];
	[tilespmem:s17+$0xFFFFFF60] =	vst v10  }
0x298: {  	[tilespmem:s17+$0xFFFFFF90] =	vst v14;
	v8 =	vld.idx.msk [tilespmem:v8+s6+$0x0], $0xffff  }
0x299: {  	v10 =	vld [tilespmem:s22+$0x20];
	[tilespmem:s17+$0xFFFFFFA0] =	vst v11;
	v11 =	vor.u32 $0x100, v5  }
0x29a: {  	v14 =	vld [tilespmem:s22+$0x30];
	[tilespmem:s17+$0x0] =	vst v13;
	v13 =	vor.u32 $0x100, v7  }
0x29b: {  	v19 =	vor.u32 $0x100, v6;
	v17 =	vld [tilespmem:s22+$0xFFFFFFD0]  }
0x29c: {  	v20 =	vor.u32 $0x180, v4;
	[tilespmem:s17+$0xFFFFFFB0] =	vst v16;
	v9 =	vld.idx.msk [tilespmem:v9+s6+$0x0], $0xffff  }
0x29d: {  	v22 =	vor.u32 $0x100, v2;
	v23 =	vor.u32 $0x180, v5;
	v5 =	vor.u32 $0x100, v1;
	v16 =	vld [tilespmem:s22+$0x0]  }
0x29e: {  	v24 =	vor.u32 $0x100, v0;
	v4 =	vshll.u32 v12, $0x2;
	v11 =	vld.idx.msk [tilespmem:v11+s6+$0x0], $0xffff;
	[tilespmem:s17+$0xFFFFFFF0] =	vst v8;
	v8 =	vor.u32 $0x100, v3  }
0x29f: {  	v4 =	vand.u32 $0xFFFFFE00, v4;
	v25 =	vand.u32 $0x7F, v14;
	v14 =	vshll.u32 v14, $0x2;
	v13 =	vld.idx.msk [tilespmem:v13+s6+$0x0], $0xffff  }
0x2a0: {  	v6 =	vor.u32 $0x180, v6;
	v12 =	vand.u32 $0x7F, v12;
	v14 =	vand.u32 $0xFFFFFE00, v14;
	v19 =	vld.idx.msk [tilespmem:v19+s6+$0x0], $0xffff  }
0x2a1: {  	v7 =	vor.u32 $0x180, v7;
	v4 =	vor.u32 v12, v4;
	v12 =	vshll.u32 v21, $0x2;
	v20 =	vld.idx.msk [tilespmem:v20+s6+$0x0], $0xffff  }
0x2a2: {  	v26 =	vshll.u32 v15, $0x2;
	v14 =	vor.u32 v25, v14;
	v27 =	vshll.u32 v16, $0x2;
	v22 =	vld.idx.msk [tilespmem:v22+s6+$0x0], $0xffff;
	[tilespmem:s17+$0xFFFFFFE0] =	vst v9  }
0x2a3: {  	v21 =	vand.u32 $0x7F, v21;
	v9 =	vand.u32 $0xFFFFFE00, v26;
	v16 =	vand.u32 $0x7F, v16;
	v25 =	vld.idx.msk [tilespmem:v5+s6+$0x0], $0xffff  }
0x2a4: {  	v12 =	vand.u32 $0xFFFFFE00, v12;
	v26 =	vor.u32 $0x180, v2;
	v5 =	vand.u32 $0xFFFFFE00, v27;
	[tilespmem:s17+$0x50] =	vst v11;
	v8 =	vld.idx.msk [tilespmem:v8+s6+$0x0], $0xffff  }
0x2a5: {  	v2 =	vshll.u32 v18, $0x2;
	v11 =	vor.u32 v16, v5;
	v5 =	vor.u32 v21, v12;
	[tilespmem:s17+$0x10] =	vst v13;
	v12 =	vld.idx.msk [tilespmem:v24+s6+$0x0], $0xffff  }
0x2a6: {  	v2 =	vand.u32 $0xFFFFFE00, v2;
	v13 =	vor.u32 $0x180, v3;
	v3 =	vmov v14;
	v7 =	vld.idx.msk [tilespmem:v7+s6+$0x0], $0xffff;
	[tilespmem:s17+$0x30] =	vst v19  }
0x2a7: {  	v14 =	vand.u32 $0x7F, v18;
	v18 =	vor.u32 $0x180, v0;
	v0 =	vmovc v11;
	v19 =	vor.u32 $0x180, v1;
	[tilespmem:s17+$0x80] =	vst v20;
	v16 =	vld.idx.msk [tilespmem:v6+s6+$0x0], $0xffff  }
0x2a8: {  	v21 =	vor.u32 $0x80, v4;
	v2 =	vor.u32 v14, v2;
	v1 =	vand.u32 $0x7F, v15;
	[tilespmem:s17+$0x20] =	vst v22;
	v11 =	vld.idx.msk [tilespmem:v23+s6+$0x0], $0xffff  }
0x2a9: {  	v6 =	vor.u32 v1, v9;
	v1 =	vshll.u32 v10, $0x2;
	v9 =	vld.idx.msk [tilespmem:v26+s6+$0x0], $0xffff;
	[tilespmem:s17+$0x60] =	vst v25  }
0x2aa: {  	v10 =	vand.u32 $0x7F, v10;
	v1 =	vand.u32 $0xFFFFFE00, v1;
	v15 =	vld.idx.msk [tilespmem:v4+s6+$0x0], $0xffff;
	[tilespmem:s17+$0x70] =	vst v8  }
0x2ab: {  	v1 =	vor.u32 v10, v1;
	[tilespmem:s17+$0x40] =	vst v12;
	v22 =	vld.idx.msk [tilespmem:v13+s6+$0x0], $0xffff  }
0x2ac: {  	v8 =	vshll.u32 v17, $0x2;
	v12 =	vor.u32 $0x80, v5;
	v13 =	vld.idx.msk [tilespmem:v0+s6+$0x0], $0xffff;
	[tilespmem:s17+$0x90] =	vst v7  }
0x2ad: {  	v10 =	vand.u32 $0xFFFFFE00, v8;
	v8 =	vor.u32 $0x80, v3;
	v7 =	vand.u32 $0x7F, v17;
	[tilespmem:s17+$0xB0] =	vst v16;
	v16 =	vld.idx.msk [tilespmem:v18+s6+$0x0], $0xffff  }
0x2ae: {  	v7 =	vor.u32 v7, v10;
	[tilespmem:s17+$0xD0] =	vst v11;
	v23 =	vld.idx.msk [tilespmem:v19+s6+$0x0], $0xffff  }
0x2af: {  	v14 =	vor.u32 $0x80, v7;
	v11 =	vld.idx.msk [tilespmem:v2+s6+$0x0], $0xffff  }
.Ltmp10:
0x2b0: {  	[tilespmem:s14+$0xFFFFFF00] =	vst v15;
	v15 =	vor.u32 $0x80, v2;
	v17 =	vld.idx.msk [tilespmem:v5+s6+$0x0], $0xffff;
	(pc) =	sbr.rel @p1 .LBB2_17-.Ltmp10, $4  }
0x2b1: {  	v20 =	vor.u32 $0x80, v0;
	v10 =	vld.idx.msk [tilespmem:v1+s6+$0x0], $0xffff;
	[tilespmem:s17+$0xF0] =	vst v22  }
0x2b2: {  	v18 =	vld.idx.msk [tilespmem:v21+s6+$0x0], $0xffff;
	[tilespmem:s17+$0xA0] =	vst v9  }
0x2b3: {  	v19 =	vld.idx.msk [tilespmem:v7+s6+$0x0], $0xffff;
	[tilespmem:s17+$0xC0] =	vst v16  }
0x2b4: {  	s22 =	sadd.s32 $0x80, s22;
	v9 =	vor.u32 $0x80, v1;
	v16 =	vld.idx.msk [tilespmem:v6+s6+$0x0], $0xffff;
	[tilespmem:s17+$0xE0] =	vst v23;
	s17 =	smov.u32 s14  }
0x2b5: {  	_ =	sdelay $0x2  }
0x2b6: {  	[tilespmem:s17+$0xFFFFFF40] =	vst v13  }
0x2b7: {  	v13 =	vld.idx.msk [tilespmem:v3+s6+$0x0], $0xffff;
	[tilespmem:s17+$0xFFFFFF50] =	vst v17  }
0x2b8: {  	[tilespmem:s17+$0xFFFFFF20] =	vst v11;
	v17 =	vld.idx.msk [tilespmem:v20+s6+$0x0], $0xffff;
	v20 =	vor.u32 $0x100, v4  }
0x2b9: {  	[tilespmem:s17+$0xFFFFFF80] =	vst v18  }
0x2ba: {  	v12 =	vld.idx.msk [tilespmem:v12+s6+$0x0], $0xffff;
	v18 =	vor.u32 $0x80, v6;
	[tilespmem:s17+$0xFFFFFF10] =	vst v19  }
0x2bb: {  	[tilespmem:s17+$0xFFFFFF60] =	vst v10;
	v11 =	vld.idx.msk [tilespmem:v14+s6+$0x0], $0xffff  }
0x2bc: {  	[tilespmem:s17+$0xFFFFFF70] =	vst v13;
	v13 =	vld.idx.msk [tilespmem:v15+s6+$0x0], $0xffff  }
0x2bd: {  	v14 =	vor.u32 $0x100, v5;
	[tilespmem:s17+$0xFFFFFFC0] =	vst v17;
	v17 =	vld.idx.msk [tilespmem:v20+s6+$0x0], $0xffff  }
0x2be: {  	v10 =	vor.u32 $0x100, v2;
	[tilespmem:s17+$0xFFFFFF30] =	vst v16;
	v8 =	vld.idx.msk [tilespmem:v8+s6+$0x0], $0xffff  }
0x2bf: {  	v16 =	vor.u32 $0x100, v7;
	[tilespmem:s17+$0xFFFFFFD0] =	vst v12;
	v15 =	vld.idx.msk [tilespmem:v18+s6+$0x0], $0xffff  }
0x2c0: {  	v4 =	vor.u32 $0x180, v4;
	[tilespmem:s17+$0xFFFFFF90] =	vst v11  }
0x2c1: {  	v9 =	vld.idx.msk [tilespmem:v9+s6+$0x0], $0xffff;
	v12 =	vor.u32 $0x100, v6;
	[tilespmem:s17+$0xFFFFFFA0] =	vst v13  }
0x2c2: {  	v11 =	vld.idx.msk [tilespmem:v14+s6+$0x0], $0xffff;
	v14 =	vor.u32 $0x100, v1;
	[tilespmem:s17+$0x0] =	vst v17  }
0x2c3: {  	v13 =	vor.u32 $0x100, v3;
	[tilespmem:s17+$0xFFFFFFF0] =	vst v8;
	v8 =	vld.idx.msk [tilespmem:v10+s6+$0x0], $0xffff  }
0x2c4: {  	v5 =	vor.u32 $0x180, v5;
	[tilespmem:s17+$0xFFFFFFB0] =	vst v15;
	v15 =	vld.idx.msk [tilespmem:v16+s6+$0x0], $0xffff  }
0x2c5: {  	v16 =	vor.u32 $0x100, v0;
	v4 =	vld.idx.msk [tilespmem:v4+s6+$0x0], $0xffff  }
0x2c6: {  	v2 =	vor.u32 $0x180, v2;
	[tilespmem:s17+$0xFFFFFFE0] =	vst v9;
	v12 =	vld.idx.msk [tilespmem:v12+s6+$0x0], $0xffff  }
0x2c7: {  	v7 =	vor.u32 $0x180, v7;
	[tilespmem:s17+$0x50] =	vst v11;
	v10 =	vld.idx.msk [tilespmem:v14+s6+$0x0], $0xffff  }
0x2c8: {  	v6 =	vor.u32 $0x180, v6;
	v9 =	vld.idx.msk [tilespmem:v13+s6+$0x0], $0xffff;
	[tilespmem:s17+$0x20] =	vst v8  }
0x2c9: {  	v1 =	vor.u32 $0x180, v1;
	v5 =	vld.idx.msk [tilespmem:v5+s6+$0x0], $0xffff;
	[tilespmem:s17+$0x10] =	vst v15  }
0x2ca: {  	v3 =	vor.u32 $0x180, v3;
	v11 =	vld.idx.msk [tilespmem:v16+s6+$0x0], $0xffff;
	[tilespmem:s17+$0x80] =	vst v4  }
0x2cb: {  	v0 =	vor.u32 $0x180, v0;
	v2 =	vld.idx.msk [tilespmem:v2+s6+$0x0], $0xffff;
	[tilespmem:s17+$0x30] =	vst v12  }
0x2cc: {  	v7 =	vld.idx.msk [tilespmem:v7+s6+$0x0], $0xffff;
	[tilespmem:s17+$0x60] =	vst v10  }
0x2cd: {  	v4 =	vld.idx.msk [tilespmem:v6+s6+$0x0], $0xffff;
	[tilespmem:s17+$0x70] =	vst v9  }
0x2ce: {  	v1 =	vld.idx.msk [tilespmem:v1+s6+$0x0], $0xffff;
	[tilespmem:s17+$0xD0] =	vst v5  }
0x2cf: {  	v3 =	vld.idx.msk [tilespmem:v3+s6+$0x0], $0xffff;
	[tilespmem:s17+$0x40] =	vst v11  }
0x2d0: {  	[tilespmem:s17+$0xA0] =	vst v2;
	v0 =	vld.idx.msk [tilespmem:v0+s6+$0x0], $0xffff  }
0x2d1: {  	[tilespmem:s17+$0x90] =	vst v7  }
0x2d2: {  	[tilespmem:s17+$0xB0] =	vst v4  }
0x2d3: {  	[tilespmem:s17+$0xE0] =	vst v1  }
0x2d4: {  	[tilespmem:s17+$0xF0] =	vst v3  }
0x2d5: {  	s9 =	simm.s32 $0xC;
	[tilespmem:s17+$0xC0] =	vst v0  }
0x2d6: {  	_ =	swait.ge [sflag:s9], $0x400  }
0x2d7: {  	[sflag:s9] =	ssyncset.done $0x0  }
0x2d8: {  	s22 =	simm.s32 $0x12800;
	s14 =	rddreg [dreg:$0x1f];
	[sflag:s9] =	ssyncadd.s32 $0xFFFFFC00  }
0x2d9: {  	[spmem:s14] =	stream.linear.scatter [tilespmem:s22], [sflag:$0xA], $0x2000, $0x38;
	[tilespmem:$0x1C800] =	vst v63  }
0x2da: {  	_ =	swait.ge [sflag:s10], $0x2000  }
0x2db: {  	[sflag:s10] =	ssyncset.done $0x0;
	s17 =	rddreg [dreg:$0x18]  }
0x2dc: {  	[sflag:s10] =	ssyncadd.s32 $0xFFFFE000;
	s9 =	sadd.s32 s19, s17  }
0x2dd: {  	[hbm:s9@s5], [sflag:s21] =	dma.strided [spmem:s23@s18], $0x400, s0, $0x10   }
0x2de: {  	s14 =	simm.s32 @!p0 $0x200;
	s9 =	rddreg [dreg:$0x19]  }
0x2df: {  	s17 =	simm.s32 @!p0 $0x400;
	s21 =	simm.s32 @!p0 $0xA800;
	s9 =	sadd.s32 @!p0 s3, s9  }
0x2e0: {  	[tilespmem:s21], [sflag:$0x6] =	stream.strided.gather @!p0 [hbm4b:s9+s14], $0x2000, s17, s14, $0x38;
	[tilespmem:$0x1C800] =	vst v63  }
0x2e1: {  	s21 =	simm.s32 $0x7  }
0x2e2: {  	_ =	swait.ge [sflag:s21], $0x2000  }
0x2e3: {  	[sflag:s21] =	ssyncset.done $0x0  }
0x2e4: {  	s23 =	simm.s32 $0x40;
	[sflag:s21] =	ssyncadd.s32 $0xFFFFE000  }
0x2e5: {  	v0 =	vld [tilespmem:s23+$0xFFFFFFC0]  }
0x2e6: {  	v1 =	vld [tilespmem:s23+$0x10]  }
0x2e7: {  	v3 =	vld [tilespmem:s23+$0xFFFFFFE0]  }
0x2e8: {  	v2 =	vld [tilespmem:s23+$0x0];
	_ =	sdelay $0x1  }
0x2e9: {  	v6 =	vld [tilespmem:s23+$0x20]  }
0x2ea: {  	v7 =	vld [tilespmem:s23+$0xFFFFFFF0];
	v4 =	vshll.u32 v0, $0x2;
	v0 =	vand.u32 $0x7F, v0;
	v5 =	vshll.u32 v1, $0x2  }
0x2eb: {  	v1 =	vand.u32 $0x7F, v1;
	v9 =	vshll.u32 v3, $0x2;
	v4 =	vand.u32 $0xFFFFFE00, v4  }
0x2ec: {  	v8 =	vld [tilespmem:s23+$0xFFFFFFD0];
	v3 =	vand.u32 $0x7F, v3;
	v4 =	vor.u32 v0, v4;
	v0 =	vshll.u32 v2, $0x2  }
0x2ed: {  	v5 =	vand.u32 $0xFFFFFE00, v5;
	v2 =	vand.u32 $0x7F, v2;
	v0 =	vand.u32 $0xFFFFFE00, v0  }
0x2ee: {  	v5 =	vor.u32 v1, v5;
	v0 =	vor.u32 v2, v0;
	v2 =	vand.u32 $0xFFFFFE00, v9;
	v9 =	vld [tilespmem:s23+$0x30]  }
0x2ef: {  	v11 =	vand.u32 $0x7F, v7;
	v2 =	vor.u32 v3, v2;
	v3 =	vshll.u32 v6, $0x2  }
0x2f0: {  	v1 =	vand.u32 $0x7F, v6;
	v12 =	vor.u32 $0x80, v4;
	v3 =	vand.u32 $0xFFFFFE00, v3  }
0x2f1: {  	v6 =	vshll.u32 v7, $0x2;
	v10 =	vld.idx.msk [tilespmem:v4+s8+$0x0], $0xffff;
	v1 =	vor.u32 v1, v3;
	v3 =	vshll.u32 v8, $0x2  }
0x2f2: {  	v6 =	vand.u32 $0xFFFFFE00, v6;
	v8 =	vand.u32 $0x7F, v8;
	v3 =	vand.u32 $0xFFFFFE00, v3  }
0x2f3: {  	v6 =	vor.u32 v11, v6;
	v17 =	vld.idx.msk [tilespmem:v5+s8+$0x0], $0xffff;
	v7 =	vor.u32 v8, v3;
	v3 =	vshll.u32 v9, $0x2  }
0x2f4: {  	v13 =	vld.idx.msk [tilespmem:v0+s8+$0x0], $0xffff;
	v8 =	vand.u32 $0x7F, v9;
	v3 =	vand.u32 $0xFFFFFE00, v3  }
0x2f5: {  	s17 =	simm.s32 $0x10900;
	v11 =	vld.idx.msk [tilespmem:v2+s8+$0x0], $0xffff;
	v3 =	vor.u32 v8, v3  }
0x2f6: {  	v20 =	vor.u32 $0x80, v0;
	[tilespmem:s17+$0xFFFFFF00] =	vst v10;
	v10 =	vld.idx.msk [tilespmem:v1+s8+$0x0], $0xffff  }
0x2f7: {  	v18 =	vld.idx.msk [tilespmem:v12+s8+$0x0], $0xffff;
	v12 =	vor.u32 $0x80, v5  }
0x2f8: {  	v15 =	vor.u32 $0x80, v2;
	v16 =	vld.idx.msk [tilespmem:v6+s8+$0x0], $0xffff  }
0x2f9: {  	s9 =	simm.s32 $0x0;
	s14 =	simm.s32 $0x10900;
	s21 =	simm.s32 $0xC0;
	v9 =	vor.u32 $0x80, v1;
	v14 =	vor.u32 $0x80, v7;
	v8 =	vor.u32 $0x80, v3;
	v19 =	vld.idx.msk [tilespmem:v7+s8+$0x0], $0xffff  }
.LBB2_19:
0x2fa: {  	s9 =	sadd.s32 $0x8, s9;
	[tilespmem:s17+$0xFFFFFF40] =	vst v13;
	v13 =	vld.idx.msk [tilespmem:v3+s8+$0x0], $0xffff;
	s14 =	sadd.s32 $0x200, s14  }
0x2fb: {  	p1 =	slt.u32 s9, $0x78;
	v20 =	vld.idx.msk [tilespmem:v20+s8+$0x0], $0xffff;
	[tilespmem:s17+$0xFFFFFF50] =	vst v17  }
0x2fc: {  	v17 =	vor.u32 $0x100, v4;
	v12 =	vld.idx.msk [tilespmem:v12+s8+$0x0], $0xffff  }
0x2fd: {  	v21 =	vld [tilespmem:s21+$0x10];
	[tilespmem:s17+$0xFFFFFF80] =	vst v18  }
0x2fe: {  	v18 =	vld [tilespmem:s21+$0xFFFFFFE0];
	[tilespmem:s17+$0xFFFFFF10] =	vst v19;
	v19 =	vor.u32 $0x80, v6  }
0x2ff: {  	v14 =	vld.idx.msk [tilespmem:v14+s8+$0x0], $0xffff;
	[tilespmem:s17+$0xFFFFFF20] =	vst v11  }
0x300: {  	v11 =	vld.idx.msk [tilespmem:v15+s8+$0x0], $0xffff;
	[tilespmem:s17+$0xFFFFFF70] =	vst v13  }
0x301: {  	v13 =	vld.idx.msk [tilespmem:v17+s8+$0x0], $0xffff;
	[tilespmem:s17+$0xFFFFFFC0] =	vst v20  }
0x302: {  	v15 =	vld [tilespmem:s21+$0xFFFFFFF0];
	[tilespmem:s17+$0xFFFFFF30] =	vst v16  }
0x303: {  	v16 =	vld.idx.msk [tilespmem:v19+s8+$0x0], $0xffff;
	[tilespmem:s17+$0xFFFFFFD0] =	vst v12  }
0x304: {  	v12 =	vld [tilespmem:s21+$0xFFFFFFC0];
	[tilespmem:s17+$0xFFFFFF60] =	vst v10  }
0x305: {  	[tilespmem:s17+$0xFFFFFF90] =	vst v14;
	v8 =	vld.idx.msk [tilespmem:v8+s8+$0x0], $0xffff  }
0x306: {  	v10 =	vld [tilespmem:s21+$0x20];
	[tilespmem:s17+$0xFFFFFFA0] =	vst v11;
	v11 =	vor.u32 $0x100, v5  }
0x307: {  	v14 =	vld [tilespmem:s21+$0x30];
	[tilespmem:s17+$0x0] =	vst v13;
	v13 =	vor.u32 $0x100, v7  }
0x308: {  	v19 =	vor.u32 $0x100, v6;
	v17 =	vld [tilespmem:s21+$0xFFFFFFD0]  }
0x309: {  	v20 =	vor.u32 $0x180, v4;
	[tilespmem:s17+$0xFFFFFFB0] =	vst v16;
	v9 =	vld.idx.msk [tilespmem:v9+s8+$0x0], $0xffff  }
0x30a: {  	v22 =	vor.u32 $0x100, v2;
	v23 =	vor.u32 $0x180, v5;
	v5 =	vor.u32 $0x100, v1;
	v16 =	vld [tilespmem:s21+$0x0]  }
0x30b: {  	v24 =	vor.u32 $0x100, v0;
	v4 =	vshll.u32 v12, $0x2;
	v11 =	vld.idx.msk [tilespmem:v11+s8+$0x0], $0xffff;
	[tilespmem:s17+$0xFFFFFFF0] =	vst v8;
	v8 =	vor.u32 $0x100, v3  }
0x30c: {  	v4 =	vand.u32 $0xFFFFFE00, v4;
	v25 =	vand.u32 $0x7F, v14;
	v14 =	vshll.u32 v14, $0x2;
	v13 =	vld.idx.msk [tilespmem:v13+s8+$0x0], $0xffff  }
0x30d: {  	v6 =	vor.u32 $0x180, v6;
	v12 =	vand.u32 $0x7F, v12;
	v14 =	vand.u32 $0xFFFFFE00, v14;
	v19 =	vld.idx.msk [tilespmem:v19+s8+$0x0], $0xffff  }
0x30e: {  	v7 =	vor.u32 $0x180, v7;
	v4 =	vor.u32 v12, v4;
	v12 =	vshll.u32 v21, $0x2;
	v20 =	vld.idx.msk [tilespmem:v20+s8+$0x0], $0xffff  }
0x30f: {  	v26 =	vshll.u32 v15, $0x2;
	v14 =	vor.u32 v25, v14;
	v27 =	vshll.u32 v16, $0x2;
	v22 =	vld.idx.msk [tilespmem:v22+s8+$0x0], $0xffff;
	[tilespmem:s17+$0xFFFFFFE0] =	vst v9  }
0x310: {  	v21 =	vand.u32 $0x7F, v21;
	v9 =	vand.u32 $0xFFFFFE00, v26;
	v16 =	vand.u32 $0x7F, v16;
	v25 =	vld.idx.msk [tilespmem:v5+s8+$0x0], $0xffff  }
0x311: {  	v12 =	vand.u32 $0xFFFFFE00, v12;
	v26 =	vor.u32 $0x180, v2;
	v5 =	vand.u32 $0xFFFFFE00, v27;
	[tilespmem:s17+$0x50] =	vst v11;
	v8 =	vld.idx.msk [tilespmem:v8+s8+$0x0], $0xffff  }
0x312: {  	v2 =	vshll.u32 v18, $0x2;
	v11 =	vor.u32 v16, v5;
	v5 =	vor.u32 v21, v12;
	[tilespmem:s17+$0x10] =	vst v13;
	v12 =	vld.idx.msk [tilespmem:v24+s8+$0x0], $0xffff  }
0x313: {  	v2 =	vand.u32 $0xFFFFFE00, v2;
	v13 =	vor.u32 $0x180, v3;
	v3 =	vmov v14;
	v7 =	vld.idx.msk [tilespmem:v7+s8+$0x0], $0xffff;
	[tilespmem:s17+$0x30] =	vst v19  }
0x314: {  	v14 =	vand.u32 $0x7F, v18;
	v18 =	vor.u32 $0x180, v0;
	v0 =	vmovc v11;
	v19 =	vor.u32 $0x180, v1;
	[tilespmem:s17+$0x80] =	vst v20;
	v16 =	vld.idx.msk [tilespmem:v6+s8+$0x0], $0xffff  }
0x315: {  	v21 =	vor.u32 $0x80, v4;
	v2 =	vor.u32 v14, v2;
	v1 =	vand.u32 $0x7F, v15;
	[tilespmem:s17+$0x20] =	vst v22;
	v11 =	vld.idx.msk [tilespmem:v23+s8+$0x0], $0xffff  }
0x316: {  	v6 =	vor.u32 v1, v9;
	v1 =	vshll.u32 v10, $0x2;
	v9 =	vld.idx.msk [tilespmem:v26+s8+$0x0], $0xffff;
	[tilespmem:s17+$0x60] =	vst v25  }
0x317: {  	v10 =	vand.u32 $0x7F, v10;
	v1 =	vand.u32 $0xFFFFFE00, v1;
	v15 =	vld.idx.msk [tilespmem:v4+s8+$0x0], $0xffff;
	[tilespmem:s17+$0x70] =	vst v8  }
0x318: {  	v1 =	vor.u32 v10, v1;
	[tilespmem:s17+$0x40] =	vst v12;
	v22 =	vld.idx.msk [tilespmem:v13+s8+$0x0], $0xffff  }
0x319: {  	v8 =	vshll.u32 v17, $0x2;
	v12 =	vor.u32 $0x80, v5;
	v13 =	vld.idx.msk [tilespmem:v0+s8+$0x0], $0xffff;
	[tilespmem:s17+$0x90] =	vst v7  }
0x31a: {  	v10 =	vand.u32 $0xFFFFFE00, v8;
	v8 =	vor.u32 $0x80, v3;
	v7 =	vand.u32 $0x7F, v17;
	[tilespmem:s17+$0xB0] =	vst v16;
	v16 =	vld.idx.msk [tilespmem:v18+s8+$0x0], $0xffff  }
0x31b: {  	v7 =	vor.u32 v7, v10;
	[tilespmem:s17+$0xD0] =	vst v11;
	v23 =	vld.idx.msk [tilespmem:v19+s8+$0x0], $0xffff  }
0x31c: {  	v14 =	vor.u32 $0x80, v7;
	v11 =	vld.idx.msk [tilespmem:v2+s8+$0x0], $0xffff  }
.Ltmp11:
0x31d: {  	[tilespmem:s14+$0xFFFFFF00] =	vst v15;
	v15 =	vor.u32 $0x80, v2;
	v17 =	vld.idx.msk [tilespmem:v5+s8+$0x0], $0xffff;
	(pc) =	sbr.rel @p1 .LBB2_19-.Ltmp11, $4  }
0x31e: {  	v20 =	vor.u32 $0x80, v0;
	v10 =	vld.idx.msk [tilespmem:v1+s8+$0x0], $0xffff;
	[tilespmem:s17+$0xF0] =	vst v22  }
0x31f: {  	v18 =	vld.idx.msk [tilespmem:v21+s8+$0x0], $0xffff;
	[tilespmem:s17+$0xA0] =	vst v9  }
0x320: {  	v19 =	vld.idx.msk [tilespmem:v7+s8+$0x0], $0xffff;
	[tilespmem:s17+$0xC0] =	vst v16  }
0x321: {  	s21 =	sadd.s32 $0x80, s21;
	v9 =	vor.u32 $0x80, v1;
	v16 =	vld.idx.msk [tilespmem:v6+s8+$0x0], $0xffff;
	[tilespmem:s17+$0xE0] =	vst v23;
	s17 =	smov.u32 s14  }
0x322: {  	_ =	sdelay $0x2  }
0x323: {  	[tilespmem:s17+$0xFFFFFF40] =	vst v13  }
0x324: {  	v13 =	vld.idx.msk [tilespmem:v3+s8+$0x0], $0xffff;
	[tilespmem:s17+$0xFFFFFF50] =	vst v17  }
0x325: {  	[tilespmem:s17+$0xFFFFFF20] =	vst v11;
	v17 =	vld.idx.msk [tilespmem:v20+s8+$0x0], $0xffff;
	v20 =	vor.u32 $0x100, v4  }
0x326: {  	[tilespmem:s17+$0xFFFFFF80] =	vst v18  }
0x327: {  	v12 =	vld.idx.msk [tilespmem:v12+s8+$0x0], $0xffff;
	v18 =	vor.u32 $0x80, v6;
	[tilespmem:s17+$0xFFFFFF10] =	vst v19  }
0x328: {  	[tilespmem:s17+$0xFFFFFF60] =	vst v10;
	v11 =	vld.idx.msk [tilespmem:v14+s8+$0x0], $0xffff  }
0x329: {  	[tilespmem:s17+$0xFFFFFF70] =	vst v13;
	v13 =	vld.idx.msk [tilespmem:v15+s8+$0x0], $0xffff  }
0x32a: {  	v14 =	vor.u32 $0x100, v5;
	[tilespmem:s17+$0xFFFFFFC0] =	vst v17;
	v17 =	vld.idx.msk [tilespmem:v20+s8+$0x0], $0xffff  }
0x32b: {  	v10 =	vor.u32 $0x100, v2;
	[tilespmem:s17+$0xFFFFFF30] =	vst v16;
	v8 =	vld.idx.msk [tilespmem:v8+s8+$0x0], $0xffff  }
0x32c: {  	v16 =	vor.u32 $0x100, v7;
	[tilespmem:s17+$0xFFFFFFD0] =	vst v12;
	v15 =	vld.idx.msk [tilespmem:v18+s8+$0x0], $0xffff  }
0x32d: {  	v4 =	vor.u32 $0x180, v4;
	[tilespmem:s17+$0xFFFFFF90] =	vst v11  }
0x32e: {  	v9 =	vld.idx.msk [tilespmem:v9+s8+$0x0], $0xffff;
	v12 =	vor.u32 $0x100, v6;
	[tilespmem:s17+$0xFFFFFFA0] =	vst v13  }
0x32f: {  	v11 =	vld.idx.msk [tilespmem:v14+s8+$0x0], $0xffff;
	v14 =	vor.u32 $0x100, v1;
	[tilespmem:s17+$0x0] =	vst v17  }
0x330: {  	v13 =	vor.u32 $0x100, v3;
	[tilespmem:s17+$0xFFFFFFF0] =	vst v8;
	v8 =	vld.idx.msk [tilespmem:v10+s8+$0x0], $0xffff  }
0x331: {  	v5 =	vor.u32 $0x180, v5;
	[tilespmem:s17+$0xFFFFFFB0] =	vst v15;
	v15 =	vld.idx.msk [tilespmem:v16+s8+$0x0], $0xffff  }
0x332: {  	v16 =	vor.u32 $0x100, v0;
	v4 =	vld.idx.msk [tilespmem:v4+s8+$0x0], $0xffff  }
0x333: {  	v2 =	vor.u32 $0x180, v2;
	[tilespmem:s17+$0xFFFFFFE0] =	vst v9;
	v12 =	vld.idx.msk [tilespmem:v12+s8+$0x0], $0xffff  }
0x334: {  	v7 =	vor.u32 $0x180, v7;
	[tilespmem:s17+$0x50] =	vst v11;
	v10 =	vld.idx.msk [tilespmem:v14+s8+$0x0], $0xffff  }
0x335: {  	v6 =	vor.u32 $0x180, v6;
	v9 =	vld.idx.msk [tilespmem:v13+s8+$0x0], $0xffff;
	[tilespmem:s17+$0x20] =	vst v8  }
0x336: {  	v1 =	vor.u32 $0x180, v1;
	v5 =	vld.idx.msk [tilespmem:v5+s8+$0x0], $0xffff;
	[tilespmem:s17+$0x10] =	vst v15  }
0x337: {  	v3 =	vor.u32 $0x180, v3;
	v11 =	vld.idx.msk [tilespmem:v16+s8+$0x0], $0xffff;
	[tilespmem:s17+$0x80] =	vst v4  }
0x338: {  	v0 =	vor.u32 $0x180, v0;
	v2 =	vld.idx.msk [tilespmem:v2+s8+$0x0], $0xffff;
	[tilespmem:s17+$0x30] =	vst v12  }
0x339: {  	v7 =	vld.idx.msk [tilespmem:v7+s8+$0x0], $0xffff;
	[tilespmem:s17+$0x60] =	vst v10  }
0x33a: {  	v4 =	vld.idx.msk [tilespmem:v6+s8+$0x0], $0xffff;
	[tilespmem:s17+$0x70] =	vst v9  }
0x33b: {  	v1 =	vld.idx.msk [tilespmem:v1+s8+$0x0], $0xffff;
	[tilespmem:s17+$0xD0] =	vst v5  }
0x33c: {  	v3 =	vld.idx.msk [tilespmem:v3+s8+$0x0], $0xffff;
	[tilespmem:s17+$0x40] =	vst v11  }
0x33d: {  	[tilespmem:s17+$0xA0] =	vst v2;
	v0 =	vld.idx.msk [tilespmem:v0+s8+$0x0], $0xffff  }
0x33e: {  	[tilespmem:s17+$0x90] =	vst v7  }
0x33f: {  	[tilespmem:s17+$0xB0] =	vst v4  }
0x340: {  	[tilespmem:s17+$0xE0] =	vst v1  }
0x341: {  	[tilespmem:s17+$0xF0] =	vst v3  }
0x342: {  	s9 =	simm.s32 $0xD;
	[tilespmem:s17+$0xC0] =	vst v0  }
0x343: {  	_ =	swait.ge [sflag:s9], $0x400  }
0x344: {  	[sflag:s9] =	ssyncset.done $0x0  }
0x345: {  	s21 =	simm.s32 $0x10800;
	[sflag:s9] =	ssyncadd.s32 $0xFFFFFC00  }
0x346: {  	[spmem:s7] =	stream.linear.scatter [tilespmem:s21], [sflag:$0x9], $0x2000, $0x38;
	[tilespmem:$0x1C800] =	vst v63  }
0x347: {  	_ =	swait.ge [sflag:s20], $0x2000  }
0x348: {  	[sflag:s20] =	ssyncset.done $0x0;
	s23 =	rddreg [dreg:$0x1a]  }
0x349: {  	[sflag:s20] =	ssyncadd.s32 $0xFFFFE000;
	s9 =	sadd.s32 s19, s23  }
0x34a: {  	[hbm:s9@s5], [sflag:s28] =	dma.strided [spmem:s30@s18], $0x400, s0, $0x10   }
0x34b: {  	s14 =	simm.s32 @!p0 $0x200;
	s17 =	simm.s32 @!p0 $0x400;
	s9 =	rddreg [dreg:$0x1b]  }
0x34c: {  	s21 =	simm.s32 @!p0 $0xC800;
	s28 =	simm.s32 $0x8;
	s9 =	sadd.s32 @!p0 s3, s9  }
0x34d: {  	[tilespmem:s21], [sflag:$0x7] =	stream.strided.gather @!p0 [hbm4b:s9+s14], $0x2000, s17, s14, $0x38;
	[tilespmem:$0x1C800] =	vst v63  }
0x34e: {  	_ =	swait.ge [sflag:s28], $0x2000  }
0x34f: {  	[sflag:s28] =	ssyncset.done $0x0  }
0x350: {  	s30 =	simm.s32 $0x40;
	[sflag:s28] =	ssyncadd.s32 $0xFFFFE000  }
0x351: {  	v0 =	vld [tilespmem:s30+$0xFFFFFFC0]  }
0x352: {  	v1 =	vld [tilespmem:s30+$0x10]  }
0x353: {  	v3 =	vld [tilespmem:s30+$0xFFFFFFE0]  }
0x354: {  	v2 =	vld [tilespmem:s30+$0x0];
	_ =	sdelay $0x1  }
0x355: {  	v6 =	vld [tilespmem:s30+$0x20]  }
0x356: {  	v7 =	vld [tilespmem:s30+$0xFFFFFFF0];
	v4 =	vshll.u32 v0, $0x2;
	v0 =	vand.u32 $0x7F, v0;
	v5 =	vshll.u32 v1, $0x2  }
0x357: {  	v1 =	vand.u32 $0x7F, v1;
	v9 =	vshll.u32 v3, $0x2;
	v4 =	vand.u32 $0xFFFFFE00, v4  }
0x358: {  	v8 =	vld [tilespmem:s30+$0xFFFFFFD0];
	v3 =	vand.u32 $0x7F, v3;
	v4 =	vor.u32 v0, v4;
	v0 =	vshll.u32 v2, $0x2  }
0x359: {  	v5 =	vand.u32 $0xFFFFFE00, v5;
	v2 =	vand.u32 $0x7F, v2;
	v0 =	vand.u32 $0xFFFFFE00, v0  }
0x35a: {  	v5 =	vor.u32 v1, v5;
	v0 =	vor.u32 v2, v0;
	v2 =	vand.u32 $0xFFFFFE00, v9;
	v9 =	vld [tilespmem:s30+$0x30]  }
0x35b: {  	v11 =	vand.u32 $0x7F, v7;
	v2 =	vor.u32 v3, v2;
	v3 =	vshll.u32 v6, $0x2  }
0x35c: {  	v1 =	vand.u32 $0x7F, v6;
	v12 =	vor.u32 $0x80, v4;
	v3 =	vand.u32 $0xFFFFFE00, v3  }
0x35d: {  	v6 =	vshll.u32 v7, $0x2;
	v10 =	vld.idx.msk [tilespmem:v4+s2+$0x0], $0xffff;
	v1 =	vor.u32 v1, v3;
	v3 =	vshll.u32 v8, $0x2  }
0x35e: {  	v6 =	vand.u32 $0xFFFFFE00, v6;
	v8 =	vand.u32 $0x7F, v8;
	v3 =	vand.u32 $0xFFFFFE00, v3  }
0x35f: {  	v6 =	vor.u32 v11, v6;
	v17 =	vld.idx.msk [tilespmem:v5+s2+$0x0], $0xffff;
	v7 =	vor.u32 v8, v3;
	v3 =	vshll.u32 v9, $0x2  }
0x360: {  	v13 =	vld.idx.msk [tilespmem:v0+s2+$0x0], $0xffff;
	v8 =	vand.u32 $0x7F, v9;
	v3 =	vand.u32 $0xFFFFFE00, v3  }
0x361: {  	s17 =	simm.s32 $0x12900;
	v11 =	vld.idx.msk [tilespmem:v2+s2+$0x0], $0xffff;
	v3 =	vor.u32 v8, v3  }
0x362: {  	v20 =	vor.u32 $0x80, v0;
	[tilespmem:s17+$0xFFFFFF00] =	vst v10;
	v10 =	vld.idx.msk [tilespmem:v1+s2+$0x0], $0xffff  }
0x363: {  	v18 =	vld.idx.msk [tilespmem:v12+s2+$0x0], $0xffff;
	v12 =	vor.u32 $0x80, v5  }
0x364: {  	v15 =	vor.u32 $0x80, v2;
	v16 =	vld.idx.msk [tilespmem:v6+s2+$0x0], $0xffff  }
0x365: {  	s9 =	simm.s32 $0x0;
	s21 =	simm.s32 $0xC0;
	s14 =	simm.s32 $0x12900;
	v9 =	vor.u32 $0x80, v1;
	v14 =	vor.u32 $0x80, v7;
	v8 =	vor.u32 $0x80, v3;
	v19 =	vld.idx.msk [tilespmem:v7+s2+$0x0], $0xffff  }
.LBB2_21:
0x366: {  	s9 =	sadd.s32 $0x8, s9;
	[tilespmem:s17+$0xFFFFFF40] =	vst v13;
	v13 =	vld.idx.msk [tilespmem:v3+s2+$0x0], $0xffff;
	s14 =	sadd.s32 $0x200, s14  }
0x367: {  	p1 =	slt.u32 s9, $0x78;
	v20 =	vld.idx.msk [tilespmem:v20+s2+$0x0], $0xffff;
	[tilespmem:s17+$0xFFFFFF50] =	vst v17  }
0x368: {  	v17 =	vor.u32 $0x100, v4;
	v12 =	vld.idx.msk [tilespmem:v12+s2+$0x0], $0xffff  }
0x369: {  	v21 =	vld [tilespmem:s21+$0x10];
	[tilespmem:s17+$0xFFFFFF80] =	vst v18  }
0x36a: {  	v18 =	vld [tilespmem:s21+$0xFFFFFFE0];
	[tilespmem:s17+$0xFFFFFF10] =	vst v19;
	v19 =	vor.u32 $0x80, v6  }
0x36b: {  	v14 =	vld.idx.msk [tilespmem:v14+s2+$0x0], $0xffff;
	[tilespmem:s17+$0xFFFFFF20] =	vst v11  }
0x36c: {  	v11 =	vld.idx.msk [tilespmem:v15+s2+$0x0], $0xffff;
	[tilespmem:s17+$0xFFFFFF70] =	vst v13  }
0x36d: {  	v13 =	vld.idx.msk [tilespmem:v17+s2+$0x0], $0xffff;
	[tilespmem:s17+$0xFFFFFFC0] =	vst v20  }
0x36e: {  	v15 =	vld [tilespmem:s21+$0xFFFFFFF0];
	[tilespmem:s17+$0xFFFFFF30] =	vst v16  }
0x36f: {  	v16 =	vld.idx.msk [tilespmem:v19+s2+$0x0], $0xffff;
	[tilespmem:s17+$0xFFFFFFD0] =	vst v12  }
0x370: {  	v12 =	vld [tilespmem:s21+$0xFFFFFFC0];
	[tilespmem:s17+$0xFFFFFF60] =	vst v10  }
0x371: {  	[tilespmem:s17+$0xFFFFFF90] =	vst v14;
	v8 =	vld.idx.msk [tilespmem:v8+s2+$0x0], $0xffff  }
0x372: {  	v10 =	vld [tilespmem:s21+$0x20];
	[tilespmem:s17+$0xFFFFFFA0] =	vst v11;
	v11 =	vor.u32 $0x100, v5  }
0x373: {  	v14 =	vld [tilespmem:s21+$0x30];
	[tilespmem:s17+$0x0] =	vst v13;
	v13 =	vor.u32 $0x100, v7  }
0x374: {  	v19 =	vor.u32 $0x100, v6;
	v17 =	vld [tilespmem:s21+$0xFFFFFFD0]  }
0x375: {  	v20 =	vor.u32 $0x180, v4;
	[tilespmem:s17+$0xFFFFFFB0] =	vst v16;
	v9 =	vld.idx.msk [tilespmem:v9+s2+$0x0], $0xffff  }
0x376: {  	v22 =	vor.u32 $0x100, v2;
	v23 =	vor.u32 $0x180, v5;
	v5 =	vor.u32 $0x100, v1;
	v16 =	vld [tilespmem:s21+$0x0]  }
0x377: {  	v24 =	vor.u32 $0x100, v0;
	v4 =	vshll.u32 v12, $0x2;
	v11 =	vld.idx.msk [tilespmem:v11+s2+$0x0], $0xffff;
	[tilespmem:s17+$0xFFFFFFF0] =	vst v8;
	v8 =	vor.u32 $0x100, v3  }
0x378: {  	v4 =	vand.u32 $0xFFFFFE00, v4;
	v25 =	vand.u32 $0x7F, v14;
	v14 =	vshll.u32 v14, $0x2;
	v13 =	vld.idx.msk [tilespmem:v13+s2+$0x0], $0xffff  }
0x379: {  	v6 =	vor.u32 $0x180, v6;
	v12 =	vand.u32 $0x7F, v12;
	v14 =	vand.u32 $0xFFFFFE00, v14;
	v19 =	vld.idx.msk [tilespmem:v19+s2+$0x0], $0xffff  }
0x37a: {  	v7 =	vor.u32 $0x180, v7;
	v4 =	vor.u32 v12, v4;
	v12 =	vshll.u32 v21, $0x2;
	v20 =	vld.idx.msk [tilespmem:v20+s2+$0x0], $0xffff  }
0x37b: {  	v26 =	vshll.u32 v15, $0x2;
	v14 =	vor.u32 v25, v14;
	v27 =	vshll.u32 v16, $0x2;
	v22 =	vld.idx.msk [tilespmem:v22+s2+$0x0], $0xffff;
	[tilespmem:s17+$0xFFFFFFE0] =	vst v9  }
0x37c: {  	v21 =	vand.u32 $0x7F, v21;
	v9 =	vand.u32 $0xFFFFFE00, v26;
	v16 =	vand.u32 $0x7F, v16;
	v25 =	vld.idx.msk [tilespmem:v5+s2+$0x0], $0xffff  }
0x37d: {  	v12 =	vand.u32 $0xFFFFFE00, v12;
	v26 =	vor.u32 $0x180, v2;
	v5 =	vand.u32 $0xFFFFFE00, v27;
	[tilespmem:s17+$0x50] =	vst v11;
	v8 =	vld.idx.msk [tilespmem:v8+s2+$0x0], $0xffff  }
0x37e: {  	v2 =	vshll.u32 v18, $0x2;
	v11 =	vor.u32 v16, v5;
	v5 =	vor.u32 v21, v12;
	[tilespmem:s17+$0x10] =	vst v13;
	v12 =	vld.idx.msk [tilespmem:v24+s2+$0x0], $0xffff  }
0x37f: {  	v2 =	vand.u32 $0xFFFFFE00, v2;
	v13 =	vor.u32 $0x180, v3;
	v3 =	vmov v14;
	v7 =	vld.idx.msk [tilespmem:v7+s2+$0x0], $0xffff;
	[tilespmem:s17+$0x30] =	vst v19  }
0x380: {  	v14 =	vand.u32 $0x7F, v18;
	v18 =	vor.u32 $0x180, v0;
	v0 =	vmovc v11;
	v19 =	vor.u32 $0x180, v1;
	[tilespmem:s17+$0x80] =	vst v20;
	v16 =	vld.idx.msk [tilespmem:v6+s2+$0x0], $0xffff  }
0x381: {  	v21 =	vor.u32 $0x80, v4;
	v2 =	vor.u32 v14, v2;
	v1 =	vand.u32 $0x7F, v15;
	[tilespmem:s17+$0x20] =	vst v22;
	v11 =	vld.idx.msk [tilespmem:v23+s2+$0x0], $0xffff  }
0x382: {  	v6 =	vor.u32 v1, v9;
	v1 =	vshll.u32 v10, $0x2;
	v9 =	vld.idx.msk [tilespmem:v26+s2+$0x0], $0xffff;
	[tilespmem:s17+$0x60] =	vst v25  }
0x383: {  	v10 =	vand.u32 $0x7F, v10;
	v1 =	vand.u32 $0xFFFFFE00, v1;
	v15 =	vld.idx.msk [tilespmem:v4+s2+$0x0], $0xffff;
	[tilespmem:s17+$0x70] =	vst v8  }
0x384: {  	v1 =	vor.u32 v10, v1;
	[tilespmem:s17+$0x40] =	vst v12;
	v22 =	vld.idx.msk [tilespmem:v13+s2+$0x0], $0xffff  }
0x385: {  	v8 =	vshll.u32 v17, $0x2;
	v12 =	vor.u32 $0x80, v5;
	v13 =	vld.idx.msk [tilespmem:v0+s2+$0x0], $0xffff;
	[tilespmem:s17+$0x90] =	vst v7  }
0x386: {  	v10 =	vand.u32 $0xFFFFFE00, v8;
	v8 =	vor.u32 $0x80, v3;
	v7 =	vand.u32 $0x7F, v17;
	[tilespmem:s17+$0xB0] =	vst v16;
	v16 =	vld.idx.msk [tilespmem:v18+s2+$0x0], $0xffff  }
0x387: {  	v7 =	vor.u32 v7, v10;
	[tilespmem:s17+$0xD0] =	vst v11;
	v23 =	vld.idx.msk [tilespmem:v19+s2+$0x0], $0xffff  }
0x388: {  	v14 =	vor.u32 $0x80, v7;
	v11 =	vld.idx.msk [tilespmem:v2+s2+$0x0], $0xffff  }
.Ltmp12:
0x389: {  	[tilespmem:s14+$0xFFFFFF00] =	vst v15;
	v15 =	vor.u32 $0x80, v2;
	v17 =	vld.idx.msk [tilespmem:v5+s2+$0x0], $0xffff;
	(pc) =	sbr.rel @p1 .LBB2_21-.Ltmp12, $4  }
0x38a: {  	v20 =	vor.u32 $0x80, v0;
	v10 =	vld.idx.msk [tilespmem:v1+s2+$0x0], $0xffff;
	[tilespmem:s17+$0xF0] =	vst v22  }
0x38b: {  	v18 =	vld.idx.msk [tilespmem:v21+s2+$0x0], $0xffff;
	[tilespmem:s17+$0xA0] =	vst v9  }
0x38c: {  	v19 =	vld.idx.msk [tilespmem:v7+s2+$0x0], $0xffff;
	[tilespmem:s17+$0xC0] =	vst v16  }
0x38d: {  	s21 =	sadd.s32 $0x80, s21;
	v9 =	vor.u32 $0x80, v1;
	v16 =	vld.idx.msk [tilespmem:v6+s2+$0x0], $0xffff;
	[tilespmem:s17+$0xE0] =	vst v23;
	s17 =	smov.u32 s14  }
0x38e: {  	_ =	sdelay $0x1  }
0x38f: {  	[tilespmem:s17+$0xFFFFFF40] =	vst v13  }
0x390: {  	[tilespmem:s17+$0xFFFFFF50] =	vst v17  }
0x391: {  	v34 =	vld.idx.msk [tilespmem:v3+s2+$0x0], $0xffff;
	[tilespmem:s17+$0xFFFFFF20] =	vst v11  }
0x392: {  	v36 =	vor.u32 $0x80, v6;
	v35 =	vld.idx.msk [tilespmem:v20+s2+$0x0], $0xffff;
	[tilespmem:s17+$0xFFFFFF60] =	vst v10  }
0x393: {  	v37 =	vor.u32 $0x100, v4;
	v12 =	vld.idx.msk [tilespmem:v12+s2+$0x0], $0xffff;
	[tilespmem:s17+$0xFFFFFF80] =	vst v18  }
0x394: {  	v39 =	vld.idx.msk [tilespmem:v15+s2+$0x0], $0xffff;
	[tilespmem:s17+$0xFFFFFF10] =	vst v19  }
0x395: {  	v40 =	vor.u32 $0x100, v5;
	v9 =	vld.idx.msk [tilespmem:v9+s2+$0x0], $0xffff;
	[tilespmem:s17+$0xFFFFFF30] =	vst v16  }
0x396: {  	v46 =	vor.u32 $0x100, v2;
	v38 =	vld.idx.msk [tilespmem:v14+s2+$0x0], $0xffff;
	[tilespmem:s17+$0xFFFFFF70] =	vst v34  }
0x397: {  	v51 =	vor.u32 $0x100, v0;
	v41 =	vld.idx.msk [tilespmem:v36+s2+$0x0], $0xffff;
	[tilespmem:s17+$0xFFFFFFC0] =	vst v35  }
0x398: {  	v49 =	vor.u32 $0x100, v1;
	v43 =	vld.idx.msk [tilespmem:v37+s2+$0x0], $0xffff;
	[tilespmem:s17+$0xFFFFFFD0] =	vst v12  }
0x399: {  	v42 =	vor.u32 $0x100, v7;
	v8 =	vld.idx.msk [tilespmem:v8+s2+$0x0], $0xffff;
	[tilespmem:s17+$0xFFFFFFA0] =	vst v39  }
0x39a: {  	v44 =	vor.u32 $0x100, v6;
	v47 =	vld.idx.msk [tilespmem:v40+s2+$0x0], $0xffff;
	[tilespmem:s17+$0xFFFFFFE0] =	vst v9  }
0x39b: {  	v45 =	vor.u32 $0x180, v4;
	v54 =	vld.idx.msk [tilespmem:v46+s2+$0x0], $0xffff;
	[tilespmem:s17+$0xFFFFFF90] =	vst v38  }
0x39c: {  	v48 =	vor.u32 $0x100, v3;
	v60 =	vld.idx.msk [tilespmem:v51+s2+$0x0], $0xffff;
	[tilespmem:s17+$0xFFFFFFB0] =	vst v41  }
0x39d: {  	v55 =	vor.u32 $0x180, v5;
	v57 =	vld.idx.msk [tilespmem:v49+s2+$0x0], $0xffff;
	[tilespmem:s17+$0x0] =	vst v43  }
0x39e: {  	v59 =	vor.u32 $0x180, v2;
	v50 =	vld.idx.msk [tilespmem:v42+s2+$0x0], $0xffff;
	[tilespmem:s17+$0xFFFFFFF0] =	vst v8  }
0x39f: {  	v61 =	vor.u32 $0x180, v0;
	v12 =	vld.idx.msk [tilespmem:v44+s2+$0x0], $0xffff;
	[tilespmem:s17+$0x50] =	vst v47  }
0x3a0: {  	v63 =	vor.u32 $0x180, v1;
	v4 =	vld.idx.msk [tilespmem:v45+s2+$0x0], $0xffff;
	[tilespmem:s17+$0x20] =	vst v54  }
0x3a1: {  	v52 =	vor.u32 $0x180, v7;
	v56 =	vld.idx.msk [tilespmem:v48+s2+$0x0], $0xffff;
	[tilespmem:s17+$0x40] =	vst v60  }
0x3a2: {  	v53 =	vor.u32 $0x180, v6;
	v5 =	vld.idx.msk [tilespmem:v55+s2+$0x0], $0xffff;
	[tilespmem:s17+$0x60] =	vst v57  }
0x3a3: {  	v58 =	vor.u32 $0x180, v3;
	v2 =	vld.idx.msk [tilespmem:v59+s2+$0x0], $0xffff;
	[tilespmem:s17+$0x10] =	vst v50  }
0x3a4: {  	v0 =	vld.idx.msk [tilespmem:v61+s2+$0x0], $0xffff;
	[tilespmem:s17+$0x30] =	vst v12  }
0x3a5: {  	v1 =	vld.idx.msk [tilespmem:v63+s2+$0x0], $0xffff;
	[tilespmem:s17+$0x80] =	vst v4  }
0x3a6: {  	v7 =	vld.idx.msk [tilespmem:v52+s2+$0x0], $0xffff;
	[tilespmem:s17+$0x70] =	vst v56  }
0x3a7: {  	v62 =	vld.idx.msk [tilespmem:v53+s2+$0x0], $0xffff;
	[tilespmem:s17+$0xD0] =	vst v5  }
0x3a8: {  	v3 =	vld.idx.msk [tilespmem:v58+s2+$0x0], $0xffff;
	[tilespmem:s17+$0xA0] =	vst v2  }
0x3a9: {  	[tilespmem:s17+$0xC0] =	vst v0  }
0x3aa: {  	[tilespmem:s17+$0xE0] =	vst v1  }
0x3ab: {  	[tilespmem:s17+$0x90] =	vst v7  }
0x3ac: {  	[tilespmem:s17+$0xB0] =	vst v62  }
0x3ad: {  	s9 =	simm.s32 $0xE;
	[tilespmem:s17+$0xF0] =	vst v3  }
0x3ae: {  	_ =	swait.ge [sflag:s9], $0x400  }
0x3af: {  	[sflag:s9] =	ssyncset.done $0x0  }
0x3b0: {  	[sflag:s9] =	ssyncadd.s32 $0xFFFFFC00  }
0x3b1: {  	[spmem:s15] =	stream.linear.scatter [tilespmem:s22], [sflag:$0xA], $0x2000, $0x38;
	[tilespmem:$0x1C800] =	vst v63  }
.Ltmp13:
0x3b2: {  	_ = 	snop;
	(pc) =	sbr.rel @p0 .LBB2_24-.Ltmp13, $4  }
0x3b3: {  	_ =	swait.ge [sflag:s10], $0x2000  }
0x3b4: {  	[sflag:s10] =	ssyncset.done $0x0;
	s30 =	rddreg [dreg:$0x1c]  }
0x3b5: {  	[sflag:s10] =	ssyncadd.s32 $0xFFFFE000;
	s9 =	sadd.s32 s19, s30  }
0x3b6: {  	[hbm:s9@s5], [sflag:s26] =	dma.strided [spmem:s29@s18], $0x400, s0, $0x10   }
.Ltmp14:
0x3b7: {  	(pc) =	sbr.rel .LBB2_2-.Ltmp14, $4  }
0x3b8: {  	_ = 	snop  }
0x3b9: {  	s9 =	rddreg [dreg:$0x1d];
	s31 =	simm.s32 $0x200  }
0x3ba: {  	s14 =	simm.s32 $0x400;
	s1 =	sadd.s32 $0x1, s1;
	s3 =	sadd.s32 s3, s9  }
0x3bb: {  	[tilespmem:s2], [sflag:$0x8] =	stream.strided.gather [hbm4b:s3+s31], $0x2000, s14, s31, $0x38;
	[tilespmem:$0x1C800] =	vst v63  }
.LBB2_25:
0x3bc: {  	_ =	sfence.sel $0x180000  }
0x3bd: {  	[bflag:$0x0] =	sbarrier.arrive $0xFFFF  }
0x3be: {  	_ =	strace $0x90000047  }
0x3bf: {  	s0 =	stileid.u32;
	[bflag:$0x2] =	sbarrier.arrive $0xFFFF  }
0x3c0: {  	p0 =	sne.s32 s0, $0x0;
	s0 =	rddreg [dreg:$0x4]  }
0x3c1: {  	s0 =	sadd.s32 @!p0 $0x100000, s0  }
0x3c2: {  	[sflag:s0] =	ssyncadd.tile.s32 @!p0 $0x1;
	_ =	shalt  }
.Lfunc_end2:
_tile_overlayer_lowered:
.L_overlay_start_2:
0x3c3: {  	(tag) =	ssettag $0x2  }
0x3c4: {  	s0 =	rddreg [dreg:$0x0];
	s2 =	stileid.u32  }
0x3c5: {  	s1 =	rddreg [dreg:$0x1];
	p0 =	sne.s32 s2, $0x0  }
0x3c6: {  	s3 =	rddreg [dreg:$0x2];
	[bflag:$0x3] =	sbarrier.arrive $0xFFFF;
	s2 =	simm.s32 @!p0 $0x1C0F  }
0x3c7: {  	[timem:s3], [sflag:s2] =	dma.local @!p0 [hbm:s0], s1  }
0x3c8: {  	s0 =	simm.s32 @!p0 $0xF  }
0x3c9: {  	_ =	swait.ge @!p0 [sflag:s0], s1  }
0x3ca: {  	s1 =	ssub.s32 @!p0 $0x0, s1;
	[sflag:s0] =	ssyncset.done @!p0 $0x0  }
0x3cb: {  	[sflag:s0] =	ssyncadd.s32 @!p0 s1  }
0x3cc: {  	[bflag:$0x3] =	sbarrier.arrive $0xFFFF  }
0x3cd: {  	_ =	shalt  }

</sc_bundles>
